<compile_context>
chip_gen: v7x
topology: tpu7x:2x2x1
jax: 0.10.2.dev20260603
libtpu: 0.0.44.dev20260713+nightly
codegen_flags: <defaults>
</compile_context>

<pallas_src>
import functools

import jax
import jax.numpy as jnp
from jax import lax
from jax.experimental import pallas as pl
from jax.experimental.pallas import tpu as pltpu
from jax.experimental.pallas import tpu_sc as plsc

_NC = 2
_NS = 16
_NT = _NC * _NS
_CH = 128
_LANES = 16


def _sc_mesh():
    return plsc.VectorSubcoreMesh(core_axis_name="c", subcore_axis_name="s")


def _sc_pass(src, dst, u, fill, n_pad, cpt, gather):
    rpt = n_pad // _NS
    nb = 4
    assert cpt % nb == 0
    scratch = [
        pltpu.VMEM((cpt, _CH), jnp.int32),
        pltpu.VMEM((nb, _CH, _LANES), jnp.float32),
        pltpu.VMEM_SHARED((n_pad, _LANES), jnp.float32),
        pltpu.SemaphoreType.DMA((nb,)),
        pltpu.SemaphoreType.DMA((nb,)),
    ]
    if gather:
        scratch.insert(0, pltpu.VMEM((cpt, _CH), jnp.int32))
        scratch.insert(3, pltpu.VMEM_SHARED((n_pad, _LANES), jnp.float32))
    scratch.append(pltpu.SemaphoreType.DMA((3,)))

    def body(*refs):
        if gather:
            (src_hbm, dst_hbm, u_hbm, fill_hbm, out_hbm,
             src_v, dst_v, rows_v, u_sh, acc_sh, gsem, ssem, psem) = refs
        else:
            (dst_hbm, fill_hbm, out_hbm, dst_v, rows_v, acc_sh,
             gsem, ssem, psem) = refs
        c = lax.axis_index("c")
        s = lax.axis_index("s")
        wid = c * _NS + s

        if gather:
            idx_d = pltpu.async_copy(dst_hbm.at[pl.ds(wid * cpt, cpt)],
                                     dst_v, psem.at[0])
            idx_s = pltpu.async_copy(src_hbm.at[pl.ds(wid * cpt, cpt)],
                                     src_v, psem.at[1])
            stage_u = pltpu.async_copy(u_hbm.at[pl.ds(s * rpt, rpt)],
                                       u_sh.at[pl.ds(s * rpt, rpt)],
                                       psem.at[2])
        else:
            idx_d = pltpu.async_copy(dst_hbm.at[pl.ds(wid * cpt, cpt)],
                                     dst_v, psem.at[0])

        pltpu.sync_copy(fill_hbm.at[0], rows_v.at[0])

        @pl.loop(0, rpt // _CH)
        def _(i):
            pltpu.sync_copy(rows_v.at[0],
                            acc_sh.at[pl.ds(s * rpt + i * _CH, _CH)])

        if gather:
            idx_d.wait()
            idx_s.wait()
            stage_u.wait()
        else:
            for b in range(nb):
                pltpu.sync_copy(fill_hbm.at[1], rows_v.at[b])
            idx_d.wait()
        plsc.subcore_barrier()

        if gather:
            for b in range(nb):
                pltpu.async_copy(u_sh.at[src_v.at[b]], rows_v.at[b],
                                 gsem.at[b])

            @pl.loop(0, cpt // nb)
            def _(t):
                j0 = t * nb
                for b in range(nb):
                    pltpu.make_async_copy(u_sh.at[src_v.at[j0 + b]],
                                          rows_v.at[b], gsem.at[b]).wait()
                    pltpu.async_copy(rows_v.at[b],
                                     acc_sh.at[dst_v.at[j0 + b]],
                                     ssem.at[b], add=True)
                for b in range(nb):
                    jn = jnp.minimum(j0 + b + nb, cpt - 1)
                    pltpu.make_async_copy(rows_v.at[b],
                                          acc_sh.at[dst_v.at[j0 + b]],
                                          ssem.at[b]).wait()
                    pltpu.async_copy(u_sh.at[src_v.at[jn]], rows_v.at[b],
                                     gsem.at[b])

            for b in range(nb):
                pltpu.make_async_copy(u_sh.at[src_v.at[0]], rows_v.at[b],
                                      gsem.at[b]).wait()
        else:
            for b in range(nb):
                pltpu.async_copy(rows_v.at[b], acc_sh.at[dst_v.at[b]],
                                 ssem.at[b], add=True)

            @pl.loop(1, cpt // nb)
            def _(t):
                for b in range(nb):
                    pltpu.make_async_copy(rows_v.at[b],
                                          acc_sh.at[dst_v.at[b]],
                                          ssem.at[b]).wait()
                    pltpu.async_copy(rows_v.at[b],
                                     acc_sh.at[dst_v.at[t * nb + b]],
                                     ssem.at[b], add=True)

            for b in range(nb):
                pltpu.make_async_copy(rows_v.at[b], acc_sh.at[dst_v.at[0]],
                                      ssem.at[b]).wait()

        plsc.subcore_barrier()
        pltpu.sync_copy(acc_sh.at[pl.ds(s * rpt, rpt)],
                        out_hbm.at[c, pl.ds(s * rpt, rpt)])

    k = pl.kernel(
        body,
        out_type=jax.ShapeDtypeStruct((_NC, n_pad, _LANES), jnp.float32),
        mesh=_sc_mesh(),
        scratch_types=scratch,
        compiler_params=pltpu.CompilerParams(use_tc_tiling_on_sc=False),
    )
    if gather:
        return k(src, dst, u, fill)
    return k(dst, fill)


def _tc_a_body(x_ref, w_ref, d0_ref, d1_ref, u_ref, dv_ref):
    deg = d0_ref[...] + d1_ref[...] + 1.0
    dinv = lax.rsqrt(deg)
    h = jnp.dot(x_ref[...], w_ref[...], preferred_element_type=jnp.float32)
    u_ref[...] = dinv * h
    dv_ref[...] = dinv


def _tc_b_body(s0_ref, s1_ref, u1_ref, dv_ref, b1_ref, u2_ref):
    dv = dv_ref[...]
    z = dv * (s0_ref[...] + s1_ref[...] + u1_ref[...]) + b1_ref[...][0][None, :]
    u2_ref[...] = dv * jnp.maximum(z, 0.0)


def _tc_c_body(s0_ref, s1_ref, u2_ref, dv_ref, w2_ref, b2_ref, o_ref):
    agg = dv_ref[...] * (s0_ref[...] + s1_ref[...] + u2_ref[...])
    y = jnp.dot(agg, w2_ref[...], preferred_element_type=jnp.float32)
    y = y + b2_ref[...][0][None, :]
    m = jnp.max(y, axis=1, keepdims=True)
    lse = jnp.log(jnp.sum(jnp.exp(y - m), axis=1, keepdims=True)) + m
    o_ref[...] = y - lse


def kernel(x, edge_index, W1, b1, W2, b2):
    n, din = x.shape
    e = edge_index.shape[1]
    h = W1.shape[1]
    dout = W2.shape[1]
    assert h == _LANES

    n_pad = -(-n // (_NS * _CH)) * (_NS * _CH)
    cpt = -(-(-(-e // (_NT * _CH))) // 16) * 16
    e_pad = _NT * cpt * _CH

    trash = n + jnp.arange(e_pad - e, dtype=jnp.int32) % (n_pad - n)
    src = jnp.concatenate([edge_index[0], trash]).reshape(_NT * cpt, _CH)
    dst = jnp.concatenate([edge_index[1], trash]).reshape(_NT * cpt, _CH)
    fill = jnp.stack([jnp.zeros((_CH, _LANES), jnp.float32),
                      jnp.ones((_CH, _LANES), jnp.float32)])

    br = 1024
    grid = (n_pad // br,)
    row_spec = pl.BlockSpec((br, _LANES), lambda i: (i, 0))

    degp = _sc_pass(None, dst, None, fill, n_pad, cpt, gather=False)

    u1, dv = pl.pallas_call(
        _tc_a_body,
        grid=grid,
        in_specs=[pl.BlockSpec((br, din), lambda i: (i, 0)),
                  pl.BlockSpec((din, h), lambda i: (0, 0)),
                  row_spec, row_spec],
        out_specs=[row_spec, row_spec],
        out_shape=[jax.ShapeDtypeStruct((n_pad, h), jnp.float32),
                   jax.ShapeDtypeStruct((n_pad, h), jnp.float32)],
    )(x, W1, degp[0], degp[1])

    s1p = _sc_pass(src, dst, u1, fill, n_pad, cpt, gather=True)

    u2 = pl.pallas_call(
        _tc_b_body,
        grid=grid,
        in_specs=[row_spec, row_spec, row_spec, row_spec,
                  pl.BlockSpec((8, h), lambda i: (0, 0))],
        out_specs=row_spec,
        out_shape=jax.ShapeDtypeStruct((n_pad, h), jnp.float32),
    )(s1p[0], s1p[1], u1, dv, jnp.broadcast_to(b1, (8, h)))

    s2p = _sc_pass(src, dst, u2, fill, n_pad, cpt, gather=True)

    out = pl.pallas_call(
        _tc_c_body,
        grid=grid,
        in_specs=[row_spec, row_spec, row_spec, row_spec,
                  pl.BlockSpec((h, dout), lambda i: (0, 0)),
                  pl.BlockSpec((8, dout), lambda i: (0, 0))],
        out_specs=pl.BlockSpec((br, dout), lambda i: (i, 0)),
        out_shape=jax.ShapeDtypeStruct((n_pad, dout), jnp.float32),
    )(s2p[0], s2p[1], u2, dv, W2, jnp.broadcast_to(b2, (8, dout)))

    return out[:n]

# --- scband reference (transcript-rebuilt; emitter-appended) ---
"""Pipeline reference for scband-simple-gcn-34368328303115 (READ-ONLY COPY).

The authoritative reference and input builder live on the scoring server;
editing this copy changes nothing except your own understanding.
"""

import jax, jax.numpy as jnp
import numpy as np


def gcn_conv(x, edge_index, W, b):
    N = x.shape[0]
    loop = jnp.arange(N, dtype=edge_index.dtype)
    src = jnp.concatenate([edge_index[0], loop])
    dst = jnp.concatenate([edge_index[1], loop])
    deg = jax.ops.segment_sum(jnp.ones(src.shape[0], dtype=x.dtype), dst, num_segments=N)
    dinv = jnp.where(deg > 0, 1.0 / jnp.sqrt(deg), 0.0)
    norm = dinv[src] * dinv[dst]
    h = x @ W
    msg = h[src] * norm[:, None]
    out = jax.ops.segment_sum(msg, dst, num_segments=N)
    return out + b


def setup_inputs(seed: int = 0) -> dict:
    key = jax.random.key(seed)
    k1, k2, k3, k4, k5, k6 = jax.random.split(key, 6)
    N, E, Din, H, Dout = 10000, 320000, 128, 16, 40
    x = jax.random.normal(k1, (N, Din), dtype=jnp.float32)
    edge_index = jax.random.randint(k2, (2, E), 0, N, dtype=jnp.int32)
    W1 = jax.random.normal(k3, (Din, H), dtype=jnp.float32) * (1.0 / np.sqrt(Din))
    b1 = jnp.zeros((H,), dtype=jnp.float32)
    W2 = jax.random.normal(k4, (H, Dout), dtype=jnp.float32) * (1.0 / np.sqrt(H))
    b2 = jnp.zeros((Dout,), dtype=jnp.float32)
    return {"x": x, "edge_index": edge_index, "W1": W1, "b1": b1, "W2": W2, "b2": b2}


def reference(x, edge_index, W1, b1, W2, b2):
    # conv1 -> relu -> (dropout is identity in eval mode) -> conv2 -> log_softmax
    h = jax.nn.relu(gcn_conv(x, edge_index, W1, b1))
    out = gcn_conv(h, edge_index, W2, b2)
    return jax.nn.log_softmax(out, axis=1)

if __name__ == "__main__":
    import jax
    _d = setup_inputs()
    print(jax.jit(kernel)(*tuple(_d.values())))

</pallas_src>

<mosaic_0001>
#map = affine_map<(d0, d1) -> (0, 0)>
#map1 = affine_map<(d0, d1) -> (0, 0, 0)>
module attributes {stable_mosaic.version = 14 : i64} {
  func.func @body(%arg0: i32, %arg1: i32, %arg2: memref<2560x128xi32, #tpu.memory_space<hbm>>, %arg3: memref<2560x128xi32, #tpu.memory_space<hbm>>, %arg4: memref<10240x16xf32, #tpu.memory_space<hbm>>, %arg5: memref<2x128x16xf32, #tpu.memory_space<hbm>>, %arg6: memref<2x10240x16xf32, #tpu.memory_space<hbm>>, %arg7: memref<80x128xi32, #tpu.memory_space<vmem>>, %arg8: memref<80x128xi32, #tpu.memory_space<vmem>>, %arg9: memref<4x128x16xf32, #tpu.memory_space<vmem>>, %arg10: memref<10240x16xf32, #tpu.memory_space<vmem_shared>>, %arg11: memref<10240x16xf32, #tpu.memory_space<vmem_shared>>, %arg12: memref<4x!tpu.dma_semaphore, #tpu.memory_space<semaphore_mem>>, %arg13: memref<4x!tpu.dma_semaphore, #tpu.memory_space<semaphore_mem>>, %arg14: memref<3x!tpu.dma_semaphore, #tpu.memory_space<semaphore_mem>>) attributes {dimension_semantics = [#tpu.dimension_semantics<core_parallel>, #tpu.dimension_semantics<subcore_parallel>], iteration_bounds = array<i64: 2, 16>, scalar_prefetch = 0 : i64, scratch_operands = 8 : i64, tpu.core_type = #tpu.core_type<sc_vector_subcore>, window_params = [{transform_indices = #map}, {transform_indices = #map}, {transform_indices = #map}, {transform_indices = #map1}, {transform_indices = #map1}]} {
    %mul3A = arith.constant 16 : i32
    %mul3A_0 = arith.muli %arg0, %mul3A : i32
    %add3A = arith.addi %mul3A_0, %arg1 : i32
    %mul3A_1 = arith.constant 80 : i32
    %mul3A_2 = arith.muli %add3A, %mul3A_1 : i32
    %dma_start3A = arith.constant 0 : i32
    %dma_start3A_3 = arith.constant 0 : i32
    %dma_start3A_4 = tpu.memref_slice %arg3[%mul3A_2, %dma_start3A_3] : memref<2560x128xi32, #tpu.memory_space<hbm>> -> memref<80x128xi32, #tpu.memory_space<hbm>>
    %dma_start3A_5 = tpu.memref_slice %arg14[%dma_start3A] : memref<3x!tpu.dma_semaphore, #tpu.memory_space<semaphore_mem>> -> memref<1x!tpu.dma_semaphore, #tpu.memory_space<semaphore_mem>>
    %dma_start3A_6 = tpu.memref_squeeze %dma_start3A_5 : memref<1x!tpu.dma_semaphore, #tpu.memory_space<semaphore_mem>> -> memref<!tpu.dma_semaphore, #tpu.memory_space<semaphore_mem>>
    %dma_start3A_7 = arith.constant 0 : i32
    %dma_start3A_8 = tpu.memref_slice %arg3[%mul3A_2, %dma_start3A_7] : memref<2560x128xi32, #tpu.memory_space<hbm>> -> memref<80x128xi32, #tpu.memory_space<hbm>>
    tpu.enqueue_dma source(%dma_start3A_8 : memref<80x128xi32, #tpu.memory_space<hbm>>) target(%arg8 : memref<80x128xi32, #tpu.memory_space<vmem>>) target_semaphore(%dma_start3A_6 : memref<!tpu.dma_semaphore, #tpu.memory_space<semaphore_mem>>)
    %mul3A_9 = arith.constant 80 : i32
    %mul3A_10 = arith.muli %add3A, %mul3A_9 : i32
    %dma_start3A_11 = arith.constant 1 : i32
    %dma_start3A_12 = arith.constant 0 : i32
    %dma_start3A_13 = tpu.memref_slice %arg2[%mul3A_10, %dma_start3A_12] : memref<2560x128xi32, #tpu.memory_space<hbm>> -> memref<80x128xi32, #tpu.memory_space<hbm>>
    %dma_start3A_14 = tpu.memref_slice %arg14[%dma_start3A_11] : memref<3x!tpu.dma_semaphore, #tpu.memory_space<semaphore_mem>> -> memref<1x!tpu.dma_semaphore, #tpu.memory_space<semaphore_mem>>
    %dma_start3A_15 = tpu.memref_squeeze %dma_start3A_14 : memref<1x!tpu.dma_semaphore, #tpu.memory_space<semaphore_mem>> -> memref<!tpu.dma_semaphore, #tpu.memory_space<semaphore_mem>>
    %dma_start3A_16 = arith.constant 0 : i32
    %dma_start3A_17 = tpu.memref_slice %arg2[%mul3A_10, %dma_start3A_16] : memref<2560x128xi32, #tpu.memory_space<hbm>> -> memref<80x128xi32, #tpu.memory_space<hbm>>
    tpu.enqueue_dma source(%dma_start3A_17 : memref<80x128xi32, #tpu.memory_space<hbm>>) target(%arg7 : memref<80x128xi32, #tpu.memory_space<vmem>>) target_semaphore(%dma_start3A_15 : memref<!tpu.dma_semaphore, #tpu.memory_space<semaphore_mem>>)
    %mul3A_18 = arith.constant 640 : i32
    %mul3A_19 = arith.muli %arg1, %mul3A_18 : i32
    %mul3A_20 = arith.constant 640 : i32
    %mul3A_21 = arith.muli %arg1, %mul3A_20 : i32
    %dma_start3A_22 = arith.constant 2 : i32
    %dma_start3A_23 = tpu.memref_slice %arg14[%dma_start3A_22] : memref<3x!tpu.dma_semaphore, #tpu.memory_space<semaphore_mem>> -> memref<1x!tpu.dma_semaphore, #tpu.memory_space<semaphore_mem>>
    %dma_start3A_24 = tpu.memref_squeeze %dma_start3A_23 : memref<1x!tpu.dma_semaphore, #tpu.memory_space<semaphore_mem>> -> memref<!tpu.dma_semaphore, #tpu.memory_space<semaphore_mem>>
    %dma_start3A_25 = arith.constant 0 : i32
    %dma_start3A_26 = tpu.memref_slice %arg10[%mul3A_21, %dma_start3A_25] : memref<10240x16xf32, #tpu.memory_space<vmem_shared>> -> memref<640x16xf32, #tpu.memory_space<vmem_shared>>
    %dma_start3A_27 = arith.constant 0 : i32
    %dma_start3A_28 = tpu.memref_slice %arg4[%mul3A_19, %dma_start3A_27] : memref<10240x16xf32, #tpu.memory_space<hbm>> -> memref<640x16xf32, #tpu.memory_space<hbm>>
    tpu.enqueue_dma source(%dma_start3A_28 : memref<640x16xf32, #tpu.memory_space<hbm>>) target(%dma_start3A_26 : memref<640x16xf32, #tpu.memory_space<vmem_shared>>) target_semaphore(%dma_start3A_24 : memref<!tpu.dma_semaphore, #tpu.memory_space<semaphore_mem>>)
    %run_scoped3A = arith.constant 0 : i32
    %run_scoped3A_29 = arith.constant 0 : i32
    "tpu.region"() ({
      %run_scoped3A_184 = tpu.sem_alloc : memref<!tpu.dma_semaphore, #tpu.memory_space<semaphore_mem>>
      %dma_start3A_185 = arith.constant 0 : i32
      %dma_start3A_186 = arith.constant 0 : i32
      %dma_start3A_187 = tpu.memref_slice %arg9[%run_scoped3A_29, %dma_start3A_185, %dma_start3A_186] : memref<4x128x16xf32, #tpu.memory_space<vmem>> -> memref<1x128x16xf32, #tpu.memory_space<vmem>>
      %dma_start3A_188 = tpu.memref_squeeze %dma_start3A_187 : memref<1x128x16xf32, #tpu.memory_space<vmem>> -> memref<128x16xf32, #tpu.memory_space<vmem>>
      %dma_start3A_189 = arith.constant 0 : i32
      %dma_start3A_190 = arith.constant 0 : i32
      %dma_start3A_191 = tpu.memref_slice %arg5[%run_scoped3A, %dma_start3A_189, %dma_start3A_190] : memref<2x128x16xf32, #tpu.memory_space<hbm>> -> memref<1x128x16xf32, #tpu.memory_space<hbm>>
      %dma_start3A_192 = tpu.memref_squeeze %dma_start3A_191 : memref<1x128x16xf32, #tpu.memory_space<hbm>> -> memref<128x16xf32, #tpu.memory_space<hbm>>
      %dma_start3A_193 = arith.constant 0 : i32
      %dma_start3A_194 = arith.constant 0 : i32
      %dma_start3A_195 = tpu.memref_slice %arg9[%run_scoped3A_29, %dma_start3A_193, %dma_start3A_194] : memref<4x128x16xf32, #tpu.memory_space<vmem>> -> memref<1x128x16xf32, #tpu.memory_space<vmem>>
      %dma_start3A_196 = tpu.memref_squeeze %dma_start3A_195 : memref<1x128x16xf32, #tpu.memory_space<vmem>> -> memref<128x16xf32, #tpu.memory_space<vmem>>
      %dma_start3A_197 = arith.constant 0 : i32
      %dma_start3A_198 = arith.constant 0 : i32
      %dma_start3A_199 = tpu.memref_slice %arg5[%run_scoped3A, %dma_start3A_197, %dma_start3A_198] : memref<2x128x16xf32, #tpu.memory_space<hbm>> -> memref<1x128x16xf32, #tpu.memory_space<hbm>>
      %dma_start3A_200 = tpu.memref_squeeze %dma_start3A_199 : memref<1x128x16xf32, #tpu.memory_space<hbm>> -> memref<128x16xf32, #tpu.memory_space<hbm>>
      tpu.enqueue_dma source(%dma_start3A_200 : memref<128x16xf32, #tpu.memory_space<hbm>>) target(%dma_start3A_196 : memref<128x16xf32, #tpu.memory_space<vmem>>) target_semaphore(%run_scoped3A_184 : memref<!tpu.dma_semaphore, #tpu.memory_space<semaphore_mem>>)
      %dma_wait3A_201 = arith.constant 0 : i32
      %dma_wait3A_202 = arith.constant 0 : i32
      %dma_wait3A_203 = tpu.memref_slice %arg9[%run_scoped3A_29, %dma_wait3A_201, %dma_wait3A_202] : memref<4x128x16xf32, #tpu.memory_space<vmem>> -> memref<1x128x16xf32, #tpu.memory_space<vmem>>
      %dma_wait3A_204 = tpu.memref_squeeze %dma_wait3A_203 : memref<1x128x16xf32, #tpu.memory_space<vmem>> -> memref<128x16xf32, #tpu.memory_space<vmem>>
      %dma_wait3A_205 = arith.constant 0 : i32
      %dma_wait3A_206 = arith.constant 0 : i32
      %dma_wait3A_207 = tpu.memref_slice %arg5[%run_scoped3A, %dma_wait3A_205, %dma_wait3A_206] : memref<2x128x16xf32, #tpu.memory_space<hbm>> -> memref<1x128x16xf32, #tpu.memory_space<hbm>>
      %dma_wait3A_208 = tpu.memref_squeeze %dma_wait3A_207 : memref<1x128x16xf32, #tpu.memory_space<hbm>> -> memref<128x16xf32, #tpu.memory_space<hbm>>
      %dma_wait3A_209 = arith.constant 0 : i32
      %dma_wait3A_210 = arith.constant 0 : i32
      %dma_wait3A_211 = tpu.memref_slice %arg9[%run_scoped3A_29, %dma_wait3A_209, %dma_wait3A_210] : memref<4x128x16xf32, #tpu.memory_space<vmem>> -> memref<1x128x16xf32, #tpu.memory_space<vmem>>
      %dma_wait3A_212 = tpu.memref_squeeze %dma_wait3A_211 : memref<1x128x16xf32, #tpu.memory_space<vmem>> -> memref<128x16xf32, #tpu.memory_space<vmem>>
      %dma_wait3A_213 = arith.constant 0 : i32
      %dma_wait3A_214 = arith.constant 0 : i32
      %dma_wait3A_215 = tpu.memref_slice %arg5[%run_scoped3A, %dma_wait3A_213, %dma_wait3A_214] : memref<2x128x16xf32, #tpu.memory_space<hbm>> -> memref<1x128x16xf32, #tpu.memory_space<hbm>>
      %dma_wait3A_216 = tpu.memref_squeeze %dma_wait3A_215 : memref<1x128x16xf32, #tpu.memory_space<hbm>> -> memref<128x16xf32, #tpu.memory_space<hbm>>
      tpu.wait_dma2 semaphore(%run_scoped3A_184 : memref<!tpu.dma_semaphore, #tpu.memory_space<semaphore_mem>>) src(%dma_wait3A_216 : memref<128x16xf32, #tpu.memory_space<hbm>>) dst(%dma_wait3A_212 : memref<128x16xf32, #tpu.memory_space<vmem>>)
      tpu.yield
    }) : () -> ()
    %scan3A = arith.constant 0 : i32
    %scan3A_30 = arith.constant 5 : i32
    %scan3A_31 = arith.addi %scan3A, %scan3A_30 : i32
    %scan3A_32 = arith.constant 1 : i32
    scf.for %scan3A_184 = %scan3A to %scan3A_31 step %scan3A_32  : i32 {
      %mul3A_185 = arith.constant 1 : i32
      %mul3A_186 = arith.muli %scan3A_184, %mul3A_185 : i32
      %add3A_187 = arith.constant 0 : i32
      %add3A_188 = arith.addi %add3A_187, %mul3A_186 : i32
      %mul3A_189 = arith.constant 640 : i32
      %mul3A_190 = arith.muli %arg1, %mul3A_189 : i32
      %mul3A_191 = arith.constant 128 : i32
      %mul3A_192 = arith.muli %add3A_188, %mul3A_191 : i32
      %add3A_193 = arith.addi %mul3A_190, %mul3A_192 : i32
      %run_scoped3A_194 = arith.constant 0 : i32
      "tpu.region"() ({
        %run_scoped3A_195 = tpu.sem_alloc : memref<!tpu.dma_semaphore, #tpu.memory_space<semaphore_mem>>
        %dma_start3A_196 = arith.constant 0 : i32
        %dma_start3A_197 = arith.constant 0 : i32
        %dma_start3A_198 = tpu.memref_slice %arg9[%run_scoped3A_194, %dma_start3A_196, %dma_start3A_197] : memref<4x128x16xf32, #tpu.memory_space<vmem>> -> memref<1x128x16xf32, #tpu.memory_space<vmem>>
        %dma_start3A_199 = tpu.memref_squeeze %dma_start3A_198 : memref<1x128x16xf32, #tpu.memory_space<vmem>> -> memref<128x16xf32, #tpu.memory_space<vmem>>
        %dma_start3A_200 = arith.constant 0 : i32
        %dma_start3A_201 = tpu.memref_slice %arg11[%add3A_193, %dma_start3A_200] : memref<10240x16xf32, #tpu.memory_space<vmem_shared>> -> memref<128x16xf32, #tpu.memory_space<vmem_shared>>
        %dma_start3A_202 = arith.constant 0 : i32
        %dma_start3A_203 = tpu.memref_slice %arg11[%add3A_193, %dma_start3A_202] : memref<10240x16xf32, #tpu.memory_space<vmem_shared>> -> memref<128x16xf32, #tpu.memory_space<vmem_shared>>
        %dma_start3A_204 = arith.constant 0 : i32
        %dma_start3A_205 = arith.constant 0 : i32
        %dma_start3A_206 = tpu.memref_slice %arg9[%run_scoped3A_194, %dma_start3A_204, %dma_start3A_205] : memref<4x128x16xf32, #tpu.memory_space<vmem>> -> memref<1x128x16xf32, #tpu.memory_space<vmem>>
        %dma_start3A_207 = tpu.memref_squeeze %dma_start3A_206 : memref<1x128x16xf32, #tpu.memory_space<vmem>> -> memref<128x16xf32, #tpu.memory_space<vmem>>
        tpu.enqueue_dma source(%dma_start3A_207 : memref<128x16xf32, #tpu.memory_space<vmem>>) target(%dma_start3A_203 : memref<128x16xf32, #tpu.memory_space<vmem_shared>>) target_semaphore(%run_scoped3A_195 : memref<!tpu.dma_semaphore, #tpu.memory_space<semaphore_mem>>)
        %dma_wait3A_208 = arith.constant 0 : i32
        %dma_wait3A_209 = arith.constant 0 : i32
        %dma_wait3A_210 = tpu.memref_slice %arg9[%run_scoped3A_194, %dma_wait3A_208, %dma_wait3A_209] : memref<4x128x16xf32, #tpu.memory_space<vmem>> -> memref<1x128x16xf32, #tpu.memory_space<vmem>>
        %dma_wait3A_211 = tpu.memref_squeeze %dma_wait3A_210 : memref<1x128x16xf32, #tpu.memory_space<vmem>> -> memref<128x16xf32, #tpu.memory_space<vmem>>
        %dma_wait3A_212 = arith.constant 0 : i32
        %dma_wait3A_213 = tpu.memref_slice %arg11[%add3A_193, %dma_wait3A_212] : memref<10240x16xf32, #tpu.memory_space<vmem_shared>> -> memref<128x16xf32, #tpu.memory_space<vmem_shared>>
        %dma_wait3A_214 = arith.constant 0 : i32
        %dma_wait3A_215 = tpu.memref_slice %arg11[%add3A_193, %dma_wait3A_214] : memref<10240x16xf32, #tpu.memory_space<vmem_shared>> -> memref<128x16xf32, #tpu.memory_space<vmem_shared>>
        %dma_wait3A_216 = arith.constant 0 : i32
        %dma_wait3A_217 = arith.constant 0 : i32
        %dma_wait3A_218 = tpu.memref_slice %arg9[%run_scoped3A_194, %dma_wait3A_216, %dma_wait3A_217] : memref<4x128x16xf32, #tpu.memory_space<vmem>> -> memref<1x128x16xf32, #tpu.memory_space<vmem>>
        %dma_wait3A_219 = tpu.memref_squeeze %dma_wait3A_218 : memref<1x128x16xf32, #tpu.memory_space<vmem>> -> memref<128x16xf32, #tpu.memory_space<vmem>>
        tpu.wait_dma2 semaphore(%run_scoped3A_195 : memref<!tpu.dma_semaphore, #tpu.memory_space<semaphore_mem>>) src(%dma_wait3A_219 : memref<128x16xf32, #tpu.memory_space<vmem>>) dst(%dma_wait3A_215 : memref<128x16xf32, #tpu.memory_space<vmem_shared>>)
        tpu.yield
      }) : () -> ()
    }
    %scan3A_33 = arith.constant 5 : i32
    %dma_wait3A = arith.constant 0 : i32
    %dma_wait3A_34 = arith.constant 0 : i32
    %dma_wait3A_35 = tpu.memref_slice %arg3[%mul3A_2, %dma_wait3A_34] : memref<2560x128xi32, #tpu.memory_space<hbm>> -> memref<80x128xi32, #tpu.memory_space<hbm>>
    %dma_wait3A_36 = tpu.memref_slice %arg14[%dma_wait3A] : memref<3x!tpu.dma_semaphore, #tpu.memory_space<semaphore_mem>> -> memref<1x!tpu.dma_semaphore, #tpu.memory_space<semaphore_mem>>
    %dma_wait3A_37 = tpu.memref_squeeze %dma_wait3A_36 : memref<1x!tpu.dma_semaphore, #tpu.memory_space<semaphore_mem>> -> memref<!tpu.dma_semaphore, #tpu.memory_space<semaphore_mem>>
    %dma_wait3A_38 = arith.constant 0 : i32
    %dma_wait3A_39 = tpu.memref_slice %arg3[%mul3A_2, %dma_wait3A_38] : memref<2560x128xi32, #tpu.memory_space<hbm>> -> memref<80x128xi32, #tpu.memory_space<hbm>>
    tpu.wait_dma2 semaphore(%dma_wait3A_37 : memref<!tpu.dma_semaphore, #tpu.memory_space<semaphore_mem>>) src(%dma_wait3A_39 : memref<80x128xi32, #tpu.memory_space<hbm>>) dst(%arg8 : memref<80x128xi32, #tpu.memory_space<vmem>>)
    %dma_wait3A_40 = arith.constant 1 : i32
    %dma_wait3A_41 = arith.constant 0 : i32
    %dma_wait3A_42 = tpu.memref_slice %arg2[%mul3A_10, %dma_wait3A_41] : memref<2560x128xi32, #tpu.memory_space<hbm>> -> memref<80x128xi32, #tpu.memory_space<hbm>>
    %dma_wait3A_43 = tpu.memref_slice %arg14[%dma_wait3A_40] : memref<3x!tpu.dma_semaphore, #tpu.memory_space<semaphore_mem>> -> memref<1x!tpu.dma_semaphore, #tpu.memory_space<semaphore_mem>>
    %dma_wait3A_44 = tpu.memref_squeeze %dma_wait3A_43 : memref<1x!tpu.dma_semaphore, #tpu.memory_space<semaphore_mem>> -> memref<!tpu.dma_semaphore, #tpu.memory_space<semaphore_mem>>
    %dma_wait3A_45 = arith.constant 0 : i32
    %dma_wait3A_46 = tpu.memref_slice %arg2[%mul3A_10, %dma_wait3A_45] : memref<2560x128xi32, #tpu.memory_space<hbm>> -> memref<80x128xi32, #tpu.memory_space<hbm>>
    tpu.wait_dma2 semaphore(%dma_wait3A_44 : memref<!tpu.dma_semaphore, #tpu.memory_space<semaphore_mem>>) src(%dma_wait3A_46 : memref<80x128xi32, #tpu.memory_space<hbm>>) dst(%arg7 : memref<80x128xi32, #tpu.memory_space<vmem>>)
    %dma_wait3A_47 = arith.constant 2 : i32
    %dma_wait3A_48 = tpu.memref_slice %arg14[%dma_wait3A_47] : memref<3x!tpu.dma_semaphore, #tpu.memory_space<semaphore_mem>> -> memref<1x!tpu.dma_semaphore, #tpu.memory_space<semaphore_mem>>
    %dma_wait3A_49 = tpu.memref_squeeze %dma_wait3A_48 : memref<1x!tpu.dma_semaphore, #tpu.memory_space<semaphore_mem>> -> memref<!tpu.dma_semaphore, #tpu.memory_space<semaphore_mem>>
    %dma_wait3A_50 = arith.constant 0 : i32
    %dma_wait3A_51 = tpu.memref_slice %arg10[%mul3A_21, %dma_wait3A_50] : memref<10240x16xf32, #tpu.memory_space<vmem_shared>> -> memref<640x16xf32, #tpu.memory_space<vmem_shared>>
    %dma_wait3A_52 = arith.constant 0 : i32
    %dma_wait3A_53 = tpu.memref_slice %arg4[%mul3A_19, %dma_wait3A_52] : memref<10240x16xf32, #tpu.memory_space<hbm>> -> memref<640x16xf32, #tpu.memory_space<hbm>>
    tpu.wait_dma2 semaphore(%dma_wait3A_49 : memref<!tpu.dma_semaphore, #tpu.memory_space<semaphore_mem>>) src(%dma_wait3A_53 : memref<640x16xf32, #tpu.memory_space<hbm>>) dst(%dma_wait3A_51 : memref<640x16xf32, #tpu.memory_space<vmem_shared>>)
    %barrier3A = arith.constant 0 : index
    tpu.barrier barrier_id(%barrier3A)
    %dma_start3A_54 = arith.constant 0 : i32
    %dma_start3A_55 = arith.constant 0 : i32
    %dma_start3A_56 = arith.constant 0 : i32
    %dma_start3A_57 = arith.constant 0 : i32
    %dma_start3A_58 = arith.constant 0 : i32
    %dma_start3A_59 = tpu.memref_slice %arg9[%dma_start3A_55, %dma_start3A_57, %dma_start3A_58] : memref<4x128x16xf32, #tpu.memory_space<vmem>> -> memref<1x128x16xf32, #tpu.memory_space<vmem>>
    %dma_start3A_60 = tpu.memref_squeeze %dma_start3A_59 : memref<1x128x16xf32, #tpu.memory_space<vmem>> -> memref<128x16xf32, #tpu.memory_space<vmem>>
    %dma_start3A_61 = arith.constant 0 : i32
    %dma_start3A_62 = tpu.memref_slice %arg7[%dma_start3A_54, %dma_start3A_61] : memref<80x128xi32, #tpu.memory_space<vmem>> -> memref<1x128xi32, #tpu.memory_space<vmem>>
    %dma_start3A_63 = tpu.memref_squeeze %dma_start3A_62 : memref<1x128xi32, #tpu.memory_space<vmem>> -> memref<128xi32, #tpu.memory_space<vmem>>
    %dma_start3A_64 = arith.constant 0 : i32
    %dma_start3A_65 = arith.constant 0 : i32
    %dma_start3A_66 = tpu.memref_slice %arg10[%dma_start3A_64, %dma_start3A_65] : memref<10240x16xf32, #tpu.memory_space<vmem_shared>> -> memref<10240x16xf32, #tpu.memory_space<vmem_shared>>
    %dma_start3A_67 = tpu.memref_slice %arg12[%dma_start3A_56] : memref<4x!tpu.dma_semaphore, #tpu.memory_space<semaphore_mem>> -> memref<1x!tpu.dma_semaphore, #tpu.memory_space<semaphore_mem>>
    %dma_start3A_68 = tpu.memref_squeeze %dma_start3A_67 : memref<1x!tpu.dma_semaphore, #tpu.memory_space<semaphore_mem>> -> memref<!tpu.dma_semaphore, #tpu.memory_space<semaphore_mem>>
    tpu.enqueue_indirect_dma source(%dma_start3A_66 : memref<10240x16xf32, #tpu.memory_space<vmem_shared>>) target(%dma_start3A_60 : memref<128x16xf32, #tpu.memory_space<vmem>>) offsets(%dma_start3A_63 : memref<128xi32, #tpu.memory_space<vmem>>) semaphore(%dma_start3A_68 : memref<!tpu.dma_semaphore, #tpu.memory_space<semaphore_mem>>)
    %dma_start3A_69 = arith.constant 1 : i32
    %dma_start3A_70 = arith.constant 1 : i32
    %dma_start3A_71 = arith.constant 1 : i32
    %dma_start3A_72 = arith.constant 0 : i32
    %dma_start3A_73 = arith.constant 0 : i32
    %dma_start3A_74 = tpu.memref_slice %arg9[%dma_start3A_70, %dma_start3A_72, %dma_start3A_73] : memref<4x128x16xf32, #tpu.memory_space<vmem>> -> memref<1x128x16xf32, #tpu.memory_space<vmem>>
    %dma_start3A_75 = tpu.memref_squeeze %dma_start3A_74 : memref<1x128x16xf32, #tpu.memory_space<vmem>> -> memref<128x16xf32, #tpu.memory_space<vmem>>
    %dma_start3A_76 = arith.constant 0 : i32
    %dma_start3A_77 = tpu.memref_slice %arg7[%dma_start3A_69, %dma_start3A_76] : memref<80x128xi32, #tpu.memory_space<vmem>> -> memref<1x128xi32, #tpu.memory_space<vmem>>
    %dma_start3A_78 = tpu.memref_squeeze %dma_start3A_77 : memref<1x128xi32, #tpu.memory_space<vmem>> -> memref<128xi32, #tpu.memory_space<vmem>>
    %dma_start3A_79 = arith.constant 0 : i32
    %dma_start3A_80 = arith.constant 0 : i32
    %dma_start3A_81 = tpu.memref_slice %arg10[%dma_start3A_79, %dma_start3A_80] : memref<10240x16xf32, #tpu.memory_space<vmem_shared>> -> memref<10240x16xf32, #tpu.memory_space<vmem_shared>>
    %dma_start3A_82 = tpu.memref_slice %arg12[%dma_start3A_71] : memref<4x!tpu.dma_semaphore, #tpu.memory_space<semaphore_mem>> -> memref<1x!tpu.dma_semaphore, #tpu.memory_space<semaphore_mem>>
    %dma_start3A_83 = tpu.memref_squeeze %dma_start3A_82 : memref<1x!tpu.dma_semaphore, #tpu.memory_space<semaphore_mem>> -> memref<!tpu.dma_semaphore, #tpu.memory_space<semaphore_mem>>
    tpu.enqueue_indirect_dma source(%dma_start3A_81 : memref<10240x16xf32, #tpu.memory_space<vmem_shared>>) target(%dma_start3A_75 : memref<128x16xf32, #tpu.memory_space<vmem>>) offsets(%dma_start3A_78 : memref<128xi32, #tpu.memory_space<vmem>>) semaphore(%dma_start3A_83 : memref<!tpu.dma_semaphore, #tpu.memory_space<semaphore_mem>>)
    %dma_start3A_84 = arith.constant 2 : i32
    %dma_start3A_85 = arith.constant 2 : i32
    %dma_start3A_86 = arith.constant 2 : i32
    %dma_start3A_87 = arith.constant 0 : i32
    %dma_start3A_88 = arith.constant 0 : i32
    %dma_start3A_89 = tpu.memref_slice %arg9[%dma_start3A_85, %dma_start3A_87, %dma_start3A_88] : memref<4x128x16xf32, #tpu.memory_space<vmem>> -> memref<1x128x16xf32, #tpu.memory_space<vmem>>
    %dma_start3A_90 = tpu.memref_squeeze %dma_start3A_89 : memref<1x128x16xf32, #tpu.memory_space<vmem>> -> memref<128x16xf32, #tpu.memory_space<vmem>>
    %dma_start3A_91 = arith.constant 0 : i32
    %dma_start3A_92 = tpu.memref_slice %arg7[%dma_start3A_84, %dma_start3A_91] : memref<80x128xi32, #tpu.memory_space<vmem>> -> memref<1x128xi32, #tpu.memory_space<vmem>>
    %dma_start3A_93 = tpu.memref_squeeze %dma_start3A_92 : memref<1x128xi32, #tpu.memory_space<vmem>> -> memref<128xi32, #tpu.memory_space<vmem>>
    %dma_start3A_94 = arith.constant 0 : i32
    %dma_start3A_95 = arith.constant 0 : i32
    %dma_start3A_96 = tpu.memref_slice %arg10[%dma_start3A_94, %dma_start3A_95] : memref<10240x16xf32, #tpu.memory_space<vmem_shared>> -> memref<10240x16xf32, #tpu.memory_space<vmem_shared>>
    %dma_start3A_97 = tpu.memref_slice %arg12[%dma_start3A_86] : memref<4x!tpu.dma_semaphore, #tpu.memory_space<semaphore_mem>> -> memref<1x!tpu.dma_semaphore, #tpu.memory_space<semaphore_mem>>
    %dma_start3A_98 = tpu.memref_squeeze %dma_start3A_97 : memref<1x!tpu.dma_semaphore, #tpu.memory_space<semaphore_mem>> -> memref<!tpu.dma_semaphore, #tpu.memory_space<semaphore_mem>>
    tpu.enqueue_indirect_dma source(%dma_start3A_96 : memref<10240x16xf32, #tpu.memory_space<vmem_shared>>) target(%dma_start3A_90 : memref<128x16xf32, #tpu.memory_space<vmem>>) offsets(%dma_start3A_93 : memref<128xi32, #tpu.memory_space<vmem>>) semaphore(%dma_start3A_98 : memref<!tpu.dma_semaphore, #tpu.memory_space<semaphore_mem>>)
    %dma_start3A_99 = arith.constant 3 : i32
    %dma_start3A_100 = arith.constant 3 : i32
    %dma_start3A_101 = arith.constant 3 : i32
    %dma_start3A_102 = arith.constant 0 : i32
    %dma_start3A_103 = arith.constant 0 : i32
    %dma_start3A_104 = tpu.memref_slice %arg9[%dma_start3A_100, %dma_start3A_102, %dma_start3A_103] : memref<4x128x16xf32, #tpu.memory_space<vmem>> -> memref<1x128x16xf32, #tpu.memory_space<vmem>>
    %dma_start3A_105 = tpu.memref_squeeze %dma_start3A_104 : memref<1x128x16xf32, #tpu.memory_space<vmem>> -> memref<128x16xf32, #tpu.memory_space<vmem>>
    %dma_start3A_106 = arith.constant 0 : i32
    %dma_start3A_107 = tpu.memref_slice %arg7[%dma_start3A_99, %dma_start3A_106] : memref<80x128xi32, #tpu.memory_space<vmem>> -> memref<1x128xi32, #tpu.memory_space<vmem>>
    %dma_start3A_108 = tpu.memref_squeeze %dma_start3A_107 : memref<1x128xi32, #tpu.memory_space<vmem>> -> memref<128xi32, #tpu.memory_space<vmem>>
    %dma_start3A_109 = arith.constant 0 : i32
    %dma_start3A_110 = arith.constant 0 : i32
    %dma_start3A_111 = tpu.memref_slice %arg10[%dma_start3A_109, %dma_start3A_110] : memref<10240x16xf32, #tpu.memory_space<vmem_shared>> -> memref<10240x16xf32, #tpu.memory_space<vmem_shared>>
    %dma_start3A_112 = tpu.memref_slice %arg12[%dma_start3A_101] : memref<4x!tpu.dma_semaphore, #tpu.memory_space<semaphore_mem>> -> memref<1x!tpu.dma_semaphore, #tpu.memory_space<semaphore_mem>>
    %dma_start3A_113 = tpu.memref_squeeze %dma_start3A_112 : memref<1x!tpu.dma_semaphore, #tpu.memory_space<semaphore_mem>> -> memref<!tpu.dma_semaphore, #tpu.memory_space<semaphore_mem>>
    tpu.enqueue_indirect_dma source(%dma_start3A_111 : memref<10240x16xf32, #tpu.memory_space<vmem_shared>>) target(%dma_start3A_105 : memref<128x16xf32, #tpu.memory_space<vmem>>) offsets(%dma_start3A_108 : memref<128xi32, #tpu.memory_space<vmem>>) semaphore(%dma_start3A_113 : memref<!tpu.dma_semaphore, #tpu.memory_space<semaphore_mem>>)
    %scan3A_114 = arith.constant 0 : i32
    %scan3A_115 = arith.constant 20 : i32
    %scan3A_116 = arith.addi %scan3A_114, %scan3A_115 : i32
    %scan3A_117 = arith.constant 1 : i32
    scf.for %scan3A_184 = %scan3A_114 to %scan3A_116 step %scan3A_117  : i32 {
      %mul3A_185 = arith.constant 1 : i32
      %mul3A_186 = arith.muli %scan3A_184, %mul3A_185 : i32
      %add3A_187 = arith.constant 0 : i32
      %add3A_188 = arith.addi %add3A_187, %mul3A_186 : i32
      %mul3A_189 = arith.constant 4 : i32
      %mul3A_190 = arith.muli %add3A_188, %mul3A_189 : i32
      %add3A_191 = arith.constant 0 : i32
      %add3A_192 = arith.addi %mul3A_190, %add3A_191 : i32
      %dma_wait3A_193 = arith.constant 0 : i32
      %dma_wait3A_194 = arith.constant 0 : i32
      %dma_wait3A_195 = arith.constant 0 : i32
      %dma_wait3A_196 = arith.constant 0 : i32
      %dma_wait3A_197 = tpu.memref_slice %arg9[%dma_wait3A_193, %dma_wait3A_195, %dma_wait3A_196] : memref<4x128x16xf32, #tpu.memory_space<vmem>> -> memref<1x128x16xf32, #tpu.memory_space<vmem>>
      %dma_wait3A_198 = tpu.memref_squeeze %dma_wait3A_197 : memref<1x128x16xf32, #tpu.memory_space<vmem>> -> memref<128x16xf32, #tpu.memory_space<vmem>>
      %dma_wait3A_199 = arith.constant 0 : i32
      %dma_wait3A_200 = tpu.memref_slice %arg7[%add3A_192, %dma_wait3A_199] : memref<80x128xi32, #tpu.memory_space<vmem>> -> memref<1x128xi32, #tpu.memory_space<vmem>>
      %dma_wait3A_201 = tpu.memref_squeeze %dma_wait3A_200 : memref<1x128xi32, #tpu.memory_space<vmem>> -> memref<128xi32, #tpu.memory_space<vmem>>
      %dma_wait3A_202 = arith.constant 0 : i32
      %dma_wait3A_203 = arith.constant 0 : i32
      %dma_wait3A_204 = tpu.memref_slice %arg10[%dma_wait3A_202, %dma_wait3A_203] : memref<10240x16xf32, #tpu.memory_space<vmem_shared>> -> memref<10240x16xf32, #tpu.memory_space<vmem_shared>>
      %dma_wait3A_205 = tpu.memref_slice %arg12[%dma_wait3A_194] : memref<4x!tpu.dma_semaphore, #tpu.memory_space<semaphore_mem>> -> memref<1x!tpu.dma_semaphore, #tpu.memory_space<semaphore_mem>>
      %dma_wait3A_206 = tpu.memref_squeeze %dma_wait3A_205 : memref<1x!tpu.dma_semaphore, #tpu.memory_space<semaphore_mem>> -> memref<!tpu.dma_semaphore, #tpu.memory_space<semaphore_mem>>
      tpu.wait_indirect_dma semaphore(%dma_wait3A_206 : memref<!tpu.dma_semaphore, #tpu.memory_space<semaphore_mem>>) src(%dma_wait3A_204 : memref<10240x16xf32, #tpu.memory_space<vmem_shared>>) dst(%dma_wait3A_198 : memref<128x16xf32, #tpu.memory_space<vmem>>)
      %add3A_207 = arith.constant 0 : i32
      %add3A_208 = arith.addi %mul3A_190, %add3A_207 : i32
      %dma_start3A_209 = arith.constant 0 : i32
      %dma_start3A_210 = arith.constant 0 : i32
      %dma_start3A_211 = arith.constant 0 : i32
      %dma_start3A_212 = arith.constant 0 : i32
      %dma_start3A_213 = tpu.memref_slice %arg9[%dma_start3A_209, %dma_start3A_211, %dma_start3A_212] : memref<4x128x16xf32, #tpu.memory_space<vmem>> -> memref<1x128x16xf32, #tpu.memory_space<vmem>>
      %dma_start3A_214 = tpu.memref_squeeze %dma_start3A_213 : memref<1x128x16xf32, #tpu.memory_space<vmem>> -> memref<128x16xf32, #tpu.memory_space<vmem>>
      %dma_start3A_215 = arith.constant 0 : i32
      %dma_start3A_216 = tpu.memref_slice %arg8[%add3A_208, %dma_start3A_215] : memref<80x128xi32, #tpu.memory_space<vmem>> -> memref<1x128xi32, #tpu.memory_space<vmem>>
      %dma_start3A_217 = tpu.memref_squeeze %dma_start3A_216 : memref<1x128xi32, #tpu.memory_space<vmem>> -> memref<128xi32, #tpu.memory_space<vmem>>
      %dma_start3A_218 = arith.constant 0 : i32
      %dma_start3A_219 = arith.constant 0 : i32
      %dma_start3A_220 = tpu.memref_slice %arg11[%dma_start3A_218, %dma_start3A_219] : memref<10240x16xf32, #tpu.memory_space<vmem_shared>> -> memref<10240x16xf32, #tpu.memory_space<vmem_shared>>
      %dma_start3A_221 = tpu.memref_slice %arg13[%dma_start3A_210] : memref<4x!tpu.dma_semaphore, #tpu.memory_space<semaphore_mem>> -> memref<1x!tpu.dma_semaphore, #tpu.memory_space<semaphore_mem>>
      %dma_start3A_222 = tpu.memref_squeeze %dma_start3A_221 : memref<1x!tpu.dma_semaphore, #tpu.memory_space<semaphore_mem>> -> memref<!tpu.dma_semaphore, #tpu.memory_space<semaphore_mem>>
      tpu.enqueue_indirect_dma source(%dma_start3A_214 : memref<128x16xf32, #tpu.memory_space<vmem>>) target(%dma_start3A_220 : memref<10240x16xf32, #tpu.memory_space<vmem_shared>>) offsets(%dma_start3A_217 : memref<128xi32, #tpu.memory_space<vmem>>) semaphore(%dma_start3A_222 : memref<!tpu.dma_semaphore, #tpu.memory_space<semaphore_mem>>) {add = true}
      %add3A_223 = arith.constant 1 : i32
      %add3A_224 = arith.addi %mul3A_190, %add3A_223 : i32
      %dma_wait3A_225 = arith.constant 1 : i32
      %dma_wait3A_226 = arith.constant 1 : i32
      %dma_wait3A_227 = arith.constant 0 : i32
      %dma_wait3A_228 = arith.constant 0 : i32
      %dma_wait3A_229 = tpu.memref_slice %arg9[%dma_wait3A_225, %dma_wait3A_227, %dma_wait3A_228] : memref<4x128x16xf32, #tpu.memory_space<vmem>> -> memref<1x128x16xf32, #tpu.memory_space<vmem>>
      %dma_wait3A_230 = tpu.memref_squeeze %dma_wait3A_229 : memref<1x128x16xf32, #tpu.memory_space<vmem>> -> memref<128x16xf32, #tpu.memory_space<vmem>>
      %dma_wait3A_231 = arith.constant 0 : i32
      %dma_wait3A_232 = tpu.memref_slice %arg7[%add3A_224, %dma_wait3A_231] : memref<80x128xi32, #tpu.memory_space<vmem>> -> memref<1x128xi32, #tpu.memory_space<vmem>>
      %dma_wait3A_233 = tpu.memref_squeeze %dma_wait3A_232 : memref<1x128xi32, #tpu.memory_space<vmem>> -> memref<128xi32, #tpu.memory_space<vmem>>
      %dma_wait3A_234 = arith.constant 0 : i32
      %dma_wait3A_235 = arith.constant 0 : i32
      %dma_wait3A_236 = tpu.memref_slice %arg10[%dma_wait3A_234, %dma_wait3A_235] : memref<10240x16xf32, #tpu.memory_space<vmem_shared>> -> memref<10240x16xf32, #tpu.memory_space<vmem_shared>>
      %dma_wait3A_237 = tpu.memref_slice %arg12[%dma_wait3A_226] : memref<4x!tpu.dma_semaphore, #tpu.memory_space<semaphore_mem>> -> memref<1x!tpu.dma_semaphore, #tpu.memory_space<semaphore_mem>>
      %dma_wait3A_238 = tpu.memref_squeeze %dma_wait3A_237 : memref<1x!tpu.dma_semaphore, #tpu.memory_space<semaphore_mem>> -> memref<!tpu.dma_semaphore, #tpu.memory_space<semaphore_mem>>
      tpu.wait_indirect_dma semaphore(%dma_wait3A_238 : memref<!tpu.dma_semaphore, #tpu.memory_space<semaphore_mem>>) src(%dma_wait3A_236 : memref<10240x16xf32, #tpu.memory_space<vmem_shared>>) dst(%dma_wait3A_230 : memref<128x16xf32, #tpu.memory_space<vmem>>)
      %add3A_239 = arith.constant 1 : i32
      %add3A_240 = arith.addi %mul3A_190, %add3A_239 : i32
      %dma_start3A_241 = arith.constant 1 : i32
      %dma_start3A_242 = arith.constant 1 : i32
      %dma_start3A_243 = arith.constant 0 : i32
      %dma_start3A_244 = arith.constant 0 : i32
      %dma_start3A_245 = tpu.memref_slice %arg9[%dma_start3A_241, %dma_start3A_243, %dma_start3A_244] : memref<4x128x16xf32, #tpu.memory_space<vmem>> -> memref<1x128x16xf32, #tpu.memory_space<vmem>>
      %dma_start3A_246 = tpu.memref_squeeze %dma_start3A_245 : memref<1x128x16xf32, #tpu.memory_space<vmem>> -> memref<128x16xf32, #tpu.memory_space<vmem>>
      %dma_start3A_247 = arith.constant 0 : i32
      %dma_start3A_248 = tpu.memref_slice %arg8[%add3A_240, %dma_start3A_247] : memref<80x128xi32, #tpu.memory_space<vmem>> -> memref<1x128xi32, #tpu.memory_space<vmem>>
      %dma_start3A_249 = tpu.memref_squeeze %dma_start3A_248 : memref<1x128xi32, #tpu.memory_space<vmem>> -> memref<128xi32, #tpu.memory_space<vmem>>
      %dma_start3A_250 = arith.constant 0 : i32
      %dma_start3A_251 = arith.constant 0 : i32
      %dma_start3A_252 = tpu.memref_slice %arg11[%dma_start3A_250, %dma_start3A_251] : memref<10240x16xf32, #tpu.memory_space<vmem_shared>> -> memref<10240x16xf32, #tpu.memory_space<vmem_shared>>
      %dma_start3A_253 = tpu.memref_slice %arg13[%dma_start3A_242] : memref<4x!tpu.dma_semaphore, #tpu.memory_space<semaphore_mem>> -> memref<1x!tpu.dma_semaphore, #tpu.memory_space<semaphore_mem>>
      %dma_start3A_254 = tpu.memref_squeeze %dma_start3A_253 : memref<1x!tpu.dma_semaphore, #tpu.memory_space<semaphore_mem>> -> memref<!tpu.dma_semaphore, #tpu.memory_space<semaphore_mem>>
      tpu.enqueue_indirect_dma source(%dma_start3A_246 : memref<128x16xf32, #tpu.memory_space<vmem>>) target(%dma_start3A_252 : memref<10240x16xf32, #tpu.memory_space<vmem_shared>>) offsets(%dma_start3A_249 : memref<128xi32, #tpu.memory_space<vmem>>) semaphore(%dma_start3A_254 : memref<!tpu.dma_semaphore, #tpu.memory_space<semaphore_mem>>) {add = true}
      %add3A_255 = arith.constant 2 : i32
      %add3A_256 = arith.addi %mul3A_190, %add3A_255 : i32
      %dma_wait3A_257 = arith.constant 2 : i32
      %dma_wait3A_258 = arith.constant 2 : i32
      %dma_wait3A_259 = arith.constant 0 : i32
      %dma_wait3A_260 = arith.constant 0 : i32
      %dma_wait3A_261 = tpu.memref_slice %arg9[%dma_wait3A_257, %dma_wait3A_259, %dma_wait3A_260] : memref<4x128x16xf32, #tpu.memory_space<vmem>> -> memref<1x128x16xf32, #tpu.memory_space<vmem>>
      %dma_wait3A_262 = tpu.memref_squeeze %dma_wait3A_261 : memref<1x128x16xf32, #tpu.memory_space<vmem>> -> memref<128x16xf32, #tpu.memory_space<vmem>>
      %dma_wait3A_263 = arith.constant 0 : i32
      %dma_wait3A_264 = tpu.memref_slice %arg7[%add3A_256, %dma_wait3A_263] : memref<80x128xi32, #tpu.memory_space<vmem>> -> memref<1x128xi32, #tpu.memory_space<vmem>>
      %dma_wait3A_265 = tpu.memref_squeeze %dma_wait3A_264 : memref<1x128xi32, #tpu.memory_space<vmem>> -> memref<128xi32, #tpu.memory_space<vmem>>
      %dma_wait3A_266 = arith.constant 0 : i32
      %dma_wait3A_267 = arith.constant 0 : i32
      %dma_wait3A_268 = tpu.memref_slice %arg10[%dma_wait3A_266, %dma_wait3A_267] : memref<10240x16xf32, #tpu.memory_space<vmem_shared>> -> memref<10240x16xf32, #tpu.memory_space<vmem_shared>>
      %dma_wait3A_269 = tpu.memref_slice %arg12[%dma_wait3A_258] : memref<4x!tpu.dma_semaphore, #tpu.memory_space<semaphore_mem>> -> memref<1x!tpu.dma_semaphore, #tpu.memory_space<semaphore_mem>>
      %dma_wait3A_270 = tpu.memref_squeeze %dma_wait3A_269 : memref<1x!tpu.dma_semaphore, #tpu.memory_space<semaphore_mem>> -> memref<!tpu.dma_semaphore, #tpu.memory_space<semaphore_mem>>
      tpu.wait_indirect_dma semaphore(%dma_wait3A_270 : memref<!tpu.dma_semaphore, #tpu.memory_space<semaphore_mem>>) src(%dma_wait3A_268 : memref<10240x16xf32, #tpu.memory_space<vmem_shared>>) dst(%dma_wait3A_262 : memref<128x16xf32, #tpu.memory_space<vmem>>)
      %add3A_271 = arith.constant 2 : i32
      %add3A_272 = arith.addi %mul3A_190, %add3A_271 : i32
      %dma_start3A_273 = arith.constant 2 : i32
      %dma_start3A_274 = arith.constant 2 : i32
      %dma_start3A_275 = arith.constant 0 : i32
      %dma_start3A_276 = arith.constant 0 : i32
      %dma_start3A_277 = tpu.memref_slice %arg9[%dma_start3A_273, %dma_start3A_275, %dma_start3A_276] : memref<4x128x16xf32, #tpu.memory_space<vmem>> -> memref<1x128x16xf32, #tpu.memory_space<vmem>>
      %dma_start3A_278 = tpu.memref_squeeze %dma_start3A_277 : memref<1x128x16xf32, #tpu.memory_space<vmem>> -> memref<128x16xf32, #tpu.memory_space<vmem>>
      %dma_start3A_279 = arith.constant 0 : i32
      %dma_start3A_280 = tpu.memref_slice %arg8[%add3A_272, %dma_start3A_279] : memref<80x128xi32, #tpu.memory_space<vmem>> -> memref<1x128xi32, #tpu.memory_space<vmem>>
      %dma_start3A_281 = tpu.memref_squeeze %dma_start3A_280 : memref<1x128xi32, #tpu.memory_space<vmem>> -> memref<128xi32, #tpu.memory_space<vmem>>
      %dma_start3A_282 = arith.constant 0 : i32
      %dma_start3A_283 = arith.constant 0 : i32
      %dma_start3A_284 = tpu.memref_slice %arg11[%dma_start3A_282, %dma_start3A_283] : memref<10240x16xf32, #tpu.memory_space<vmem_shared>> -> memref<10240x16xf32, #tpu.memory_space<vmem_shared>>
      %dma_start3A_285 = tpu.memref_slice %arg13[%dma_start3A_274] : memref<4x!tpu.dma_semaphore, #tpu.memory_space<semaphore_mem>> -> memref<1x!tpu.dma_semaphore, #tpu.memory_space<semaphore_mem>>
      %dma_start3A_286 = tpu.memref_squeeze %dma_start3A_285 : memref<1x!tpu.dma_semaphore, #tpu.memory_space<semaphore_mem>> -> memref<!tpu.dma_semaphore, #tpu.memory_space<semaphore_mem>>
      tpu.enqueue_indirect_dma source(%dma_start3A_278 : memref<128x16xf32, #tpu.memory_space<vmem>>) target(%dma_start3A_284 : memref<10240x16xf32, #tpu.memory_space<vmem_shared>>) offsets(%dma_start3A_281 : memref<128xi32, #tpu.memory_space<vmem>>) semaphore(%dma_start3A_286 : memref<!tpu.dma_semaphore, #tpu.memory_space<semaphore_mem>>) {add = true}
      %add3A_287 = arith.constant 3 : i32
      %add3A_288 = arith.addi %mul3A_190, %add3A_287 : i32
      %dma_wait3A_289 = arith.constant 3 : i32
      %dma_wait3A_290 = arith.constant 3 : i32
      %dma_wait3A_291 = arith.constant 0 : i32
      %dma_wait3A_292 = arith.constant 0 : i32
      %dma_wait3A_293 = tpu.memref_slice %arg9[%dma_wait3A_289, %dma_wait3A_291, %dma_wait3A_292] : memref<4x128x16xf32, #tpu.memory_space<vmem>> -> memref<1x128x16xf32, #tpu.memory_space<vmem>>
      %dma_wait3A_294 = tpu.memref_squeeze %dma_wait3A_293 : memref<1x128x16xf32, #tpu.memory_space<vmem>> -> memref<128x16xf32, #tpu.memory_space<vmem>>
      %dma_wait3A_295 = arith.constant 0 : i32
      %dma_wait3A_296 = tpu.memref_slice %arg7[%add3A_288, %dma_wait3A_295] : memref<80x128xi32, #tpu.memory_space<vmem>> -> memref<1x128xi32, #tpu.memory_space<vmem>>
      %dma_wait3A_297 = tpu.memref_squeeze %dma_wait3A_296 : memref<1x128xi32, #tpu.memory_space<vmem>> -> memref<128xi32, #tpu.memory_space<vmem>>
      %dma_wait3A_298 = arith.constant 0 : i32
      %dma_wait3A_299 = arith.constant 0 : i32
      %dma_wait3A_300 = tpu.memref_slice %arg10[%dma_wait3A_298, %dma_wait3A_299] : memref<10240x16xf32, #tpu.memory_space<vmem_shared>> -> memref<10240x16xf32, #tpu.memory_space<vmem_shared>>
      %dma_wait3A_301 = tpu.memref_slice %arg12[%dma_wait3A_290] : memref<4x!tpu.dma_semaphore, #tpu.memory_space<semaphore_mem>> -> memref<1x!tpu.dma_semaphore, #tpu.memory_space<semaphore_mem>>
      %dma_wait3A_302 = tpu.memref_squeeze %dma_wait3A_301 : memref<1x!tpu.dma_semaphore, #tpu.memory_space<semaphore_mem>> -> memref<!tpu.dma_semaphore, #tpu.memory_space<semaphore_mem>>
      tpu.wait_indirect_dma semaphore(%dma_wait3A_302 : memref<!tpu.dma_semaphore, #tpu.memory_space<semaphore_mem>>) src(%dma_wait3A_300 : memref<10240x16xf32, #tpu.memory_space<vmem_shared>>) dst(%dma_wait3A_294 : memref<128x16xf32, #tpu.memory_space<vmem>>)
      %add3A_303 = arith.constant 3 : i32
      %add3A_304 = arith.addi %mul3A_190, %add3A_303 : i32
      %dma_start3A_305 = arith.constant 3 : i32
      %dma_start3A_306 = arith.constant 3 : i32
      %dma_start3A_307 = arith.constant 0 : i32
      %dma_start3A_308 = arith.constant 0 : i32
      %dma_start3A_309 = tpu.memref_slice %arg9[%dma_start3A_305, %dma_start3A_307, %dma_start3A_308] : memref<4x128x16xf32, #tpu.memory_space<vmem>> -> memref<1x128x16xf32, #tpu.memory_space<vmem>>
      %dma_start3A_310 = tpu.memref_squeeze %dma_start3A_309 : memref<1x128x16xf32, #tpu.memory_space<vmem>> -> memref<128x16xf32, #tpu.memory_space<vmem>>
      %dma_start3A_311 = arith.constant 0 : i32
      %dma_start3A_312 = tpu.memref_slice %arg8[%add3A_304, %dma_start3A_311] : memref<80x128xi32, #tpu.memory_space<vmem>> -> memref<1x128xi32, #tpu.memory_space<vmem>>
      %dma_start3A_313 = tpu.memref_squeeze %dma_start3A_312 : memref<1x128xi32, #tpu.memory_space<vmem>> -> memref<128xi32, #tpu.memory_space<vmem>>
      %dma_start3A_314 = arith.constant 0 : i32
      %dma_start3A_315 = arith.constant 0 : i32
      %dma_start3A_316 = tpu.memref_slice %arg11[%dma_start3A_314, %dma_start3A_315] : memref<10240x16xf32, #tpu.memory_space<vmem_shared>> -> memref<10240x16xf32, #tpu.memory_space<vmem_shared>>
      %dma_start3A_317 = tpu.memref_slice %arg13[%dma_start3A_306] : memref<4x!tpu.dma_semaphore, #tpu.memory_space<semaphore_mem>> -> memref<1x!tpu.dma_semaphore, #tpu.memory_space<semaphore_mem>>
      %dma_start3A_318 = tpu.memref_squeeze %dma_start3A_317 : memref<1x!tpu.dma_semaphore, #tpu.memory_space<semaphore_mem>> -> memref<!tpu.dma_semaphore, #tpu.memory_space<semaphore_mem>>
      tpu.enqueue_indirect_dma source(%dma_start3A_310 : memref<128x16xf32, #tpu.memory_space<vmem>>) target(%dma_start3A_316 : memref<10240x16xf32, #tpu.memory_space<vmem_shared>>) offsets(%dma_start3A_313 : memref<128xi32, #tpu.memory_space<vmem>>) semaphore(%dma_start3A_318 : memref<!tpu.dma_semaphore, #tpu.memory_space<semaphore_mem>>) {add = true}
      %add3A_319 = arith.constant 0 : i32
      %add3A_320 = arith.addi %mul3A_190, %add3A_319 : i32
      %add3A_321 = arith.constant 4 : i32
      %add3A_322 = arith.addi %add3A_320, %add3A_321 : i32
      %min3A = arith.constant 79 : i32
      %min3A_323 = arith.minsi %add3A_322, %min3A : i32
      %add3A_324 = arith.constant 0 : i32
      %add3A_325 = arith.addi %mul3A_190, %add3A_324 : i32
      %dma_wait3A_326 = arith.constant 0 : i32
      %dma_wait3A_327 = arith.constant 0 : i32
      %dma_wait3A_328 = arith.constant 0 : i32
      %dma_wait3A_329 = arith.constant 0 : i32
      %dma_wait3A_330 = tpu.memref_slice %arg9[%dma_wait3A_326, %dma_wait3A_328, %dma_wait3A_329] : memref<4x128x16xf32, #tpu.memory_space<vmem>> -> memref<1x128x16xf32, #tpu.memory_space<vmem>>
      %dma_wait3A_331 = tpu.memref_squeeze %dma_wait3A_330 : memref<1x128x16xf32, #tpu.memory_space<vmem>> -> memref<128x16xf32, #tpu.memory_space<vmem>>
      %dma_wait3A_332 = arith.constant 0 : i32
      %dma_wait3A_333 = tpu.memref_slice %arg8[%add3A_325, %dma_wait3A_332] : memref<80x128xi32, #tpu.memory_space<vmem>> -> memref<1x128xi32, #tpu.memory_space<vmem>>
      %dma_wait3A_334 = tpu.memref_squeeze %dma_wait3A_333 : memref<1x128xi32, #tpu.memory_space<vmem>> -> memref<128xi32, #tpu.memory_space<vmem>>
      %dma_wait3A_335 = arith.constant 0 : i32
      %dma_wait3A_336 = arith.constant 0 : i32
      %dma_wait3A_337 = tpu.memref_slice %arg11[%dma_wait3A_335, %dma_wait3A_336] : memref<10240x16xf32, #tpu.memory_space<vmem_shared>> -> memref<10240x16xf32, #tpu.memory_space<vmem_shared>>
      %dma_wait3A_338 = tpu.memref_slice %arg13[%dma_wait3A_327] : memref<4x!tpu.dma_semaphore, #tpu.memory_space<semaphore_mem>> -> memref<1x!tpu.dma_semaphore, #tpu.memory_space<semaphore_mem>>
      %dma_wait3A_339 = tpu.memref_squeeze %dma_wait3A_338 : memref<1x!tpu.dma_semaphore, #tpu.memory_space<semaphore_mem>> -> memref<!tpu.dma_semaphore, #tpu.memory_space<semaphore_mem>>
      tpu.wait_indirect_dma semaphore(%dma_wait3A_339 : memref<!tpu.dma_semaphore, #tpu.memory_space<semaphore_mem>>) src(%dma_wait3A_331 : memref<128x16xf32, #tpu.memory_space<vmem>>) dst(%dma_wait3A_337 : memref<10240x16xf32, #tpu.memory_space<vmem_shared>>)
      %dma_start3A_340 = arith.constant 0 : i32
      %dma_start3A_341 = arith.constant 0 : i32
      %dma_start3A_342 = arith.constant 0 : i32
      %dma_start3A_343 = arith.constant 0 : i32
      %dma_start3A_344 = tpu.memref_slice %arg9[%dma_start3A_340, %dma_start3A_342, %dma_start3A_343] : memref<4x128x16xf32, #tpu.memory_space<vmem>> -> memref<1x128x16xf32, #tpu.memory_space<vmem>>
      %dma_start3A_345 = tpu.memref_squeeze %dma_start3A_344 : memref<1x128x16xf32, #tpu.memory_space<vmem>> -> memref<128x16xf32, #tpu.memory_space<vmem>>
      %dma_start3A_346 = arith.constant 0 : i32
      %dma_start3A_347 = tpu.memref_slice %arg7[%min3A_323, %dma_start3A_346] : memref<80x128xi32, #tpu.memory_space<vmem>> -> memref<1x128xi32, #tpu.memory_space<vmem>>
      %dma_start3A_348 = tpu.memref_squeeze %dma_start3A_347 : memref<1x128xi32, #tpu.memory_space<vmem>> -> memref<128xi32, #tpu.memory_space<vmem>>
      %dma_start3A_349 = arith.constant 0 : i32
      %dma_start3A_350 = arith.constant 0 : i32
      %dma_start3A_351 = tpu.memref_slice %arg10[%dma_start3A_349, %dma_start3A_350] : memref<10240x16xf32, #tpu.memory_space<vmem_shared>> -> memref<10240x16xf32, #tpu.memory_space<vmem_shared>>
      %dma_start3A_352 = tpu.memref_slice %arg12[%dma_start3A_341] : memref<4x!tpu.dma_semaphore, #tpu.memory_space<semaphore_mem>> -> memref<1x!tpu.dma_semaphore, #tpu.memory_space<semaphore_mem>>
      %dma_start3A_353 = tpu.memref_squeeze %dma_start3A_352 : memref<1x!tpu.dma_semaphore, #tpu.memory_space<semaphore_mem>> -> memref<!tpu.dma_semaphore, #tpu.memory_space<semaphore_mem>>
      tpu.enqueue_indirect_dma source(%dma_start3A_351 : memref<10240x16xf32, #tpu.memory_space<vmem_shared>>) target(%dma_start3A_345 : memref<128x16xf32, #tpu.memory_space<vmem>>) offsets(%dma_start3A_348 : memref<128xi32, #tpu.memory_space<vmem>>) semaphore(%dma_start3A_353 : memref<!tpu.dma_semaphore, #tpu.memory_space<semaphore_mem>>)
      %add3A_354 = arith.constant 1 : i32
      %add3A_355 = arith.addi %mul3A_190, %add3A_354 : i32
      %add3A_356 = arith.constant 4 : i32
      %add3A_357 = arith.addi %add3A_355, %add3A_356 : i32
      %min3A_358 = arith.constant 79 : i32
      %min3A_359 = arith.minsi %add3A_357, %min3A_358 : i32
      %add3A_360 = arith.constant 1 : i32
      %add3A_361 = arith.addi %mul3A_190, %add3A_360 : i32
      %dma_wait3A_362 = arith.constant 1 : i32
      %dma_wait3A_363 = arith.constant 1 : i32
      %dma_wait3A_364 = arith.constant 0 : i32
      %dma_wait3A_365 = arith.constant 0 : i32
      %dma_wait3A_366 = tpu.memref_slice %arg9[%dma_wait3A_362, %dma_wait3A_364, %dma_wait3A_365] : memref<4x128x16xf32, #tpu.memory_space<vmem>> -> memref<1x128x16xf32, #tpu.memory_space<vmem>>
      %dma_wait3A_367 = tpu.memref_squeeze %dma_wait3A_366 : memref<1x128x16xf32, #tpu.memory_space<vmem>> -> memref<128x16xf32, #tpu.memory_space<vmem>>
      %dma_wait3A_368 = arith.constant 0 : i32
      %dma_wait3A_369 = tpu.memref_slice %arg8[%add3A_361, %dma_wait3A_368] : memref<80x128xi32, #tpu.memory_space<vmem>> -> memref<1x128xi32, #tpu.memory_space<vmem>>
      %dma_wait3A_370 = tpu.memref_squeeze %dma_wait3A_369 : memref<1x128xi32, #tpu.memory_space<vmem>> -> memref<128xi32, #tpu.memory_space<vmem>>
      %dma_wait3A_371 = arith.constant 0 : i32
      %dma_wait3A_372 = arith.constant 0 : i32
      %dma_wait3A_373 = tpu.memref_slice %arg11[%dma_wait3A_371, %dma_wait3A_372] : memref<10240x16xf32, #tpu.memory_space<vmem_shared>> -> memref<10240x16xf32, #tpu.memory_space<vmem_shared>>
      %dma_wait3A_374 = tpu.memref_slice %arg13[%dma_wait3A_363] : memref<4x!tpu.dma_semaphore, #tpu.memory_space<semaphore_mem>> -> memref<1x!tpu.dma_semaphore, #tpu.memory_space<semaphore_mem>>
      %dma_wait3A_375 = tpu.memref_squeeze %dma_wait3A_374 : memref<1x!tpu.dma_semaphore, #tpu.memory_space<semaphore_mem>> -> memref<!tpu.dma_semaphore, #tpu.memory_space<semaphore_mem>>
      tpu.wait_indirect_dma semaphore(%dma_wait3A_375 : memref<!tpu.dma_semaphore, #tpu.memory_space<semaphore_mem>>) src(%dma_wait3A_367 : memref<128x16xf32, #tpu.memory_space<vmem>>) dst(%dma_wait3A_373 : memref<10240x16xf32, #tpu.memory_space<vmem_shared>>)
      %dma_start3A_376 = arith.constant 1 : i32
      %dma_start3A_377 = arith.constant 1 : i32
      %dma_start3A_378 = arith.constant 0 : i32
      %dma_start3A_379 = arith.constant 0 : i32
      %dma_start3A_380 = tpu.memref_slice %arg9[%dma_start3A_376, %dma_start3A_378, %dma_start3A_379] : memref<4x128x16xf32, #tpu.memory_space<vmem>> -> memref<1x128x16xf32, #tpu.memory_space<vmem>>
      %dma_start3A_381 = tpu.memref_squeeze %dma_start3A_380 : memref<1x128x16xf32, #tpu.memory_space<vmem>> -> memref<128x16xf32, #tpu.memory_space<vmem>>
      %dma_start3A_382 = arith.constant 0 : i32
      %dma_start3A_383 = tpu.memref_slice %arg7[%min3A_359, %dma_start3A_382] : memref<80x128xi32, #tpu.memory_space<vmem>> -> memref<1x128xi32, #tpu.memory_space<vmem>>
      %dma_start3A_384 = tpu.memref_squeeze %dma_start3A_383 : memref<1x128xi32, #tpu.memory_space<vmem>> -> memref<128xi32, #tpu.memory_space<vmem>>
      %dma_start3A_385 = arith.constant 0 : i32
      %dma_start3A_386 = arith.constant 0 : i32
      %dma_start3A_387 = tpu.memref_slice %arg10[%dma_start3A_385, %dma_start3A_386] : memref<10240x16xf32, #tpu.memory_space<vmem_shared>> -> memref<10240x16xf32, #tpu.memory_space<vmem_shared>>
      %dma_start3A_388 = tpu.memref_slice %arg12[%dma_start3A_377] : memref<4x!tpu.dma_semaphore, #tpu.memory_space<semaphore_mem>> -> memref<1x!tpu.dma_semaphore, #tpu.memory_space<semaphore_mem>>
      %dma_start3A_389 = tpu.memref_squeeze %dma_start3A_388 : memref<1x!tpu.dma_semaphore, #tpu.memory_space<semaphore_mem>> -> memref<!tpu.dma_semaphore, #tpu.memory_space<semaphore_mem>>
      tpu.enqueue_indirect_dma source(%dma_start3A_387 : memref<10240x16xf32, #tpu.memory_space<vmem_shared>>) target(%dma_start3A_381 : memref<128x16xf32, #tpu.memory_space<vmem>>) offsets(%dma_start3A_384 : memref<128xi32, #tpu.memory_space<vmem>>) semaphore(%dma_start3A_389 : memref<!tpu.dma_semaphore, #tpu.memory_space<semaphore_mem>>)
      %add3A_390 = arith.constant 2 : i32
      %add3A_391 = arith.addi %mul3A_190, %add3A_390 : i32
      %add3A_392 = arith.constant 4 : i32
      %add3A_393 = arith.addi %add3A_391, %add3A_392 : i32
      %min3A_394 = arith.constant 79 : i32
      %min3A_395 = arith.minsi %add3A_393, %min3A_394 : i32
      %add3A_396 = arith.constant 2 : i32
      %add3A_397 = arith.addi %mul3A_190, %add3A_396 : i32
      %dma_wait3A_398 = arith.constant 2 : i32
      %dma_wait3A_399 = arith.constant 2 : i32
      %dma_wait3A_400 = arith.constant 0 : i32
      %dma_wait3A_401 = arith.constant 0 : i32
      %dma_wait3A_402 = tpu.memref_slice %arg9[%dma_wait3A_398, %dma_wait3A_400, %dma_wait3A_401] : memref<4x128x16xf32, #tpu.memory_space<vmem>> -> memref<1x128x16xf32, #tpu.memory_space<vmem>>
      %dma_wait3A_403 = tpu.memref_squeeze %dma_wait3A_402 : memref<1x128x16xf32, #tpu.memory_space<vmem>> -> memref<128x16xf32, #tpu.memory_space<vmem>>
      %dma_wait3A_404 = arith.constant 0 : i32
      %dma_wait3A_405 = tpu.memref_slice %arg8[%add3A_397, %dma_wait3A_404] : memref<80x128xi32, #tpu.memory_space<vmem>> -> memref<1x128xi32, #tpu.memory_space<vmem>>
      %dma_wait3A_406 = tpu.memref_squeeze %dma_wait3A_405 : memref<1x128xi32, #tpu.memory_space<vmem>> -> memref<128xi32, #tpu.memory_space<vmem>>
      %dma_wait3A_407 = arith.constant 0 : i32
      %dma_wait3A_408 = arith.constant 0 : i32
      %dma_wait3A_409 = tpu.memref_slice %arg11[%dma_wait3A_407, %dma_wait3A_408] : memref<10240x16xf32, #tpu.memory_space<vmem_shared>> -> memref<10240x16xf32, #tpu.memory_space<vmem_shared>>
      %dma_wait3A_410 = tpu.memref_slice %arg13[%dma_wait3A_399] : memref<4x!tpu.dma_semaphore, #tpu.memory_space<semaphore_mem>> -> memref<1x!tpu.dma_semaphore, #tpu.memory_space<semaphore_mem>>
      %dma_wait3A_411 = tpu.memref_squeeze %dma_wait3A_410 : memref<1x!tpu.dma_semaphore, #tpu.memory_space<semaphore_mem>> -> memref<!tpu.dma_semaphore, #tpu.memory_space<semaphore_mem>>
      tpu.wait_indirect_dma semaphore(%dma_wait3A_411 : memref<!tpu.dma_semaphore, #tpu.memory_space<semaphore_mem>>) src(%dma_wait3A_403 : memref<128x16xf32, #tpu.memory_space<vmem>>) dst(%dma_wait3A_409 : memref<10240x16xf32, #tpu.memory_space<vmem_shared>>)
      %dma_start3A_412 = arith.constant 2 : i32
      %dma_start3A_413 = arith.constant 2 : i32
      %dma_start3A_414 = arith.constant 0 : i32
      %dma_start3A_415 = arith.constant 0 : i32
      %dma_start3A_416 = tpu.memref_slice %arg9[%dma_start3A_412, %dma_start3A_414, %dma_start3A_415] : memref<4x128x16xf32, #tpu.memory_space<vmem>> -> memref<1x128x16xf32, #tpu.memory_space<vmem>>
      %dma_start3A_417 = tpu.memref_squeeze %dma_start3A_416 : memref<1x128x16xf32, #tpu.memory_space<vmem>> -> memref<128x16xf32, #tpu.memory_space<vmem>>
      %dma_start3A_418 = arith.constant 0 : i32
      %dma_start3A_419 = tpu.memref_slice %arg7[%min3A_395, %dma_start3A_418] : memref<80x128xi32, #tpu.memory_space<vmem>> -> memref<1x128xi32, #tpu.memory_space<vmem>>
      %dma_start3A_420 = tpu.memref_squeeze %dma_start3A_419 : memref<1x128xi32, #tpu.memory_space<vmem>> -> memref<128xi32, #tpu.memory_space<vmem>>
      %dma_start3A_421 = arith.constant 0 : i32
      %dma_start3A_422 = arith.constant 0 : i32
      %dma_start3A_423 = tpu.memref_slice %arg10[%dma_start3A_421, %dma_start3A_422] : memref<10240x16xf32, #tpu.memory_space<vmem_shared>> -> memref<10240x16xf32, #tpu.memory_space<vmem_shared>>
      %dma_start3A_424 = tpu.memref_slice %arg12[%dma_start3A_413] : memref<4x!tpu.dma_semaphore, #tpu.memory_space<semaphore_mem>> -> memref<1x!tpu.dma_semaphore, #tpu.memory_space<semaphore_mem>>
      %dma_start3A_425 = tpu.memref_squeeze %dma_start3A_424 : memref<1x!tpu.dma_semaphore, #tpu.memory_space<semaphore_mem>> -> memref<!tpu.dma_semaphore, #tpu.memory_space<semaphore_mem>>
      tpu.enqueue_indirect_dma source(%dma_start3A_423 : memref<10240x16xf32, #tpu.memory_space<vmem_shared>>) target(%dma_start3A_417 : memref<128x16xf32, #tpu.memory_space<vmem>>) offsets(%dma_start3A_420 : memref<128xi32, #tpu.memory_space<vmem>>) semaphore(%dma_start3A_425 : memref<!tpu.dma_semaphore, #tpu.memory_space<semaphore_mem>>)
      %add3A_426 = arith.constant 3 : i32
      %add3A_427 = arith.addi %mul3A_190, %add3A_426 : i32
      %add3A_428 = arith.constant 4 : i32
      %add3A_429 = arith.addi %add3A_427, %add3A_428 : i32
      %min3A_430 = arith.constant 79 : i32
      %min3A_431 = arith.minsi %add3A_429, %min3A_430 : i32
      %add3A_432 = arith.constant 3 : i32
      %add3A_433 = arith.addi %mul3A_190, %add3A_432 : i32
      %dma_wait3A_434 = arith.constant 3 : i32
      %dma_wait3A_435 = arith.constant 3 : i32
      %dma_wait3A_436 = arith.constant 0 : i32
      %dma_wait3A_437 = arith.constant 0 : i32
      %dma_wait3A_438 = tpu.memref_slice %arg9[%dma_wait3A_434, %dma_wait3A_436, %dma_wait3A_437] : memref<4x128x16xf32, #tpu.memory_space<vmem>> -> memref<1x128x16xf32, #tpu.memory_space<vmem>>
      %dma_wait3A_439 = tpu.memref_squeeze %dma_wait3A_438 : memref<1x128x16xf32, #tpu.memory_space<vmem>> -> memref<128x16xf32, #tpu.memory_space<vmem>>
      %dma_wait3A_440 = arith.constant 0 : i32
      %dma_wait3A_441 = tpu.memref_slice %arg8[%add3A_433, %dma_wait3A_440] : memref<80x128xi32, #tpu.memory_space<vmem>> -> memref<1x128xi32, #tpu.memory_space<vmem>>
      %dma_wait3A_442 = tpu.memref_squeeze %dma_wait3A_441 : memref<1x128xi32, #tpu.memory_space<vmem>> -> memref<128xi32, #tpu.memory_space<vmem>>
      %dma_wait3A_443 = arith.constant 0 : i32
      %dma_wait3A_444 = arith.constant 0 : i32
      %dma_wait3A_445 = tpu.memref_slice %arg11[%dma_wait3A_443, %dma_wait3A_444] : memref<10240x16xf32, #tpu.memory_space<vmem_shared>> -> memref<10240x16xf32, #tpu.memory_space<vmem_shared>>
      %dma_wait3A_446 = tpu.memref_slice %arg13[%dma_wait3A_435] : memref<4x!tpu.dma_semaphore, #tpu.memory_space<semaphore_mem>> -> memref<1x!tpu.dma_semaphore, #tpu.memory_space<semaphore_mem>>
      %dma_wait3A_447 = tpu.memref_squeeze %dma_wait3A_446 : memref<1x!tpu.dma_semaphore, #tpu.memory_space<semaphore_mem>> -> memref<!tpu.dma_semaphore, #tpu.memory_space<semaphore_mem>>
      tpu.wait_indirect_dma semaphore(%dma_wait3A_447 : memref<!tpu.dma_semaphore, #tpu.memory_space<semaphore_mem>>) src(%dma_wait3A_439 : memref<128x16xf32, #tpu.memory_space<vmem>>) dst(%dma_wait3A_445 : memref<10240x16xf32, #tpu.memory_space<vmem_shared>>)
      %dma_start3A_448 = arith.constant 3 : i32
      %dma_start3A_449 = arith.constant 3 : i32
      %dma_start3A_450 = arith.constant 0 : i32
      %dma_start3A_451 = arith.constant 0 : i32
      %dma_start3A_452 = tpu.memref_slice %arg9[%dma_start3A_448, %dma_start3A_450, %dma_start3A_451] : memref<4x128x16xf32, #tpu.memory_space<vmem>> -> memref<1x128x16xf32, #tpu.memory_space<vmem>>
      %dma_start3A_453 = tpu.memref_squeeze %dma_start3A_452 : memref<1x128x16xf32, #tpu.memory_space<vmem>> -> memref<128x16xf32, #tpu.memory_space<vmem>>
      %dma_start3A_454 = arith.constant 0 : i32
      %dma_start3A_455 = tpu.memref_slice %arg7[%min3A_431, %dma_start3A_454] : memref<80x128xi32, #tpu.memory_space<vmem>> -> memref<1x128xi32, #tpu.memory_space<vmem>>
      %dma_start3A_456 = tpu.memref_squeeze %dma_start3A_455 : memref<1x128xi32, #tpu.memory_space<vmem>> -> memref<128xi32, #tpu.memory_space<vmem>>
      %dma_start3A_457 = arith.constant 0 : i32
      %dma_start3A_458 = arith.constant 0 : i32
      %dma_start3A_459 = tpu.memref_slice %arg10[%dma_start3A_457, %dma_start3A_458] : memref<10240x16xf32, #tpu.memory_space<vmem_shared>> -> memref<10240x16xf32, #tpu.memory_space<vmem_shared>>
      %dma_start3A_460 = tpu.memref_slice %arg12[%dma_start3A_449] : memref<4x!tpu.dma_semaphore, #tpu.memory_space<semaphore_mem>> -> memref<1x!tpu.dma_semaphore, #tpu.memory_space<semaphore_mem>>
      %dma_start3A_461 = tpu.memref_squeeze %dma_start3A_460 : memref<1x!tpu.dma_semaphore, #tpu.memory_space<semaphore_mem>> -> memref<!tpu.dma_semaphore, #tpu.memory_space<semaphore_mem>>
      tpu.enqueue_indirect_dma source(%dma_start3A_459 : memref<10240x16xf32, #tpu.memory_space<vmem_shared>>) target(%dma_start3A_453 : memref<128x16xf32, #tpu.memory_space<vmem>>) offsets(%dma_start3A_456 : memref<128xi32, #tpu.memory_space<vmem>>) semaphore(%dma_start3A_461 : memref<!tpu.dma_semaphore, #tpu.memory_space<semaphore_mem>>)
    }
    %scan3A_118 = arith.constant 20 : i32
    %dma_wait3A_119 = arith.constant 0 : i32
    %dma_wait3A_120 = arith.constant 0 : i32
    %dma_wait3A_121 = arith.constant 0 : i32
    %dma_wait3A_122 = arith.constant 0 : i32
    %dma_wait3A_123 = arith.constant 0 : i32
    %dma_wait3A_124 = tpu.memref_slice %arg9[%dma_wait3A_120, %dma_wait3A_122, %dma_wait3A_123] : memref<4x128x16xf32, #tpu.memory_space<vmem>> -> memref<1x128x16xf32, #tpu.memory_space<vmem>>
    %dma_wait3A_125 = tpu.memref_squeeze %dma_wait3A_124 : memref<1x128x16xf32, #tpu.memory_space<vmem>> -> memref<128x16xf32, #tpu.memory_space<vmem>>
    %dma_wait3A_126 = arith.constant 0 : i32
    %dma_wait3A_127 = tpu.memref_slice %arg7[%dma_wait3A_119, %dma_wait3A_126] : memref<80x128xi32, #tpu.memory_space<vmem>> -> memref<1x128xi32, #tpu.memory_space<vmem>>
    %dma_wait3A_128 = tpu.memref_squeeze %dma_wait3A_127 : memref<1x128xi32, #tpu.memory_space<vmem>> -> memref<128xi32, #tpu.memory_space<vmem>>
    %dma_wait3A_129 = arith.constant 0 : i32
    %dma_wait3A_130 = arith.constant 0 : i32
    %dma_wait3A_131 = tpu.memref_slice %arg10[%dma_wait3A_129, %dma_wait3A_130] : memref<10240x16xf32, #tpu.memory_space<vmem_shared>> -> memref<10240x16xf32, #tpu.memory_space<vmem_shared>>
    %dma_wait3A_132 = tpu.memref_slice %arg12[%dma_wait3A_121] : memref<4x!tpu.dma_semaphore, #tpu.memory_space<semaphore_mem>> -> memref<1x!tpu.dma_semaphore, #tpu.memory_space<semaphore_mem>>
    %dma_wait3A_133 = tpu.memref_squeeze %dma_wait3A_132 : memref<1x!tpu.dma_semaphore, #tpu.memory_space<semaphore_mem>> -> memref<!tpu.dma_semaphore, #tpu.memory_space<semaphore_mem>>
    tpu.wait_indirect_dma semaphore(%dma_wait3A_133 : memref<!tpu.dma_semaphore, #tpu.memory_space<semaphore_mem>>) src(%dma_wait3A_131 : memref<10240x16xf32, #tpu.memory_space<vmem_shared>>) dst(%dma_wait3A_125 : memref<128x16xf32, #tpu.memory_space<vmem>>)
    %dma_wait3A_134 = arith.constant 0 : i32
    %dma_wait3A_135 = arith.constant 1 : i32
    %dma_wait3A_136 = arith.constant 1 : i32
    %dma_wait3A_137 = arith.constant 0 : i32
    %dma_wait3A_138 = arith.constant 0 : i32
    %dma_wait3A_139 = tpu.memref_slice %arg9[%dma_wait3A_135, %dma_wait3A_137, %dma_wait3A_138] : memref<4x128x16xf32, #tpu.memory_space<vmem>> -> memref<1x128x16xf32, #tpu.memory_space<vmem>>
    %dma_wait3A_140 = tpu.memref_squeeze %dma_wait3A_139 : memref<1x128x16xf32, #tpu.memory_space<vmem>> -> memref<128x16xf32, #tpu.memory_space<vmem>>
    %dma_wait3A_141 = arith.constant 0 : i32
    %dma_wait3A_142 = tpu.memref_slice %arg7[%dma_wait3A_134, %dma_wait3A_141] : memref<80x128xi32, #tpu.memory_space<vmem>> -> memref<1x128xi32, #tpu.memory_space<vmem>>
    %dma_wait3A_143 = tpu.memref_squeeze %dma_wait3A_142 : memref<1x128xi32, #tpu.memory_space<vmem>> -> memref<128xi32, #tpu.memory_space<vmem>>
    %dma_wait3A_144 = arith.constant 0 : i32
    %dma_wait3A_145 = arith.constant 0 : i32
    %dma_wait3A_146 = tpu.memref_slice %arg10[%dma_wait3A_144, %dma_wait3A_145] : memref<10240x16xf32, #tpu.memory_space<vmem_shared>> -> memref<10240x16xf32, #tpu.memory_space<vmem_shared>>
    %dma_wait3A_147 = tpu.memref_slice %arg12[%dma_wait3A_136] : memref<4x!tpu.dma_semaphore, #tpu.memory_space<semaphore_mem>> -> memref<1x!tpu.dma_semaphore, #tpu.memory_space<semaphore_mem>>
    %dma_wait3A_148 = tpu.memref_squeeze %dma_wait3A_147 : memref<1x!tpu.dma_semaphore, #tpu.memory_space<semaphore_mem>> -> memref<!tpu.dma_semaphore, #tpu.memory_space<semaphore_mem>>
    tpu.wait_indirect_dma semaphore(%dma_wait3A_148 : memref<!tpu.dma_semaphore, #tpu.memory_space<semaphore_mem>>) src(%dma_wait3A_146 : memref<10240x16xf32, #tpu.memory_space<vmem_shared>>) dst(%dma_wait3A_140 : memref<128x16xf32, #tpu.memory_space<vmem>>)
    %dma_wait3A_149 = arith.constant 0 : i32
    %dma_wait3A_150 = arith.constant 2 : i32
    %dma_wait3A_151 = arith.constant 2 : i32
    %dma_wait3A_152 = arith.constant 0 : i32
    %dma_wait3A_153 = arith.constant 0 : i32
    %dma_wait3A_154 = tpu.memref_slice %arg9[%dma_wait3A_150, %dma_wait3A_152, %dma_wait3A_153] : memref<4x128x16xf32, #tpu.memory_space<vmem>> -> memref<1x128x16xf32, #tpu.memory_space<vmem>>
    %dma_wait3A_155 = tpu.memref_squeeze %dma_wait3A_154 : memref<1x128x16xf32, #tpu.memory_space<vmem>> -> memref<128x16xf32, #tpu.memory_space<vmem>>
    %dma_wait3A_156 = arith.constant 0 : i32
    %dma_wait3A_157 = tpu.memref_slice %arg7[%dma_wait3A_149, %dma_wait3A_156] : memref<80x128xi32, #tpu.memory_space<vmem>> -> memref<1x128xi32, #tpu.memory_space<vmem>>
    %dma_wait3A_158 = tpu.memref_squeeze %dma_wait3A_157 : memref<1x128xi32, #tpu.memory_space<vmem>> -> memref<128xi32, #tpu.memory_space<vmem>>
    %dma_wait3A_159 = arith.constant 0 : i32
    %dma_wait3A_160 = arith.constant 0 : i32
    %dma_wait3A_161 = tpu.memref_slice %arg10[%dma_wait3A_159, %dma_wait3A_160] : memref<10240x16xf32, #tpu.memory_space<vmem_shared>> -> memref<10240x16xf32, #tpu.memory_space<vmem_shared>>
    %dma_wait3A_162 = tpu.memref_slice %arg12[%dma_wait3A_151] : memref<4x!tpu.dma_semaphore, #tpu.memory_space<semaphore_mem>> -> memref<1x!tpu.dma_semaphore, #tpu.memory_space<semaphore_mem>>
    %dma_wait3A_163 = tpu.memref_squeeze %dma_wait3A_162 : memref<1x!tpu.dma_semaphore, #tpu.memory_space<semaphore_mem>> -> memref<!tpu.dma_semaphore, #tpu.memory_space<semaphore_mem>>
    tpu.wait_indirect_dma semaphore(%dma_wait3A_163 : memref<!tpu.dma_semaphore, #tpu.memory_space<semaphore_mem>>) src(%dma_wait3A_161 : memref<10240x16xf32, #tpu.memory_space<vmem_shared>>) dst(%dma_wait3A_155 : memref<128x16xf32, #tpu.memory_space<vmem>>)
    %dma_wait3A_164 = arith.constant 0 : i32
    %dma_wait3A_165 = arith.constant 3 : i32
    %dma_wait3A_166 = arith.constant 3 : i32
    %dma_wait3A_167 = arith.constant 0 : i32
    %dma_wait3A_168 = arith.constant 0 : i32
    %dma_wait3A_169 = tpu.memref_slice %arg9[%dma_wait3A_165, %dma_wait3A_167, %dma_wait3A_168] : memref<4x128x16xf32, #tpu.memory_space<vmem>> -> memref<1x128x16xf32, #tpu.memory_space<vmem>>
    %dma_wait3A_170 = tpu.memref_squeeze %dma_wait3A_169 : memref<1x128x16xf32, #tpu.memory_space<vmem>> -> memref<128x16xf32, #tpu.memory_space<vmem>>
    %dma_wait3A_171 = arith.constant 0 : i32
    %dma_wait3A_172 = tpu.memref_slice %arg7[%dma_wait3A_164, %dma_wait3A_171] : memref<80x128xi32, #tpu.memory_space<vmem>> -> memref<1x128xi32, #tpu.memory_space<vmem>>
    %dma_wait3A_173 = tpu.memref_squeeze %dma_wait3A_172 : memref<1x128xi32, #tpu.memory_space<vmem>> -> memref<128xi32, #tpu.memory_space<vmem>>
    %dma_wait3A_174 = arith.constant 0 : i32
    %dma_wait3A_175 = arith.constant 0 : i32
    %dma_wait3A_176 = tpu.memref_slice %arg10[%dma_wait3A_174, %dma_wait3A_175] : memref<10240x16xf32, #tpu.memory_space<vmem_shared>> -> memref<10240x16xf32, #tpu.memory_space<vmem_shared>>
    %dma_wait3A_177 = tpu.memref_slice %arg12[%dma_wait3A_166] : memref<4x!tpu.dma_semaphore, #tpu.memory_space<semaphore_mem>> -> memref<1x!tpu.dma_semaphore, #tpu.memory_space<semaphore_mem>>
    %dma_wait3A_178 = tpu.memref_squeeze %dma_wait3A_177 : memref<1x!tpu.dma_semaphore, #tpu.memory_space<semaphore_mem>> -> memref<!tpu.dma_semaphore, #tpu.memory_space<semaphore_mem>>
    tpu.wait_indirect_dma semaphore(%dma_wait3A_178 : memref<!tpu.dma_semaphore, #tpu.memory_space<semaphore_mem>>) src(%dma_wait3A_176 : memref<10240x16xf32, #tpu.memory_space<vmem_shared>>) dst(%dma_wait3A_170 : memref<128x16xf32, #tpu.memory_space<vmem>>)
    %barrier3A_179 = arith.constant 0 : index
    tpu.barrier barrier_id(%barrier3A_179)
    %mul3A_180 = arith.constant 640 : i32
    %mul3A_181 = arith.muli %arg1, %mul3A_180 : i32
    %mul3A_182 = arith.constant 640 : i32
    %mul3A_183 = arith.muli %arg1, %mul3A_182 : i32
    "tpu.region"() ({
      %run_scoped3A_184 = tpu.sem_alloc : memref<!tpu.dma_semaphore, #tpu.memory_space<semaphore_mem>>
      %dma_start3A_185 = arith.constant 0 : i32
      %dma_start3A_186 = tpu.memref_slice %arg6[%arg0, %mul3A_183, %dma_start3A_185] : memref<2x10240x16xf32, #tpu.memory_space<hbm>> -> memref<1x640x16xf32, #tpu.memory_space<hbm>>
      %dma_start3A_187 = tpu.memref_squeeze %dma_start3A_186 : memref<1x640x16xf32, #tpu.memory_space<hbm>> -> memref<640x16xf32, #tpu.memory_space<hbm>>
      %dma_start3A_188 = arith.constant 0 : i32
      %dma_start3A_189 = tpu.memref_slice %arg11[%mul3A_181, %dma_start3A_188] : memref<10240x16xf32, #tpu.memory_space<vmem_shared>> -> memref<640x16xf32, #tpu.memory_space<vmem_shared>>
      tpu.enqueue_dma source(%dma_start3A_189 : memref<640x16xf32, #tpu.memory_space<vmem_shared>>) target(%dma_start3A_187 : memref<640x16xf32, #tpu.memory_space<hbm>>) target_semaphore(%run_scoped3A_184 : memref<!tpu.dma_semaphore, #tpu.memory_space<semaphore_mem>>)
      %dma_wait3A_190 = arith.constant 0 : i32
      %dma_wait3A_191 = tpu.memref_slice %arg6[%arg0, %mul3A_183, %dma_wait3A_190] : memref<2x10240x16xf32, #tpu.memory_space<hbm>> -> memref<1x640x16xf32, #tpu.memory_space<hbm>>
      %dma_wait3A_192 = tpu.memref_squeeze %dma_wait3A_191 : memref<1x640x16xf32, #tpu.memory_space<hbm>> -> memref<640x16xf32, #tpu.memory_space<hbm>>
      %dma_wait3A_193 = arith.constant 0 : i32
      %dma_wait3A_194 = tpu.memref_slice %arg11[%mul3A_181, %dma_wait3A_193] : memref<10240x16xf32, #tpu.memory_space<vmem_shared>> -> memref<640x16xf32, #tpu.memory_space<vmem_shared>>
      tpu.wait_dma2 semaphore(%run_scoped3A_184 : memref<!tpu.dma_semaphore, #tpu.memory_space<semaphore_mem>>) src(%dma_wait3A_194 : memref<640x16xf32, #tpu.memory_space<vmem_shared>>) dst(%dma_wait3A_192 : memref<640x16xf32, #tpu.memory_space<hbm>>)
      tpu.yield
    }) : () -> ()
    return
  }
}

#map = affine_map<(d0, d1) -> (0, 0)>
#map1 = affine_map<(d0, d1) -> (0, 0, 0)>
module attributes {stable_mosaic.version = 14 : i64} {
  func.func @body(%arg0: i32, %arg1: i32, %arg2: memref<2560x128xi32, #tpu.memory_space<hbm>>, %arg3: memref<2x128x16xf32, #tpu.memory_space<hbm>>, %arg4: memref<2x10240x16xf32, #tpu.memory_space<hbm>>, %arg5: memref<80x128xi32, #tpu.memory_space<vmem>>, %arg6: memref<4x128x16xf32, #tpu.memory_space<vmem>>, %arg7: memref<10240x16xf32, #tpu.memory_space<vmem_shared>>, %arg8: memref<4x!tpu.dma_semaphore, #tpu.memory_space<semaphore_mem>>, %arg9: memref<4x!tpu.dma_semaphore, #tpu.memory_space<semaphore_mem>>, %arg10: memref<3x!tpu.dma_semaphore, #tpu.memory_space<semaphore_mem>>) attributes {dimension_semantics = [#tpu.dimension_semantics<core_parallel>, #tpu.dimension_semantics<subcore_parallel>], iteration_bounds = array<i64: 2, 16>, scalar_prefetch = 0 : i64, scratch_operands = 6 : i64, tpu.core_type = #tpu.core_type<sc_vector_subcore>, window_params = [{transform_indices = #map}, {transform_indices = #map1}, {transform_indices = #map1}]} {
    %mul3A = arith.constant 16 : i32
    %mul3A_0 = arith.muli %arg0, %mul3A : i32
    %add3A = arith.addi %mul3A_0, %arg1 : i32
    %mul3A_1 = arith.constant 80 : i32
    %mul3A_2 = arith.muli %add3A, %mul3A_1 : i32
    %dma_start3A = arith.constant 0 : i32
    %dma_start3A_3 = arith.constant 0 : i32
    %dma_start3A_4 = tpu.memref_slice %arg2[%mul3A_2, %dma_start3A_3] : memref<2560x128xi32, #tpu.memory_space<hbm>> -> memref<80x128xi32, #tpu.memory_space<hbm>>
    %dma_start3A_5 = tpu.memref_slice %arg10[%dma_start3A] : memref<3x!tpu.dma_semaphore, #tpu.memory_space<semaphore_mem>> -> memref<1x!tpu.dma_semaphore, #tpu.memory_space<semaphore_mem>>
    %dma_start3A_6 = tpu.memref_squeeze %dma_start3A_5 : memref<1x!tpu.dma_semaphore, #tpu.memory_space<semaphore_mem>> -> memref<!tpu.dma_semaphore, #tpu.memory_space<semaphore_mem>>
    %dma_start3A_7 = arith.constant 0 : i32
    %dma_start3A_8 = tpu.memref_slice %arg2[%mul3A_2, %dma_start3A_7] : memref<2560x128xi32, #tpu.memory_space<hbm>> -> memref<80x128xi32, #tpu.memory_space<hbm>>
    tpu.enqueue_dma source(%dma_start3A_8 : memref<80x128xi32, #tpu.memory_space<hbm>>) target(%arg5 : memref<80x128xi32, #tpu.memory_space<vmem>>) target_semaphore(%dma_start3A_6 : memref<!tpu.dma_semaphore, #tpu.memory_space<semaphore_mem>>)
    %run_scoped3A = arith.constant 0 : i32
    %run_scoped3A_9 = arith.constant 0 : i32
    "tpu.region"() ({
      %run_scoped3A_158 = tpu.sem_alloc : memref<!tpu.dma_semaphore, #tpu.memory_space<semaphore_mem>>
      %dma_start3A_159 = arith.constant 0 : i32
      %dma_start3A_160 = arith.constant 0 : i32
      %dma_start3A_161 = tpu.memref_slice %arg6[%run_scoped3A_9, %dma_start3A_159, %dma_start3A_160] : memref<4x128x16xf32, #tpu.memory_space<vmem>> -> memref<1x128x16xf32, #tpu.memory_space<vmem>>
      %dma_start3A_162 = tpu.memref_squeeze %dma_start3A_161 : memref<1x128x16xf32, #tpu.memory_space<vmem>> -> memref<128x16xf32, #tpu.memory_space<vmem>>
      %dma_start3A_163 = arith.constant 0 : i32
      %dma_start3A_164 = arith.constant 0 : i32
      %dma_start3A_165 = tpu.memref_slice %arg3[%run_scoped3A, %dma_start3A_163, %dma_start3A_164] : memref<2x128x16xf32, #tpu.memory_space<hbm>> -> memref<1x128x16xf32, #tpu.memory_space<hbm>>
      %dma_start3A_166 = tpu.memref_squeeze %dma_start3A_165 : memref<1x128x16xf32, #tpu.memory_space<hbm>> -> memref<128x16xf32, #tpu.memory_space<hbm>>
      %dma_start3A_167 = arith.constant 0 : i32
      %dma_start3A_168 = arith.constant 0 : i32
      %dma_start3A_169 = tpu.memref_slice %arg6[%run_scoped3A_9, %dma_start3A_167, %dma_start3A_168] : memref<4x128x16xf32, #tpu.memory_space<vmem>> -> memref<1x128x16xf32, #tpu.memory_space<vmem>>
      %dma_start3A_170 = tpu.memref_squeeze %dma_start3A_169 : memref<1x128x16xf32, #tpu.memory_space<vmem>> -> memref<128x16xf32, #tpu.memory_space<vmem>>
      %dma_start3A_171 = arith.constant 0 : i32
      %dma_start3A_172 = arith.constant 0 : i32
      %dma_start3A_173 = tpu.memref_slice %arg3[%run_scoped3A, %dma_start3A_171, %dma_start3A_172] : memref<2x128x16xf32, #tpu.memory_space<hbm>> -> memref<1x128x16xf32, #tpu.memory_space<hbm>>
      %dma_start3A_174 = tpu.memref_squeeze %dma_start3A_173 : memref<1x128x16xf32, #tpu.memory_space<hbm>> -> memref<128x16xf32, #tpu.memory_space<hbm>>
      tpu.enqueue_dma source(%dma_start3A_174 : memref<128x16xf32, #tpu.memory_space<hbm>>) target(%dma_start3A_170 : memref<128x16xf32, #tpu.memory_space<vmem>>) target_semaphore(%run_scoped3A_158 : memref<!tpu.dma_semaphore, #tpu.memory_space<semaphore_mem>>)
      %dma_wait3A_175 = arith.constant 0 : i32
      %dma_wait3A_176 = arith.constant 0 : i32
      %dma_wait3A_177 = tpu.memref_slice %arg6[%run_scoped3A_9, %dma_wait3A_175, %dma_wait3A_176] : memref<4x128x16xf32, #tpu.memory_space<vmem>> -> memref<1x128x16xf32, #tpu.memory_space<vmem>>
      %dma_wait3A_178 = tpu.memref_squeeze %dma_wait3A_177 : memref<1x128x16xf32, #tpu.memory_space<vmem>> -> memref<128x16xf32, #tpu.memory_space<vmem>>
      %dma_wait3A_179 = arith.constant 0 : i32
      %dma_wait3A_180 = arith.constant 0 : i32
      %dma_wait3A_181 = tpu.memref_slice %arg3[%run_scoped3A, %dma_wait3A_179, %dma_wait3A_180] : memref<2x128x16xf32, #tpu.memory_space<hbm>> -> memref<1x128x16xf32, #tpu.memory_space<hbm>>
      %dma_wait3A_182 = tpu.memref_squeeze %dma_wait3A_181 : memref<1x128x16xf32, #tpu.memory_space<hbm>> -> memref<128x16xf32, #tpu.memory_space<hbm>>
      %dma_wait3A_183 = arith.constant 0 : i32
      %dma_wait3A_184 = arith.constant 0 : i32
      %dma_wait3A_185 = tpu.memref_slice %arg6[%run_scoped3A_9, %dma_wait3A_183, %dma_wait3A_184] : memref<4x128x16xf32, #tpu.memory_space<vmem>> -> memref<1x128x16xf32, #tpu.memory_space<vmem>>
      %dma_wait3A_186 = tpu.memref_squeeze %dma_wait3A_185 : memref<1x128x16xf32, #tpu.memory_space<vmem>> -> memref<128x16xf32, #tpu.memory_space<vmem>>
      %dma_wait3A_187 = arith.constant 0 : i32
      %dma_wait3A_188 = arith.constant 0 : i32
      %dma_wait3A_189 = tpu.memref_slice %arg3[%run_scoped3A, %dma_wait3A_187, %dma_wait3A_188] : memref<2x128x16xf32, #tpu.memory_space<hbm>> -> memref<1x128x16xf32, #tpu.memory_space<hbm>>
      %dma_wait3A_190 = tpu.memref_squeeze %dma_wait3A_189 : memref<1x128x16xf32, #tpu.memory_space<hbm>> -> memref<128x16xf32, #tpu.memory_space<hbm>>
      tpu.wait_dma2 semaphore(%run_scoped3A_158 : memref<!tpu.dma_semaphore, #tpu.memory_space<semaphore_mem>>) src(%dma_wait3A_190 : memref<128x16xf32, #tpu.memory_space<hbm>>) dst(%dma_wait3A_186 : memref<128x16xf32, #tpu.memory_space<vmem>>)
      tpu.yield
    }) : () -> ()
    %scan3A = arith.constant 0 : i32
    %scan3A_10 = arith.constant 5 : i32
    %scan3A_11 = arith.addi %scan3A, %scan3A_10 : i32
    %scan3A_12 = arith.constant 1 : i32
    scf.for %scan3A_158 = %scan3A to %scan3A_11 step %scan3A_12  : i32 {
      %mul3A_159 = arith.constant 1 : i32
      %mul3A_160 = arith.muli %scan3A_158, %mul3A_159 : i32
      %add3A_161 = arith.constant 0 : i32
      %add3A_162 = arith.addi %add3A_161, %mul3A_160 : i32
      %mul3A_163 = arith.constant 640 : i32
      %mul3A_164 = arith.muli %arg1, %mul3A_163 : i32
      %mul3A_165 = arith.constant 128 : i32
      %mul3A_166 = arith.muli %add3A_162, %mul3A_165 : i32
      %add3A_167 = arith.addi %mul3A_164, %mul3A_166 : i32
      %run_scoped3A_168 = arith.constant 0 : i32
      "tpu.region"() ({
        %run_scoped3A_169 = tpu.sem_alloc : memref<!tpu.dma_semaphore, #tpu.memory_space<semaphore_mem>>
        %dma_start3A_170 = arith.constant 0 : i32
        %dma_start3A_171 = arith.constant 0 : i32
        %dma_start3A_172 = tpu.memref_slice %arg6[%run_scoped3A_168, %dma_start3A_170, %dma_start3A_171] : memref<4x128x16xf32, #tpu.memory_space<vmem>> -> memref<1x128x16xf32, #tpu.memory_space<vmem>>
        %dma_start3A_173 = tpu.memref_squeeze %dma_start3A_172 : memref<1x128x16xf32, #tpu.memory_space<vmem>> -> memref<128x16xf32, #tpu.memory_space<vmem>>
        %dma_start3A_174 = arith.constant 0 : i32
        %dma_start3A_175 = tpu.memref_slice %arg7[%add3A_167, %dma_start3A_174] : memref<10240x16xf32, #tpu.memory_space<vmem_shared>> -> memref<128x16xf32, #tpu.memory_space<vmem_shared>>
        %dma_start3A_176 = arith.constant 0 : i32
        %dma_start3A_177 = tpu.memref_slice %arg7[%add3A_167, %dma_start3A_176] : memref<10240x16xf32, #tpu.memory_space<vmem_shared>> -> memref<128x16xf32, #tpu.memory_space<vmem_shared>>
        %dma_start3A_178 = arith.constant 0 : i32
        %dma_start3A_179 = arith.constant 0 : i32
        %dma_start3A_180 = tpu.memref_slice %arg6[%run_scoped3A_168, %dma_start3A_178, %dma_start3A_179] : memref<4x128x16xf32, #tpu.memory_space<vmem>> -> memref<1x128x16xf32, #tpu.memory_space<vmem>>
        %dma_start3A_181 = tpu.memref_squeeze %dma_start3A_180 : memref<1x128x16xf32, #tpu.memory_space<vmem>> -> memref<128x16xf32, #tpu.memory_space<vmem>>
        tpu.enqueue_dma source(%dma_start3A_181 : memref<128x16xf32, #tpu.memory_space<vmem>>) target(%dma_start3A_177 : memref<128x16xf32, #tpu.memory_space<vmem_shared>>) target_semaphore(%run_scoped3A_169 : memref<!tpu.dma_semaphore, #tpu.memory_space<semaphore_mem>>)
        %dma_wait3A_182 = arith.constant 0 : i32
        %dma_wait3A_183 = arith.constant 0 : i32
        %dma_wait3A_184 = tpu.memref_slice %arg6[%run_scoped3A_168, %dma_wait3A_182, %dma_wait3A_183] : memref<4x128x16xf32, #tpu.memory_space<vmem>> -> memref<1x128x16xf32, #tpu.memory_space<vmem>>
        %dma_wait3A_185 = tpu.memref_squeeze %dma_wait3A_184 : memref<1x128x16xf32, #tpu.memory_space<vmem>> -> memref<128x16xf32, #tpu.memory_space<vmem>>
        %dma_wait3A_186 = arith.constant 0 : i32
        %dma_wait3A_187 = tpu.memref_slice %arg7[%add3A_167, %dma_wait3A_186] : memref<10240x16xf32, #tpu.memory_space<vmem_shared>> -> memref<128x16xf32, #tpu.memory_space<vmem_shared>>
        %dma_wait3A_188 = arith.constant 0 : i32
        %dma_wait3A_189 = tpu.memref_slice %arg7[%add3A_167, %dma_wait3A_188] : memref<10240x16xf32, #tpu.memory_space<vmem_shared>> -> memref<128x16xf32, #tpu.memory_space<vmem_shared>>
        %dma_wait3A_190 = arith.constant 0 : i32
        %dma_wait3A_191 = arith.constant 0 : i32
        %dma_wait3A_192 = tpu.memref_slice %arg6[%run_scoped3A_168, %dma_wait3A_190, %dma_wait3A_191] : memref<4x128x16xf32, #tpu.memory_space<vmem>> -> memref<1x128x16xf32, #tpu.memory_space<vmem>>
        %dma_wait3A_193 = tpu.memref_squeeze %dma_wait3A_192 : memref<1x128x16xf32, #tpu.memory_space<vmem>> -> memref<128x16xf32, #tpu.memory_space<vmem>>
        tpu.wait_dma2 semaphore(%run_scoped3A_169 : memref<!tpu.dma_semaphore, #tpu.memory_space<semaphore_mem>>) src(%dma_wait3A_193 : memref<128x16xf32, #tpu.memory_space<vmem>>) dst(%dma_wait3A_189 : memref<128x16xf32, #tpu.memory_space<vmem_shared>>)
        tpu.yield
      }) : () -> ()
    }
    %scan3A_13 = arith.constant 5 : i32
    %run_scoped3A_14 = arith.constant 1 : i32
    %run_scoped3A_15 = arith.constant 0 : i32
    "tpu.region"() ({
      %run_scoped3A_158 = tpu.sem_alloc : memref<!tpu.dma_semaphore, #tpu.memory_space<semaphore_mem>>
      %dma_start3A_159 = arith.constant 0 : i32
      %dma_start3A_160 = arith.constant 0 : i32
      %dma_start3A_161 = tpu.memref_slice %arg6[%run_scoped3A_15, %dma_start3A_159, %dma_start3A_160] : memref<4x128x16xf32, #tpu.memory_space<vmem>> -> memref<1x128x16xf32, #tpu.memory_space<vmem>>
      %dma_start3A_162 = tpu.memref_squeeze %dma_start3A_161 : memref<1x128x16xf32, #tpu.memory_space<vmem>> -> memref<128x16xf32, #tpu.memory_space<vmem>>
      %dma_start3A_163 = arith.constant 0 : i32
      %dma_start3A_164 = arith.constant 0 : i32
      %dma_start3A_165 = tpu.memref_slice %arg3[%run_scoped3A_14, %dma_start3A_163, %dma_start3A_164] : memref<2x128x16xf32, #tpu.memory_space<hbm>> -> memref<1x128x16xf32, #tpu.memory_space<hbm>>
      %dma_start3A_166 = tpu.memref_squeeze %dma_start3A_165 : memref<1x128x16xf32, #tpu.memory_space<hbm>> -> memref<128x16xf32, #tpu.memory_space<hbm>>
      %dma_start3A_167 = arith.constant 0 : i32
      %dma_start3A_168 = arith.constant 0 : i32
      %dma_start3A_169 = tpu.memref_slice %arg6[%run_scoped3A_15, %dma_start3A_167, %dma_start3A_168] : memref<4x128x16xf32, #tpu.memory_space<vmem>> -> memref<1x128x16xf32, #tpu.memory_space<vmem>>
      %dma_start3A_170 = tpu.memref_squeeze %dma_start3A_169 : memref<1x128x16xf32, #tpu.memory_space<vmem>> -> memref<128x16xf32, #tpu.memory_space<vmem>>
      %dma_start3A_171 = arith.constant 0 : i32
      %dma_start3A_172 = arith.constant 0 : i32
      %dma_start3A_173 = tpu.memref_slice %arg3[%run_scoped3A_14, %dma_start3A_171, %dma_start3A_172] : memref<2x128x16xf32, #tpu.memory_space<hbm>> -> memref<1x128x16xf32, #tpu.memory_space<hbm>>
      %dma_start3A_174 = tpu.memref_squeeze %dma_start3A_173 : memref<1x128x16xf32, #tpu.memory_space<hbm>> -> memref<128x16xf32, #tpu.memory_space<hbm>>
      tpu.enqueue_dma source(%dma_start3A_174 : memref<128x16xf32, #tpu.memory_space<hbm>>) target(%dma_start3A_170 : memref<128x16xf32, #tpu.memory_space<vmem>>) target_semaphore(%run_scoped3A_158 : memref<!tpu.dma_semaphore, #tpu.memory_space<semaphore_mem>>)
      %dma_wait3A_175 = arith.constant 0 : i32
      %dma_wait3A_176 = arith.constant 0 : i32
      %dma_wait3A_177 = tpu.memref_slice %arg6[%run_scoped3A_15, %dma_wait3A_175, %dma_wait3A_176] : memref<4x128x16xf32, #tpu.memory_space<vmem>> -> memref<1x128x16xf32, #tpu.memory_space<vmem>>
      %dma_wait3A_178 = tpu.memref_squeeze %dma_wait3A_177 : memref<1x128x16xf32, #tpu.memory_space<vmem>> -> memref<128x16xf32, #tpu.memory_space<vmem>>
      %dma_wait3A_179 = arith.constant 0 : i32
      %dma_wait3A_180 = arith.constant 0 : i32
      %dma_wait3A_181 = tpu.memref_slice %arg3[%run_scoped3A_14, %dma_wait3A_179, %dma_wait3A_180] : memref<2x128x16xf32, #tpu.memory_space<hbm>> -> memref<1x128x16xf32, #tpu.memory_space<hbm>>
      %dma_wait3A_182 = tpu.memref_squeeze %dma_wait3A_181 : memref<1x128x16xf32, #tpu.memory_space<hbm>> -> memref<128x16xf32, #tpu.memory_space<hbm>>
      %dma_wait3A_183 = arith.constant 0 : i32
      %dma_wait3A_184 = arith.constant 0 : i32
      %dma_wait3A_185 = tpu.memref_slice %arg6[%run_scoped3A_15, %dma_wait3A_183, %dma_wait3A_184] : memref<4x128x16xf32, #tpu.memory_space<vmem>> -> memref<1x128x16xf32, #tpu.memory_space<vmem>>
      %dma_wait3A_186 = tpu.memref_squeeze %dma_wait3A_185 : memref<1x128x16xf32, #tpu.memory_space<vmem>> -> memref<128x16xf32, #tpu.memory_space<vmem>>
      %dma_wait3A_187 = arith.constant 0 : i32
      %dma_wait3A_188 = arith.constant 0 : i32
      %dma_wait3A_189 = tpu.memref_slice %arg3[%run_scoped3A_14, %dma_wait3A_187, %dma_wait3A_188] : memref<2x128x16xf32, #tpu.memory_space<hbm>> -> memref<1x128x16xf32, #tpu.memory_space<hbm>>
      %dma_wait3A_190 = tpu.memref_squeeze %dma_wait3A_189 : memref<1x128x16xf32, #tpu.memory_space<hbm>> -> memref<128x16xf32, #tpu.memory_space<hbm>>
      tpu.wait_dma2 semaphore(%run_scoped3A_158 : memref<!tpu.dma_semaphore, #tpu.memory_space<semaphore_mem>>) src(%dma_wait3A_190 : memref<128x16xf32, #tpu.memory_space<hbm>>) dst(%dma_wait3A_186 : memref<128x16xf32, #tpu.memory_space<vmem>>)
      tpu.yield
    }) : () -> ()
    %run_scoped3A_16 = arith.constant 1 : i32
    %run_scoped3A_17 = arith.constant 1 : i32
    "tpu.region"() ({
      %run_scoped3A_158 = tpu.sem_alloc : memref<!tpu.dma_semaphore, #tpu.memory_space<semaphore_mem>>
      %dma_start3A_159 = arith.constant 0 : i32
      %dma_start3A_160 = arith.constant 0 : i32
      %dma_start3A_161 = tpu.memref_slice %arg6[%run_scoped3A_17, %dma_start3A_159, %dma_start3A_160] : memref<4x128x16xf32, #tpu.memory_space<vmem>> -> memref<1x128x16xf32, #tpu.memory_space<vmem>>
      %dma_start3A_162 = tpu.memref_squeeze %dma_start3A_161 : memref<1x128x16xf32, #tpu.memory_space<vmem>> -> memref<128x16xf32, #tpu.memory_space<vmem>>
      %dma_start3A_163 = arith.constant 0 : i32
      %dma_start3A_164 = arith.constant 0 : i32
      %dma_start3A_165 = tpu.memref_slice %arg3[%run_scoped3A_16, %dma_start3A_163, %dma_start3A_164] : memref<2x128x16xf32, #tpu.memory_space<hbm>> -> memref<1x128x16xf32, #tpu.memory_space<hbm>>
      %dma_start3A_166 = tpu.memref_squeeze %dma_start3A_165 : memref<1x128x16xf32, #tpu.memory_space<hbm>> -> memref<128x16xf32, #tpu.memory_space<hbm>>
      %dma_start3A_167 = arith.constant 0 : i32
      %dma_start3A_168 = arith.constant 0 : i32
      %dma_start3A_169 = tpu.memref_slice %arg6[%run_scoped3A_17, %dma_start3A_167, %dma_start3A_168] : memref<4x128x16xf32, #tpu.memory_space<vmem>> -> memref<1x128x16xf32, #tpu.memory_space<vmem>>
      %dma_start3A_170 = tpu.memref_squeeze %dma_start3A_169 : memref<1x128x16xf32, #tpu.memory_space<vmem>> -> memref<128x16xf32, #tpu.memory_space<vmem>>
      %dma_start3A_171 = arith.constant 0 : i32
      %dma_start3A_172 = arith.constant 0 : i32
      %dma_start3A_173 = tpu.memref_slice %arg3[%run_scoped3A_16, %dma_start3A_171, %dma_start3A_172] : memref<2x128x16xf32, #tpu.memory_space<hbm>> -> memref<1x128x16xf32, #tpu.memory_space<hbm>>
      %dma_start3A_174 = tpu.memref_squeeze %dma_start3A_173 : memref<1x128x16xf32, #tpu.memory_space<hbm>> -> memref<128x16xf32, #tpu.memory_space<hbm>>
      tpu.enqueue_dma source(%dma_start3A_174 : memref<128x16xf32, #tpu.memory_space<hbm>>) target(%dma_start3A_170 : memref<128x16xf32, #tpu.memory_space<vmem>>) target_semaphore(%run_scoped3A_158 : memref<!tpu.dma_semaphore, #tpu.memory_space<semaphore_mem>>)
      %dma_wait3A_175 = arith.constant 0 : i32
      %dma_wait3A_176 = arith.constant 0 : i32
      %dma_wait3A_177 = tpu.memref_slice %arg6[%run_scoped3A_17, %dma_wait3A_175, %dma_wait3A_176] : memref<4x128x16xf32, #tpu.memory_space<vmem>> -> memref<1x128x16xf32, #tpu.memory_space<vmem>>
      %dma_wait3A_178 = tpu.memref_squeeze %dma_wait3A_177 : memref<1x128x16xf32, #tpu.memory_space<vmem>> -> memref<128x16xf32, #tpu.memory_space<vmem>>
      %dma_wait3A_179 = arith.constant 0 : i32
      %dma_wait3A_180 = arith.constant 0 : i32
      %dma_wait3A_181 = tpu.memref_slice %arg3[%run_scoped3A_16, %dma_wait3A_179, %dma_wait3A_180] : memref<2x128x16xf32, #tpu.memory_space<hbm>> -> memref<1x128x16xf32, #tpu.memory_space<hbm>>
      %dma_wait3A_182 = tpu.memref_squeeze %dma_wait3A_181 : memref<1x128x16xf32, #tpu.memory_space<hbm>> -> memref<128x16xf32, #tpu.memory_space<hbm>>
      %dma_wait3A_183 = arith.constant 0 : i32
      %dma_wait3A_184 = arith.constant 0 : i32
      %dma_wait3A_185 = tpu.memref_slice %arg6[%run_scoped3A_17, %dma_wait3A_183, %dma_wait3A_184] : memref<4x128x16xf32, #tpu.memory_space<vmem>> -> memref<1x128x16xf32, #tpu.memory_space<vmem>>
      %dma_wait3A_186 = tpu.memref_squeeze %dma_wait3A_185 : memref<1x128x16xf32, #tpu.memory_space<vmem>> -> memref<128x16xf32, #tpu.memory_space<vmem>>
      %dma_wait3A_187 = arith.constant 0 : i32
      %dma_wait3A_188 = arith.constant 0 : i32
      %dma_wait3A_189 = tpu.memref_slice %arg3[%run_scoped3A_16, %dma_wait3A_187, %dma_wait3A_188] : memref<2x128x16xf32, #tpu.memory_space<hbm>> -> memref<1x128x16xf32, #tpu.memory_space<hbm>>
      %dma_wait3A_190 = tpu.memref_squeeze %dma_wait3A_189 : memref<1x128x16xf32, #tpu.memory_space<hbm>> -> memref<128x16xf32, #tpu.memory_space<hbm>>
      tpu.wait_dma2 semaphore(%run_scoped3A_158 : memref<!tpu.dma_semaphore, #tpu.memory_space<semaphore_mem>>) src(%dma_wait3A_190 : memref<128x16xf32, #tpu.memory_space<hbm>>) dst(%dma_wait3A_186 : memref<128x16xf32, #tpu.memory_space<vmem>>)
      tpu.yield
    }) : () -> ()
    %run_scoped3A_18 = arith.constant 1 : i32
    %run_scoped3A_19 = arith.constant 2 : i32
    "tpu.region"() ({
      %run_scoped3A_158 = tpu.sem_alloc : memref<!tpu.dma_semaphore, #tpu.memory_space<semaphore_mem>>
      %dma_start3A_159 = arith.constant 0 : i32
      %dma_start3A_160 = arith.constant 0 : i32
      %dma_start3A_161 = tpu.memref_slice %arg6[%run_scoped3A_19, %dma_start3A_159, %dma_start3A_160] : memref<4x128x16xf32, #tpu.memory_space<vmem>> -> memref<1x128x16xf32, #tpu.memory_space<vmem>>
      %dma_start3A_162 = tpu.memref_squeeze %dma_start3A_161 : memref<1x128x16xf32, #tpu.memory_space<vmem>> -> memref<128x16xf32, #tpu.memory_space<vmem>>
      %dma_start3A_163 = arith.constant 0 : i32
      %dma_start3A_164 = arith.constant 0 : i32
      %dma_start3A_165 = tpu.memref_slice %arg3[%run_scoped3A_18, %dma_start3A_163, %dma_start3A_164] : memref<2x128x16xf32, #tpu.memory_space<hbm>> -> memref<1x128x16xf32, #tpu.memory_space<hbm>>
      %dma_start3A_166 = tpu.memref_squeeze %dma_start3A_165 : memref<1x128x16xf32, #tpu.memory_space<hbm>> -> memref<128x16xf32, #tpu.memory_space<hbm>>
      %dma_start3A_167 = arith.constant 0 : i32
      %dma_start3A_168 = arith.constant 0 : i32
      %dma_start3A_169 = tpu.memref_slice %arg6[%run_scoped3A_19, %dma_start3A_167, %dma_start3A_168] : memref<4x128x16xf32, #tpu.memory_space<vmem>> -> memref<1x128x16xf32, #tpu.memory_space<vmem>>
      %dma_start3A_170 = tpu.memref_squeeze %dma_start3A_169 : memref<1x128x16xf32, #tpu.memory_space<vmem>> -> memref<128x16xf32, #tpu.memory_space<vmem>>
      %dma_start3A_171 = arith.constant 0 : i32
      %dma_start3A_172 = arith.constant 0 : i32
      %dma_start3A_173 = tpu.memref_slice %arg3[%run_scoped3A_18, %dma_start3A_171, %dma_start3A_172] : memref<2x128x16xf32, #tpu.memory_space<hbm>> -> memref<1x128x16xf32, #tpu.memory_space<hbm>>
      %dma_start3A_174 = tpu.memref_squeeze %dma_start3A_173 : memref<1x128x16xf32, #tpu.memory_space<hbm>> -> memref<128x16xf32, #tpu.memory_space<hbm>>
      tpu.enqueue_dma source(%dma_start3A_174 : memref<128x16xf32, #tpu.memory_space<hbm>>) target(%dma_start3A_170 : memref<128x16xf32, #tpu.memory_space<vmem>>) target_semaphore(%run_scoped3A_158 : memref<!tpu.dma_semaphore, #tpu.memory_space<semaphore_mem>>)
      %dma_wait3A_175 = arith.constant 0 : i32
      %dma_wait3A_176 = arith.constant 0 : i32
      %dma_wait3A_177 = tpu.memref_slice %arg6[%run_scoped3A_19, %dma_wait3A_175, %dma_wait3A_176] : memref<4x128x16xf32, #tpu.memory_space<vmem>> -> memref<1x128x16xf32, #tpu.memory_space<vmem>>
      %dma_wait3A_178 = tpu.memref_squeeze %dma_wait3A_177 : memref<1x128x16xf32, #tpu.memory_space<vmem>> -> memref<128x16xf32, #tpu.memory_space<vmem>>
      %dma_wait3A_179 = arith.constant 0 : i32
      %dma_wait3A_180 = arith.constant 0 : i32
      %dma_wait3A_181 = tpu.memref_slice %arg3[%run_scoped3A_18, %dma_wait3A_179, %dma_wait3A_180] : memref<2x128x16xf32, #tpu.memory_space<hbm>> -> memref<1x128x16xf32, #tpu.memory_space<hbm>>
      %dma_wait3A_182 = tpu.memref_squeeze %dma_wait3A_181 : memref<1x128x16xf32, #tpu.memory_space<hbm>> -> memref<128x16xf32, #tpu.memory_space<hbm>>
      %dma_wait3A_183 = arith.constant 0 : i32
      %dma_wait3A_184 = arith.constant 0 : i32
      %dma_wait3A_185 = tpu.memref_slice %arg6[%run_scoped3A_19, %dma_wait3A_183, %dma_wait3A_184] : memref<4x128x16xf32, #tpu.memory_space<vmem>> -> memref<1x128x16xf32, #tpu.memory_space<vmem>>
      %dma_wait3A_186 = tpu.memref_squeeze %dma_wait3A_185 : memref<1x128x16xf32, #tpu.memory_space<vmem>> -> memref<128x16xf32, #tpu.memory_space<vmem>>
      %dma_wait3A_187 = arith.constant 0 : i32
      %dma_wait3A_188 = arith.constant 0 : i32
      %dma_wait3A_189 = tpu.memref_slice %arg3[%run_scoped3A_18, %dma_wait3A_187, %dma_wait3A_188] : memref<2x128x16xf32, #tpu.memory_space<hbm>> -> memref<1x128x16xf32, #tpu.memory_space<hbm>>
      %dma_wait3A_190 = tpu.memref_squeeze %dma_wait3A_189 : memref<1x128x16xf32, #tpu.memory_space<hbm>> -> memref<128x16xf32, #tpu.memory_space<hbm>>
      tpu.wait_dma2 semaphore(%run_scoped3A_158 : memref<!tpu.dma_semaphore, #tpu.memory_space<semaphore_mem>>) src(%dma_wait3A_190 : memref<128x16xf32, #tpu.memory_space<hbm>>) dst(%dma_wait3A_186 : memref<128x16xf32, #tpu.memory_space<vmem>>)
      tpu.yield
    }) : () -> ()
    %run_scoped3A_20 = arith.constant 1 : i32
    %run_scoped3A_21 = arith.constant 3 : i32
    "tpu.region"() ({
      %run_scoped3A_158 = tpu.sem_alloc : memref<!tpu.dma_semaphore, #tpu.memory_space<semaphore_mem>>
      %dma_start3A_159 = arith.constant 0 : i32
      %dma_start3A_160 = arith.constant 0 : i32
      %dma_start3A_161 = tpu.memref_slice %arg6[%run_scoped3A_21, %dma_start3A_159, %dma_start3A_160] : memref<4x128x16xf32, #tpu.memory_space<vmem>> -> memref<1x128x16xf32, #tpu.memory_space<vmem>>
      %dma_start3A_162 = tpu.memref_squeeze %dma_start3A_161 : memref<1x128x16xf32, #tpu.memory_space<vmem>> -> memref<128x16xf32, #tpu.memory_space<vmem>>
      %dma_start3A_163 = arith.constant 0 : i32
      %dma_start3A_164 = arith.constant 0 : i32
      %dma_start3A_165 = tpu.memref_slice %arg3[%run_scoped3A_20, %dma_start3A_163, %dma_start3A_164] : memref<2x128x16xf32, #tpu.memory_space<hbm>> -> memref<1x128x16xf32, #tpu.memory_space<hbm>>
      %dma_start3A_166 = tpu.memref_squeeze %dma_start3A_165 : memref<1x128x16xf32, #tpu.memory_space<hbm>> -> memref<128x16xf32, #tpu.memory_space<hbm>>
      %dma_start3A_167 = arith.constant 0 : i32
      %dma_start3A_168 = arith.constant 0 : i32
      %dma_start3A_169 = tpu.memref_slice %arg6[%run_scoped3A_21, %dma_start3A_167, %dma_start3A_168] : memref<4x128x16xf32, #tpu.memory_space<vmem>> -> memref<1x128x16xf32, #tpu.memory_space<vmem>>
      %dma_start3A_170 = tpu.memref_squeeze %dma_start3A_169 : memref<1x128x16xf32, #tpu.memory_space<vmem>> -> memref<128x16xf32, #tpu.memory_space<vmem>>
      %dma_start3A_171 = arith.constant 0 : i32
      %dma_start3A_172 = arith.constant 0 : i32
      %dma_start3A_173 = tpu.memref_slice %arg3[%run_scoped3A_20, %dma_start3A_171, %dma_start3A_172] : memref<2x128x16xf32, #tpu.memory_space<hbm>> -> memref<1x128x16xf32, #tpu.memory_space<hbm>>
      %dma_start3A_174 = tpu.memref_squeeze %dma_start3A_173 : memref<1x128x16xf32, #tpu.memory_space<hbm>> -> memref<128x16xf32, #tpu.memory_space<hbm>>
      tpu.enqueue_dma source(%dma_start3A_174 : memref<128x16xf32, #tpu.memory_space<hbm>>) target(%dma_start3A_170 : memref<128x16xf32, #tpu.memory_space<vmem>>) target_semaphore(%run_scoped3A_158 : memref<!tpu.dma_semaphore, #tpu.memory_space<semaphore_mem>>)
      %dma_wait3A_175 = arith.constant 0 : i32
      %dma_wait3A_176 = arith.constant 0 : i32
      %dma_wait3A_177 = tpu.memref_slice %arg6[%run_scoped3A_21, %dma_wait3A_175, %dma_wait3A_176] : memref<4x128x16xf32, #tpu.memory_space<vmem>> -> memref<1x128x16xf32, #tpu.memory_space<vmem>>
      %dma_wait3A_178 = tpu.memref_squeeze %dma_wait3A_177 : memref<1x128x16xf32, #tpu.memory_space<vmem>> -> memref<128x16xf32, #tpu.memory_space<vmem>>
      %dma_wait3A_179 = arith.constant 0 : i32
      %dma_wait3A_180 = arith.constant 0 : i32
      %dma_wait3A_181 = tpu.memref_slice %arg3[%run_scoped3A_20, %dma_wait3A_179, %dma_wait3A_180] : memref<2x128x16xf32, #tpu.memory_space<hbm>> -> memref<1x128x16xf32, #tpu.memory_space<hbm>>
      %dma_wait3A_182 = tpu.memref_squeeze %dma_wait3A_181 : memref<1x128x16xf32, #tpu.memory_space<hbm>> -> memref<128x16xf32, #tpu.memory_space<hbm>>
      %dma_wait3A_183 = arith.constant 0 : i32
      %dma_wait3A_184 = arith.constant 0 : i32
      %dma_wait3A_185 = tpu.memref_slice %arg6[%run_scoped3A_21, %dma_wait3A_183, %dma_wait3A_184] : memref<4x128x16xf32, #tpu.memory_space<vmem>> -> memref<1x128x16xf32, #tpu.memory_space<vmem>>
      %dma_wait3A_186 = tpu.memref_squeeze %dma_wait3A_185 : memref<1x128x16xf32, #tpu.memory_space<vmem>> -> memref<128x16xf32, #tpu.memory_space<vmem>>
      %dma_wait3A_187 = arith.constant 0 : i32
      %dma_wait3A_188 = arith.constant 0 : i32
      %dma_wait3A_189 = tpu.memref_slice %arg3[%run_scoped3A_20, %dma_wait3A_187, %dma_wait3A_188] : memref<2x128x16xf32, #tpu.memory_space<hbm>> -> memref<1x128x16xf32, #tpu.memory_space<hbm>>
      %dma_wait3A_190 = tpu.memref_squeeze %dma_wait3A_189 : memref<1x128x16xf32, #tpu.memory_space<hbm>> -> memref<128x16xf32, #tpu.memory_space<hbm>>
      tpu.wait_dma2 semaphore(%run_scoped3A_158 : memref<!tpu.dma_semaphore, #tpu.memory_space<semaphore_mem>>) src(%dma_wait3A_190 : memref<128x16xf32, #tpu.memory_space<hbm>>) dst(%dma_wait3A_186 : memref<128x16xf32, #tpu.memory_space<vmem>>)
      tpu.yield
    }) : () -> ()
    %dma_wait3A = arith.constant 0 : i32
    %dma_wait3A_22 = arith.constant 0 : i32
    %dma_wait3A_23 = tpu.memref_slice %arg2[%mul3A_2, %dma_wait3A_22] : memref<2560x128xi32, #tpu.memory_space<hbm>> -> memref<80x128xi32, #tpu.memory_space<hbm>>
    %dma_wait3A_24 = tpu.memref_slice %arg10[%dma_wait3A] : memref<3x!tpu.dma_semaphore, #tpu.memory_space<semaphore_mem>> -> memref<1x!tpu.dma_semaphore, #tpu.memory_space<semaphore_mem>>
    %dma_wait3A_25 = tpu.memref_squeeze %dma_wait3A_24 : memref<1x!tpu.dma_semaphore, #tpu.memory_space<semaphore_mem>> -> memref<!tpu.dma_semaphore, #tpu.memory_space<semaphore_mem>>
    %dma_wait3A_26 = arith.constant 0 : i32
    %dma_wait3A_27 = tpu.memref_slice %arg2[%mul3A_2, %dma_wait3A_26] : memref<2560x128xi32, #tpu.memory_space<hbm>> -> memref<80x128xi32, #tpu.memory_space<hbm>>
    tpu.wait_dma2 semaphore(%dma_wait3A_25 : memref<!tpu.dma_semaphore, #tpu.memory_space<semaphore_mem>>) src(%dma_wait3A_27 : memref<80x128xi32, #tpu.memory_space<hbm>>) dst(%arg5 : memref<80x128xi32, #tpu.memory_space<vmem>>)
    %barrier3A = arith.constant 0 : index
    tpu.barrier barrier_id(%barrier3A)
    %dma_start3A_28 = arith.constant 0 : i32
    %dma_start3A_29 = arith.constant 0 : i32
    %dma_start3A_30 = arith.constant 0 : i32
    %dma_start3A_31 = arith.constant 0 : i32
    %dma_start3A_32 = arith.constant 0 : i32
    %dma_start3A_33 = tpu.memref_slice %arg6[%dma_start3A_28, %dma_start3A_31, %dma_start3A_32] : memref<4x128x16xf32, #tpu.memory_space<vmem>> -> memref<1x128x16xf32, #tpu.memory_space<vmem>>
    %dma_start3A_34 = tpu.memref_squeeze %dma_start3A_33 : memref<1x128x16xf32, #tpu.memory_space<vmem>> -> memref<128x16xf32, #tpu.memory_space<vmem>>
    %dma_start3A_35 = arith.constant 0 : i32
    %dma_start3A_36 = tpu.memref_slice %arg5[%dma_start3A_29, %dma_start3A_35] : memref<80x128xi32, #tpu.memory_space<vmem>> -> memref<1x128xi32, #tpu.memory_space<vmem>>
    %dma_start3A_37 = tpu.memref_squeeze %dma_start3A_36 : memref<1x128xi32, #tpu.memory_space<vmem>> -> memref<128xi32, #tpu.memory_space<vmem>>
    %dma_start3A_38 = arith.constant 0 : i32
    %dma_start3A_39 = arith.constant 0 : i32
    %dma_start3A_40 = tpu.memref_slice %arg7[%dma_start3A_38, %dma_start3A_39] : memref<10240x16xf32, #tpu.memory_space<vmem_shared>> -> memref<10240x16xf32, #tpu.memory_space<vmem_shared>>
    %dma_start3A_41 = tpu.memref_slice %arg9[%dma_start3A_30] : memref<4x!tpu.dma_semaphore, #tpu.memory_space<semaphore_mem>> -> memref<1x!tpu.dma_semaphore, #tpu.memory_space<semaphore_mem>>
    %dma_start3A_42 = tpu.memref_squeeze %dma_start3A_41 : memref<1x!tpu.dma_semaphore, #tpu.memory_space<semaphore_mem>> -> memref<!tpu.dma_semaphore, #tpu.memory_space<semaphore_mem>>
    tpu.enqueue_indirect_dma source(%dma_start3A_34 : memref<128x16xf32, #tpu.memory_space<vmem>>) target(%dma_start3A_40 : memref<10240x16xf32, #tpu.memory_space<vmem_shared>>) offsets(%dma_start3A_37 : memref<128xi32, #tpu.memory_space<vmem>>) semaphore(%dma_start3A_42 : memref<!tpu.dma_semaphore, #tpu.memory_space<semaphore_mem>>) {add = true}
    %dma_start3A_43 = arith.constant 1 : i32
    %dma_start3A_44 = arith.constant 1 : i32
    %dma_start3A_45 = arith.constant 1 : i32
    %dma_start3A_46 = arith.constant 0 : i32
    %dma_start3A_47 = arith.constant 0 : i32
    %dma_start3A_48 = tpu.memref_slice %arg6[%dma_start3A_43, %dma_start3A_46, %dma_start3A_47] : memref<4x128x16xf32, #tpu.memory_space<vmem>> -> memref<1x128x16xf32, #tpu.memory_space<vmem>>
    %dma_start3A_49 = tpu.memref_squeeze %dma_start3A_48 : memref<1x128x16xf32, #tpu.memory_space<vmem>> -> memref<128x16xf32, #tpu.memory_space<vmem>>
    %dma_start3A_50 = arith.constant 0 : i32
    %dma_start3A_51 = tpu.memref_slice %arg5[%dma_start3A_44, %dma_start3A_50] : memref<80x128xi32, #tpu.memory_space<vmem>> -> memref<1x128xi32, #tpu.memory_space<vmem>>
    %dma_start3A_52 = tpu.memref_squeeze %dma_start3A_51 : memref<1x128xi32, #tpu.memory_space<vmem>> -> memref<128xi32, #tpu.memory_space<vmem>>
    %dma_start3A_53 = arith.constant 0 : i32
    %dma_start3A_54 = arith.constant 0 : i32
    %dma_start3A_55 = tpu.memref_slice %arg7[%dma_start3A_53, %dma_start3A_54] : memref<10240x16xf32, #tpu.memory_space<vmem_shared>> -> memref<10240x16xf32, #tpu.memory_space<vmem_shared>>
    %dma_start3A_56 = tpu.memref_slice %arg9[%dma_start3A_45] : memref<4x!tpu.dma_semaphore, #tpu.memory_space<semaphore_mem>> -> memref<1x!tpu.dma_semaphore, #tpu.memory_space<semaphore_mem>>
    %dma_start3A_57 = tpu.memref_squeeze %dma_start3A_56 : memref<1x!tpu.dma_semaphore, #tpu.memory_space<semaphore_mem>> -> memref<!tpu.dma_semaphore, #tpu.memory_space<semaphore_mem>>
    tpu.enqueue_indirect_dma source(%dma_start3A_49 : memref<128x16xf32, #tpu.memory_space<vmem>>) target(%dma_start3A_55 : memref<10240x16xf32, #tpu.memory_space<vmem_shared>>) offsets(%dma_start3A_52 : memref<128xi32, #tpu.memory_space<vmem>>) semaphore(%dma_start3A_57 : memref<!tpu.dma_semaphore, #tpu.memory_space<semaphore_mem>>) {add = true}
    %dma_start3A_58 = arith.constant 2 : i32
    %dma_start3A_59 = arith.constant 2 : i32
    %dma_start3A_60 = arith.constant 2 : i32
    %dma_start3A_61 = arith.constant 0 : i32
    %dma_start3A_62 = arith.constant 0 : i32
    %dma_start3A_63 = tpu.memref_slice %arg6[%dma_start3A_58, %dma_start3A_61, %dma_start3A_62] : memref<4x128x16xf32, #tpu.memory_space<vmem>> -> memref<1x128x16xf32, #tpu.memory_space<vmem>>
    %dma_start3A_64 = tpu.memref_squeeze %dma_start3A_63 : memref<1x128x16xf32, #tpu.memory_space<vmem>> -> memref<128x16xf32, #tpu.memory_space<vmem>>
    %dma_start3A_65 = arith.constant 0 : i32
    %dma_start3A_66 = tpu.memref_slice %arg5[%dma_start3A_59, %dma_start3A_65] : memref<80x128xi32, #tpu.memory_space<vmem>> -> memref<1x128xi32, #tpu.memory_space<vmem>>
    %dma_start3A_67 = tpu.memref_squeeze %dma_start3A_66 : memref<1x128xi32, #tpu.memory_space<vmem>> -> memref<128xi32, #tpu.memory_space<vmem>>
    %dma_start3A_68 = arith.constant 0 : i32
    %dma_start3A_69 = arith.constant 0 : i32
    %dma_start3A_70 = tpu.memref_slice %arg7[%dma_start3A_68, %dma_start3A_69] : memref<10240x16xf32, #tpu.memory_space<vmem_shared>> -> memref<10240x16xf32, #tpu.memory_space<vmem_shared>>
    %dma_start3A_71 = tpu.memref_slice %arg9[%dma_start3A_60] : memref<4x!tpu.dma_semaphore, #tpu.memory_space<semaphore_mem>> -> memref<1x!tpu.dma_semaphore, #tpu.memory_space<semaphore_mem>>
    %dma_start3A_72 = tpu.memref_squeeze %dma_start3A_71 : memref<1x!tpu.dma_semaphore, #tpu.memory_space<semaphore_mem>> -> memref<!tpu.dma_semaphore, #tpu.memory_space<semaphore_mem>>
    tpu.enqueue_indirect_dma source(%dma_start3A_64 : memref<128x16xf32, #tpu.memory_space<vmem>>) target(%dma_start3A_70 : memref<10240x16xf32, #tpu.memory_space<vmem_shared>>) offsets(%dma_start3A_67 : memref<128xi32, #tpu.memory_space<vmem>>) semaphore(%dma_start3A_72 : memref<!tpu.dma_semaphore, #tpu.memory_space<semaphore_mem>>) {add = true}
    %dma_start3A_73 = arith.constant 3 : i32
    %dma_start3A_74 = arith.constant 3 : i32
    %dma_start3A_75 = arith.constant 3 : i32
    %dma_start3A_76 = arith.constant 0 : i32
    %dma_start3A_77 = arith.constant 0 : i32
    %dma_start3A_78 = tpu.memref_slice %arg6[%dma_start3A_73, %dma_start3A_76, %dma_start3A_77] : memref<4x128x16xf32, #tpu.memory_space<vmem>> -> memref<1x128x16xf32, #tpu.memory_space<vmem>>
    %dma_start3A_79 = tpu.memref_squeeze %dma_start3A_78 : memref<1x128x16xf32, #tpu.memory_space<vmem>> -> memref<128x16xf32, #tpu.memory_space<vmem>>
    %dma_start3A_80 = arith.constant 0 : i32
    %dma_start3A_81 = tpu.memref_slice %arg5[%dma_start3A_74, %dma_start3A_80] : memref<80x128xi32, #tpu.memory_space<vmem>> -> memref<1x128xi32, #tpu.memory_space<vmem>>
    %dma_start3A_82 = tpu.memref_squeeze %dma_start3A_81 : memref<1x128xi32, #tpu.memory_space<vmem>> -> memref<128xi32, #tpu.memory_space<vmem>>
    %dma_start3A_83 = arith.constant 0 : i32
    %dma_start3A_84 = arith.constant 0 : i32
    %dma_start3A_85 = tpu.memref_slice %arg7[%dma_start3A_83, %dma_start3A_84] : memref<10240x16xf32, #tpu.memory_space<vmem_shared>> -> memref<10240x16xf32, #tpu.memory_space<vmem_shared>>
    %dma_start3A_86 = tpu.memref_slice %arg9[%dma_start3A_75] : memref<4x!tpu.dma_semaphore, #tpu.memory_space<semaphore_mem>> -> memref<1x!tpu.dma_semaphore, #tpu.memory_space<semaphore_mem>>
    %dma_start3A_87 = tpu.memref_squeeze %dma_start3A_86 : memref<1x!tpu.dma_semaphore, #tpu.memory_space<semaphore_mem>> -> memref<!tpu.dma_semaphore, #tpu.memory_space<semaphore_mem>>
    tpu.enqueue_indirect_dma source(%dma_start3A_79 : memref<128x16xf32, #tpu.memory_space<vmem>>) target(%dma_start3A_85 : memref<10240x16xf32, #tpu.memory_space<vmem_shared>>) offsets(%dma_start3A_82 : memref<128xi32, #tpu.memory_space<vmem>>) semaphore(%dma_start3A_87 : memref<!tpu.dma_semaphore, #tpu.memory_space<semaphore_mem>>) {add = true}
    %scan3A_88 = arith.constant 0 : i32
    %scan3A_89 = arith.constant 19 : i32
    %scan3A_90 = arith.addi %scan3A_88, %scan3A_89 : i32
    %scan3A_91 = arith.constant 1 : i32
    scf.for %scan3A_158 = %scan3A_88 to %scan3A_90 step %scan3A_91  : i32 {
      %mul3A_159 = arith.constant 1 : i32
      %mul3A_160 = arith.muli %scan3A_158, %mul3A_159 : i32
      %add3A_161 = arith.constant 1 : i32
      %add3A_162 = arith.addi %add3A_161, %mul3A_160 : i32
      %dma_wait3A_163 = arith.constant 0 : i32
      %dma_wait3A_164 = arith.constant 0 : i32
      %dma_wait3A_165 = arith.constant 0 : i32
      %dma_wait3A_166 = arith.constant 0 : i32
      %dma_wait3A_167 = arith.constant 0 : i32
      %dma_wait3A_168 = tpu.memref_slice %arg6[%dma_wait3A_163, %dma_wait3A_166, %dma_wait3A_167] : memref<4x128x16xf32, #tpu.memory_space<vmem>> -> memref<1x128x16xf32, #tpu.memory_space<vmem>>
      %dma_wait3A_169 = tpu.memref_squeeze %dma_wait3A_168 : memref<1x128x16xf32, #tpu.memory_space<vmem>> -> memref<128x16xf32, #tpu.memory_space<vmem>>
      %dma_wait3A_170 = arith.constant 0 : i32
      %dma_wait3A_171 = tpu.memref_slice %arg5[%dma_wait3A_164, %dma_wait3A_170] : memref<80x128xi32, #tpu.memory_space<vmem>> -> memref<1x128xi32, #tpu.memory_space<vmem>>
      %dma_wait3A_172 = tpu.memref_squeeze %dma_wait3A_171 : memref<1x128xi32, #tpu.memory_space<vmem>> -> memref<128xi32, #tpu.memory_space<vmem>>
      %dma_wait3A_173 = arith.constant 0 : i32
      %dma_wait3A_174 = arith.constant 0 : i32
      %dma_wait3A_175 = tpu.memref_slice %arg7[%dma_wait3A_173, %dma_wait3A_174] : memref<10240x16xf32, #tpu.memory_space<vmem_shared>> -> memref<10240x16xf32, #tpu.memory_space<vmem_shared>>
      %dma_wait3A_176 = tpu.memref_slice %arg9[%dma_wait3A_165] : memref<4x!tpu.dma_semaphore, #tpu.memory_space<semaphore_mem>> -> memref<1x!tpu.dma_semaphore, #tpu.memory_space<semaphore_mem>>
      %dma_wait3A_177 = tpu.memref_squeeze %dma_wait3A_176 : memref<1x!tpu.dma_semaphore, #tpu.memory_space<semaphore_mem>> -> memref<!tpu.dma_semaphore, #tpu.memory_space<semaphore_mem>>
      tpu.wait_indirect_dma semaphore(%dma_wait3A_177 : memref<!tpu.dma_semaphore, #tpu.memory_space<semaphore_mem>>) src(%dma_wait3A_169 : memref<128x16xf32, #tpu.memory_space<vmem>>) dst(%dma_wait3A_175 : memref<10240x16xf32, #tpu.memory_space<vmem_shared>>)
      %mul3A_178 = arith.constant 4 : i32
      %mul3A_179 = arith.muli %add3A_162, %mul3A_178 : i32
      %add3A_180 = arith.constant 0 : i32
      %add3A_181 = arith.addi %mul3A_179, %add3A_180 : i32
      %dma_start3A_182 = arith.constant 0 : i32
      %dma_start3A_183 = arith.constant 0 : i32
      %dma_start3A_184 = arith.constant 0 : i32
      %dma_start3A_185 = arith.constant 0 : i32
      %dma_start3A_186 = tpu.memref_slice %arg6[%dma_start3A_182, %dma_start3A_184, %dma_start3A_185] : memref<4x128x16xf32, #tpu.memory_space<vmem>> -> memref<1x128x16xf32, #tpu.memory_space<vmem>>
      %dma_start3A_187 = tpu.memref_squeeze %dma_start3A_186 : memref<1x128x16xf32, #tpu.memory_space<vmem>> -> memref<128x16xf32, #tpu.memory_space<vmem>>
      %dma_start3A_188 = arith.constant 0 : i32
      %dma_start3A_189 = tpu.memref_slice %arg5[%add3A_181, %dma_start3A_188] : memref<80x128xi32, #tpu.memory_space<vmem>> -> memref<1x128xi32, #tpu.memory_space<vmem>>
      %dma_start3A_190 = tpu.memref_squeeze %dma_start3A_189 : memref<1x128xi32, #tpu.memory_space<vmem>> -> memref<128xi32, #tpu.memory_space<vmem>>
      %dma_start3A_191 = arith.constant 0 : i32
      %dma_start3A_192 = arith.constant 0 : i32
      %dma_start3A_193 = tpu.memref_slice %arg7[%dma_start3A_191, %dma_start3A_192] : memref<10240x16xf32, #tpu.memory_space<vmem_shared>> -> memref<10240x16xf32, #tpu.memory_space<vmem_shared>>
      %dma_start3A_194 = tpu.memref_slice %arg9[%dma_start3A_183] : memref<4x!tpu.dma_semaphore, #tpu.memory_space<semaphore_mem>> -> memref<1x!tpu.dma_semaphore, #tpu.memory_space<semaphore_mem>>
      %dma_start3A_195 = tpu.memref_squeeze %dma_start3A_194 : memref<1x!tpu.dma_semaphore, #tpu.memory_space<semaphore_mem>> -> memref<!tpu.dma_semaphore, #tpu.memory_space<semaphore_mem>>
      tpu.enqueue_indirect_dma source(%dma_start3A_187 : memref<128x16xf32, #tpu.memory_space<vmem>>) target(%dma_start3A_193 : memref<10240x16xf32, #tpu.memory_space<vmem_shared>>) offsets(%dma_start3A_190 : memref<128xi32, #tpu.memory_space<vmem>>) semaphore(%dma_start3A_195 : memref<!tpu.dma_semaphore, #tpu.memory_space<semaphore_mem>>) {add = true}
      %dma_wait3A_196 = arith.constant 1 : i32
      %dma_wait3A_197 = arith.constant 1 : i32
      %dma_wait3A_198 = arith.constant 1 : i32
      %dma_wait3A_199 = arith.constant 0 : i32
      %dma_wait3A_200 = arith.constant 0 : i32
      %dma_wait3A_201 = tpu.memref_slice %arg6[%dma_wait3A_196, %dma_wait3A_199, %dma_wait3A_200] : memref<4x128x16xf32, #tpu.memory_space<vmem>> -> memref<1x128x16xf32, #tpu.memory_space<vmem>>
      %dma_wait3A_202 = tpu.memref_squeeze %dma_wait3A_201 : memref<1x128x16xf32, #tpu.memory_space<vmem>> -> memref<128x16xf32, #tpu.memory_space<vmem>>
      %dma_wait3A_203 = arith.constant 0 : i32
      %dma_wait3A_204 = tpu.memref_slice %arg5[%dma_wait3A_197, %dma_wait3A_203] : memref<80x128xi32, #tpu.memory_space<vmem>> -> memref<1x128xi32, #tpu.memory_space<vmem>>
      %dma_wait3A_205 = tpu.memref_squeeze %dma_wait3A_204 : memref<1x128xi32, #tpu.memory_space<vmem>> -> memref<128xi32, #tpu.memory_space<vmem>>
      %dma_wait3A_206 = arith.constant 0 : i32
      %dma_wait3A_207 = arith.constant 0 : i32
      %dma_wait3A_208 = tpu.memref_slice %arg7[%dma_wait3A_206, %dma_wait3A_207] : memref<10240x16xf32, #tpu.memory_space<vmem_shared>> -> memref<10240x16xf32, #tpu.memory_space<vmem_shared>>
      %dma_wait3A_209 = tpu.memref_slice %arg9[%dma_wait3A_198] : memref<4x!tpu.dma_semaphore, #tpu.memory_space<semaphore_mem>> -> memref<1x!tpu.dma_semaphore, #tpu.memory_space<semaphore_mem>>
      %dma_wait3A_210 = tpu.memref_squeeze %dma_wait3A_209 : memref<1x!tpu.dma_semaphore, #tpu.memory_space<semaphore_mem>> -> memref<!tpu.dma_semaphore, #tpu.memory_space<semaphore_mem>>
      tpu.wait_indirect_dma semaphore(%dma_wait3A_210 : memref<!tpu.dma_semaphore, #tpu.memory_space<semaphore_mem>>) src(%dma_wait3A_202 : memref<128x16xf32, #tpu.memory_space<vmem>>) dst(%dma_wait3A_208 : memref<10240x16xf32, #tpu.memory_space<vmem_shared>>)
      %mul3A_211 = arith.constant 4 : i32
      %mul3A_212 = arith.muli %add3A_162, %mul3A_211 : i32
      %add3A_213 = arith.constant 1 : i32
      %add3A_214 = arith.addi %mul3A_212, %add3A_213 : i32
      %dma_start3A_215 = arith.constant 1 : i32
      %dma_start3A_216 = arith.constant 1 : i32
      %dma_start3A_217 = arith.constant 0 : i32
      %dma_start3A_218 = arith.constant 0 : i32
      %dma_start3A_219 = tpu.memref_slice %arg6[%dma_start3A_215, %dma_start3A_217, %dma_start3A_218] : memref<4x128x16xf32, #tpu.memory_space<vmem>> -> memref<1x128x16xf32, #tpu.memory_space<vmem>>
      %dma_start3A_220 = tpu.memref_squeeze %dma_start3A_219 : memref<1x128x16xf32, #tpu.memory_space<vmem>> -> memref<128x16xf32, #tpu.memory_space<vmem>>
      %dma_start3A_221 = arith.constant 0 : i32
      %dma_start3A_222 = tpu.memref_slice %arg5[%add3A_214, %dma_start3A_221] : memref<80x128xi32, #tpu.memory_space<vmem>> -> memref<1x128xi32, #tpu.memory_space<vmem>>
      %dma_start3A_223 = tpu.memref_squeeze %dma_start3A_222 : memref<1x128xi32, #tpu.memory_space<vmem>> -> memref<128xi32, #tpu.memory_space<vmem>>
      %dma_start3A_224 = arith.constant 0 : i32
      %dma_start3A_225 = arith.constant 0 : i32
      %dma_start3A_226 = tpu.memref_slice %arg7[%dma_start3A_224, %dma_start3A_225] : memref<10240x16xf32, #tpu.memory_space<vmem_shared>> -> memref<10240x16xf32, #tpu.memory_space<vmem_shared>>
      %dma_start3A_227 = tpu.memref_slice %arg9[%dma_start3A_216] : memref<4x!tpu.dma_semaphore, #tpu.memory_space<semaphore_mem>> -> memref<1x!tpu.dma_semaphore, #tpu.memory_space<semaphore_mem>>
      %dma_start3A_228 = tpu.memref_squeeze %dma_start3A_227 : memref<1x!tpu.dma_semaphore, #tpu.memory_space<semaphore_mem>> -> memref<!tpu.dma_semaphore, #tpu.memory_space<semaphore_mem>>
      tpu.enqueue_indirect_dma source(%dma_start3A_220 : memref<128x16xf32, #tpu.memory_space<vmem>>) target(%dma_start3A_226 : memref<10240x16xf32, #tpu.memory_space<vmem_shared>>) offsets(%dma_start3A_223 : memref<128xi32, #tpu.memory_space<vmem>>) semaphore(%dma_start3A_228 : memref<!tpu.dma_semaphore, #tpu.memory_space<semaphore_mem>>) {add = true}
      %dma_wait3A_229 = arith.constant 2 : i32
      %dma_wait3A_230 = arith.constant 2 : i32
      %dma_wait3A_231 = arith.constant 2 : i32
      %dma_wait3A_232 = arith.constant 0 : i32
      %dma_wait3A_233 = arith.constant 0 : i32
      %dma_wait3A_234 = tpu.memref_slice %arg6[%dma_wait3A_229, %dma_wait3A_232, %dma_wait3A_233] : memref<4x128x16xf32, #tpu.memory_space<vmem>> -> memref<1x128x16xf32, #tpu.memory_space<vmem>>
      %dma_wait3A_235 = tpu.memref_squeeze %dma_wait3A_234 : memref<1x128x16xf32, #tpu.memory_space<vmem>> -> memref<128x16xf32, #tpu.memory_space<vmem>>
      %dma_wait3A_236 = arith.constant 0 : i32
      %dma_wait3A_237 = tpu.memref_slice %arg5[%dma_wait3A_230, %dma_wait3A_236] : memref<80x128xi32, #tpu.memory_space<vmem>> -> memref<1x128xi32, #tpu.memory_space<vmem>>
      %dma_wait3A_238 = tpu.memref_squeeze %dma_wait3A_237 : memref<1x128xi32, #tpu.memory_space<vmem>> -> memref<128xi32, #tpu.memory_space<vmem>>
      %dma_wait3A_239 = arith.constant 0 : i32
      %dma_wait3A_240 = arith.constant 0 : i32
      %dma_wait3A_241 = tpu.memref_slice %arg7[%dma_wait3A_239, %dma_wait3A_240] : memref<10240x16xf32, #tpu.memory_space<vmem_shared>> -> memref<10240x16xf32, #tpu.memory_space<vmem_shared>>
      %dma_wait3A_242 = tpu.memref_slice %arg9[%dma_wait3A_231] : memref<4x!tpu.dma_semaphore, #tpu.memory_space<semaphore_mem>> -> memref<1x!tpu.dma_semaphore, #tpu.memory_space<semaphore_mem>>
      %dma_wait3A_243 = tpu.memref_squeeze %dma_wait3A_242 : memref<1x!tpu.dma_semaphore, #tpu.memory_space<semaphore_mem>> -> memref<!tpu.dma_semaphore, #tpu.memory_space<semaphore_mem>>
      tpu.wait_indirect_dma semaphore(%dma_wait3A_243 : memref<!tpu.dma_semaphore, #tpu.memory_space<semaphore_mem>>) src(%dma_wait3A_235 : memref<128x16xf32, #tpu.memory_space<vmem>>) dst(%dma_wait3A_241 : memref<10240x16xf32, #tpu.memory_space<vmem_shared>>)
      %mul3A_244 = arith.constant 4 : i32
      %mul3A_245 = arith.muli %add3A_162, %mul3A_244 : i32
      %add3A_246 = arith.constant 2 : i32
      %add3A_247 = arith.addi %mul3A_245, %add3A_246 : i32
      %dma_start3A_248 = arith.constant 2 : i32
      %dma_start3A_249 = arith.constant 2 : i32
      %dma_start3A_250 = arith.constant 0 : i32
      %dma_start3A_251 = arith.constant 0 : i32
      %dma_start3A_252 = tpu.memref_slice %arg6[%dma_start3A_248, %dma_start3A_250, %dma_start3A_251] : memref<4x128x16xf32, #tpu.memory_space<vmem>> -> memref<1x128x16xf32, #tpu.memory_space<vmem>>
      %dma_start3A_253 = tpu.memref_squeeze %dma_start3A_252 : memref<1x128x16xf32, #tpu.memory_space<vmem>> -> memref<128x16xf32, #tpu.memory_space<vmem>>
      %dma_start3A_254 = arith.constant 0 : i32
      %dma_start3A_255 = tpu.memref_slice %arg5[%add3A_247, %dma_start3A_254] : memref<80x128xi32, #tpu.memory_space<vmem>> -> memref<1x128xi32, #tpu.memory_space<vmem>>
      %dma_start3A_256 = tpu.memref_squeeze %dma_start3A_255 : memref<1x128xi32, #tpu.memory_space<vmem>> -> memref<128xi32, #tpu.memory_space<vmem>>
      %dma_start3A_257 = arith.constant 0 : i32
      %dma_start3A_258 = arith.constant 0 : i32
      %dma_start3A_259 = tpu.memref_slice %arg7[%dma_start3A_257, %dma_start3A_258] : memref<10240x16xf32, #tpu.memory_space<vmem_shared>> -> memref<10240x16xf32, #tpu.memory_space<vmem_shared>>
      %dma_start3A_260 = tpu.memref_slice %arg9[%dma_start3A_249] : memref<4x!tpu.dma_semaphore, #tpu.memory_space<semaphore_mem>> -> memref<1x!tpu.dma_semaphore, #tpu.memory_space<semaphore_mem>>
      %dma_start3A_261 = tpu.memref_squeeze %dma_start3A_260 : memref<1x!tpu.dma_semaphore, #tpu.memory_space<semaphore_mem>> -> memref<!tpu.dma_semaphore, #tpu.memory_space<semaphore_mem>>
      tpu.enqueue_indirect_dma source(%dma_start3A_253 : memref<128x16xf32, #tpu.memory_space<vmem>>) target(%dma_start3A_259 : memref<10240x16xf32, #tpu.memory_space<vmem_shared>>) offsets(%dma_start3A_256 : memref<128xi32, #tpu.memory_space<vmem>>) semaphore(%dma_start3A_261 : memref<!tpu.dma_semaphore, #tpu.memory_space<semaphore_mem>>) {add = true}
      %dma_wait3A_262 = arith.constant 3 : i32
      %dma_wait3A_263 = arith.constant 3 : i32
      %dma_wait3A_264 = arith.constant 3 : i32
      %dma_wait3A_265 = arith.constant 0 : i32
      %dma_wait3A_266 = arith.constant 0 : i32
      %dma_wait3A_267 = tpu.memref_slice %arg6[%dma_wait3A_262, %dma_wait3A_265, %dma_wait3A_266] : memref<4x128x16xf32, #tpu.memory_space<vmem>> -> memref<1x128x16xf32, #tpu.memory_space<vmem>>
      %dma_wait3A_268 = tpu.memref_squeeze %dma_wait3A_267 : memref<1x128x16xf32, #tpu.memory_space<vmem>> -> memref<128x16xf32, #tpu.memory_space<vmem>>
      %dma_wait3A_269 = arith.constant 0 : i32
      %dma_wait3A_270 = tpu.memref_slice %arg5[%dma_wait3A_263, %dma_wait3A_269] : memref<80x128xi32, #tpu.memory_space<vmem>> -> memref<1x128xi32, #tpu.memory_space<vmem>>
      %dma_wait3A_271 = tpu.memref_squeeze %dma_wait3A_270 : memref<1x128xi32, #tpu.memory_space<vmem>> -> memref<128xi32, #tpu.memory_space<vmem>>
      %dma_wait3A_272 = arith.constant 0 : i32
      %dma_wait3A_273 = arith.constant 0 : i32
      %dma_wait3A_274 = tpu.memref_slice %arg7[%dma_wait3A_272, %dma_wait3A_273] : memref<10240x16xf32, #tpu.memory_space<vmem_shared>> -> memref<10240x16xf32, #tpu.memory_space<vmem_shared>>
      %dma_wait3A_275 = tpu.memref_slice %arg9[%dma_wait3A_264] : memref<4x!tpu.dma_semaphore, #tpu.memory_space<semaphore_mem>> -> memref<1x!tpu.dma_semaphore, #tpu.memory_space<semaphore_mem>>
      %dma_wait3A_276 = tpu.memref_squeeze %dma_wait3A_275 : memref<1x!tpu.dma_semaphore, #tpu.memory_space<semaphore_mem>> -> memref<!tpu.dma_semaphore, #tpu.memory_space<semaphore_mem>>
      tpu.wait_indirect_dma semaphore(%dma_wait3A_276 : memref<!tpu.dma_semaphore, #tpu.memory_space<semaphore_mem>>) src(%dma_wait3A_268 : memref<128x16xf32, #tpu.memory_space<vmem>>) dst(%dma_wait3A_274 : memref<10240x16xf32, #tpu.memory_space<vmem_shared>>)
      %mul3A_277 = arith.constant 4 : i32
      %mul3A_278 = arith.muli %add3A_162, %mul3A_277 : i32
      %add3A_279 = arith.constant 3 : i32
      %add3A_280 = arith.addi %mul3A_278, %add3A_279 : i32
      %dma_start3A_281 = arith.constant 3 : i32
      %dma_start3A_282 = arith.constant 3 : i32
      %dma_start3A_283 = arith.constant 0 : i32
      %dma_start3A_284 = arith.constant 0 : i32
      %dma_start3A_285 = tpu.memref_slice %arg6[%dma_start3A_281, %dma_start3A_283, %dma_start3A_284] : memref<4x128x16xf32, #tpu.memory_space<vmem>> -> memref<1x128x16xf32, #tpu.memory_space<vmem>>
      %dma_start3A_286 = tpu.memref_squeeze %dma_start3A_285 : memref<1x128x16xf32, #tpu.memory_space<vmem>> -> memref<128x16xf32, #tpu.memory_space<vmem>>
      %dma_start3A_287 = arith.constant 0 : i32
      %dma_start3A_288 = tpu.memref_slice %arg5[%add3A_280, %dma_start3A_287] : memref<80x128xi32, #tpu.memory_space<vmem>> -> memref<1x128xi32, #tpu.memory_space<vmem>>
      %dma_start3A_289 = tpu.memref_squeeze %dma_start3A_288 : memref<1x128xi32, #tpu.memory_space<vmem>> -> memref<128xi32, #tpu.memory_space<vmem>>
      %dma_start3A_290 = arith.constant 0 : i32
      %dma_start3A_291 = arith.constant 0 : i32
      %dma_start3A_292 = tpu.memref_slice %arg7[%dma_start3A_290, %dma_start3A_291] : memref<10240x16xf32, #tpu.memory_space<vmem_shared>> -> memref<10240x16xf32, #tpu.memory_space<vmem_shared>>
      %dma_start3A_293 = tpu.memref_slice %arg9[%dma_start3A_282] : memref<4x!tpu.dma_semaphore, #tpu.memory_space<semaphore_mem>> -> memref<1x!tpu.dma_semaphore, #tpu.memory_space<semaphore_mem>>
      %dma_start3A_294 = tpu.memref_squeeze %dma_start3A_293 : memref<1x!tpu.dma_semaphore, #tpu.memory_space<semaphore_mem>> -> memref<!tpu.dma_semaphore, #tpu.memory_space<semaphore_mem>>
      tpu.enqueue_indirect_dma source(%dma_start3A_286 : memref<128x16xf32, #tpu.memory_space<vmem>>) target(%dma_start3A_292 : memref<10240x16xf32, #tpu.memory_space<vmem_shared>>) offsets(%dma_start3A_289 : memref<128xi32, #tpu.memory_space<vmem>>) semaphore(%dma_start3A_294 : memref<!tpu.dma_semaphore, #tpu.memory_space<semaphore_mem>>) {add = true}
    }
    %scan3A_92 = arith.constant 19 : i32
    %dma_wait3A_93 = arith.constant 0 : i32
    %dma_wait3A_94 = arith.constant 0 : i32
    %dma_wait3A_95 = arith.constant 0 : i32
    %dma_wait3A_96 = arith.constant 0 : i32
    %dma_wait3A_97 = arith.constant 0 : i32
    %dma_wait3A_98 = tpu.memref_slice %arg6[%dma_wait3A_93, %dma_wait3A_96, %dma_wait3A_97] : memref<4x128x16xf32, #tpu.memory_space<vmem>> -> memref<1x128x16xf32, #tpu.memory_space<vmem>>
    %dma_wait3A_99 = tpu.memref_squeeze %dma_wait3A_98 : memref<1x128x16xf32, #tpu.memory_space<vmem>> -> memref<128x16xf32, #tpu.memory_space<vmem>>
    %dma_wait3A_100 = arith.constant 0 : i32
    %dma_wait3A_101 = tpu.memref_slice %arg5[%dma_wait3A_94, %dma_wait3A_100] : memref<80x128xi32, #tpu.memory_space<vmem>> -> memref<1x128xi32, #tpu.memory_space<vmem>>
    %dma_wait3A_102 = tpu.memref_squeeze %dma_wait3A_101 : memref<1x128xi32, #tpu.memory_space<vmem>> -> memref<128xi32, #tpu.memory_space<vmem>>
    %dma_wait3A_103 = arith.constant 0 : i32
    %dma_wait3A_104 = arith.constant 0 : i32
    %dma_wait3A_105 = tpu.memref_slice %arg7[%dma_wait3A_103, %dma_wait3A_104] : memref<10240x16xf32, #tpu.memory_space<vmem_shared>> -> memref<10240x16xf32, #tpu.memory_space<vmem_shared>>
    %dma_wait3A_106 = tpu.memref_slice %arg9[%dma_wait3A_95] : memref<4x!tpu.dma_semaphore, #tpu.memory_space<semaphore_mem>> -> memref<1x!tpu.dma_semaphore, #tpu.memory_space<semaphore_mem>>
    %dma_wait3A_107 = tpu.memref_squeeze %dma_wait3A_106 : memref<1x!tpu.dma_semaphore, #tpu.memory_space<semaphore_mem>> -> memref<!tpu.dma_semaphore, #tpu.memory_space<semaphore_mem>>
    tpu.wait_indirect_dma semaphore(%dma_wait3A_107 : memref<!tpu.dma_semaphore, #tpu.memory_space<semaphore_mem>>) src(%dma_wait3A_99 : memref<128x16xf32, #tpu.memory_space<vmem>>) dst(%dma_wait3A_105 : memref<10240x16xf32, #tpu.memory_space<vmem_shared>>)
    %dma_wait3A_108 = arith.constant 1 : i32
    %dma_wait3A_109 = arith.constant 0 : i32
    %dma_wait3A_110 = arith.constant 1 : i32
    %dma_wait3A_111 = arith.constant 0 : i32
    %dma_wait3A_112 = arith.constant 0 : i32
    %dma_wait3A_113 = tpu.memref_slice %arg6[%dma_wait3A_108, %dma_wait3A_111, %dma_wait3A_112] : memref<4x128x16xf32, #tpu.memory_space<vmem>> -> memref<1x128x16xf32, #tpu.memory_space<vmem>>
    %dma_wait3A_114 = tpu.memref_squeeze %dma_wait3A_113 : memref<1x128x16xf32, #tpu.memory_space<vmem>> -> memref<128x16xf32, #tpu.memory_space<vmem>>
    %dma_wait3A_115 = arith.constant 0 : i32
    %dma_wait3A_116 = tpu.memref_slice %arg5[%dma_wait3A_109, %dma_wait3A_115] : memref<80x128xi32, #tpu.memory_space<vmem>> -> memref<1x128xi32, #tpu.memory_space<vmem>>
    %dma_wait3A_117 = tpu.memref_squeeze %dma_wait3A_116 : memref<1x128xi32, #tpu.memory_space<vmem>> -> memref<128xi32, #tpu.memory_space<vmem>>
    %dma_wait3A_118 = arith.constant 0 : i32
    %dma_wait3A_119 = arith.constant 0 : i32
    %dma_wait3A_120 = tpu.memref_slice %arg7[%dma_wait3A_118, %dma_wait3A_119] : memref<10240x16xf32, #tpu.memory_space<vmem_shared>> -> memref<10240x16xf32, #tpu.memory_space<vmem_shared>>
    %dma_wait3A_121 = tpu.memref_slice %arg9[%dma_wait3A_110] : memref<4x!tpu.dma_semaphore, #tpu.memory_space<semaphore_mem>> -> memref<1x!tpu.dma_semaphore, #tpu.memory_space<semaphore_mem>>
    %dma_wait3A_122 = tpu.memref_squeeze %dma_wait3A_121 : memref<1x!tpu.dma_semaphore, #tpu.memory_space<semaphore_mem>> -> memref<!tpu.dma_semaphore, #tpu.memory_space<semaphore_mem>>
    tpu.wait_indirect_dma semaphore(%dma_wait3A_122 : memref<!tpu.dma_semaphore, #tpu.memory_space<semaphore_mem>>) src(%dma_wait3A_114 : memref<128x16xf32, #tpu.memory_space<vmem>>) dst(%dma_wait3A_120 : memref<10240x16xf32, #tpu.memory_space<vmem_shared>>)
    %dma_wait3A_123 = arith.constant 2 : i32
    %dma_wait3A_124 = arith.constant 0 : i32
    %dma_wait3A_125 = arith.constant 2 : i32
    %dma_wait3A_126 = arith.constant 0 : i32
    %dma_wait3A_127 = arith.constant 0 : i32
    %dma_wait3A_128 = tpu.memref_slice %arg6[%dma_wait3A_123, %dma_wait3A_126, %dma_wait3A_127] : memref<4x128x16xf32, #tpu.memory_space<vmem>> -> memref<1x128x16xf32, #tpu.memory_space<vmem>>
    %dma_wait3A_129 = tpu.memref_squeeze %dma_wait3A_128 : memref<1x128x16xf32, #tpu.memory_space<vmem>> -> memref<128x16xf32, #tpu.memory_space<vmem>>
    %dma_wait3A_130 = arith.constant 0 : i32
    %dma_wait3A_131 = tpu.memref_slice %arg5[%dma_wait3A_124, %dma_wait3A_130] : memref<80x128xi32, #tpu.memory_space<vmem>> -> memref<1x128xi32, #tpu.memory_space<vmem>>
    %dma_wait3A_132 = tpu.memref_squeeze %dma_wait3A_131 : memref<1x128xi32, #tpu.memory_space<vmem>> -> memref<128xi32, #tpu.memory_space<vmem>>
    %dma_wait3A_133 = arith.constant 0 : i32
    %dma_wait3A_134 = arith.constant 0 : i32
    %dma_wait3A_135 = tpu.memref_slice %arg7[%dma_wait3A_133, %dma_wait3A_134] : memref<10240x16xf32, #tpu.memory_space<vmem_shared>> -> memref<10240x16xf32, #tpu.memory_space<vmem_shared>>
    %dma_wait3A_136 = tpu.memref_slice %arg9[%dma_wait3A_125] : memref<4x!tpu.dma_semaphore, #tpu.memory_space<semaphore_mem>> -> memref<1x!tpu.dma_semaphore, #tpu.memory_space<semaphore_mem>>
    %dma_wait3A_137 = tpu.memref_squeeze %dma_wait3A_136 : memref<1x!tpu.dma_semaphore, #tpu.memory_space<semaphore_mem>> -> memref<!tpu.dma_semaphore, #tpu.memory_space<semaphore_mem>>
    tpu.wait_indirect_dma semaphore(%dma_wait3A_137 : memref<!tpu.dma_semaphore, #tpu.memory_space<semaphore_mem>>) src(%dma_wait3A_129 : memref<128x16xf32, #tpu.memory_space<vmem>>) dst(%dma_wait3A_135 : memref<10240x16xf32, #tpu.memory_space<vmem_shared>>)
    %dma_wait3A_138 = arith.constant 3 : i32
    %dma_wait3A_139 = arith.constant 0 : i32
    %dma_wait3A_140 = arith.constant 3 : i32
    %dma_wait3A_141 = arith.constant 0 : i32
    %dma_wait3A_142 = arith.constant 0 : i32
    %dma_wait3A_143 = tpu.memref_slice %arg6[%dma_wait3A_138, %dma_wait3A_141, %dma_wait3A_142] : memref<4x128x16xf32, #tpu.memory_space<vmem>> -> memref<1x128x16xf32, #tpu.memory_space<vmem>>
    %dma_wait3A_144 = tpu.memref_squeeze %dma_wait3A_143 : memref<1x128x16xf32, #tpu.memory_space<vmem>> -> memref<128x16xf32, #tpu.memory_space<vmem>>
    %dma_wait3A_145 = arith.constant 0 : i32
    %dma_wait3A_146 = tpu.memref_slice %arg5[%dma_wait3A_139, %dma_wait3A_145] : memref<80x128xi32, #tpu.memory_space<vmem>> -> memref<1x128xi32, #tpu.memory_space<vmem>>
    %dma_wait3A_147 = tpu.memref_squeeze %dma_wait3A_146 : memref<1x128xi32, #tpu.memory_space<vmem>> -> memref<128xi32, #tpu.memory_space<vmem>>
    %dma_wait3A_148 = arith.constant 0 : i32
    %dma_wait3A_149 = arith.constant 0 : i32
    %dma_wait3A_150 = tpu.memref_slice %arg7[%dma_wait3A_148, %dma_wait3A_149] : memref<10240x16xf32, #tpu.memory_space<vmem_shared>> -> memref<10240x16xf32, #tpu.memory_space<vmem_shared>>
    %dma_wait3A_151 = tpu.memref_slice %arg9[%dma_wait3A_140] : memref<4x!tpu.dma_semaphore, #tpu.memory_space<semaphore_mem>> -> memref<1x!tpu.dma_semaphore, #tpu.memory_space<semaphore_mem>>
    %dma_wait3A_152 = tpu.memref_squeeze %dma_wait3A_151 : memref<1x!tpu.dma_semaphore, #tpu.memory_space<semaphore_mem>> -> memref<!tpu.dma_semaphore, #tpu.memory_space<semaphore_mem>>
    tpu.wait_indirect_dma semaphore(%dma_wait3A_152 : memref<!tpu.dma_semaphore, #tpu.memory_space<semaphore_mem>>) src(%dma_wait3A_144 : memref<128x16xf32, #tpu.memory_space<vmem>>) dst(%dma_wait3A_150 : memref<10240x16xf32, #tpu.memory_space<vmem_shared>>)
    %barrier3A_153 = arith.constant 0 : index
    tpu.barrier barrier_id(%barrier3A_153)
    %mul3A_154 = arith.constant 640 : i32
    %mul3A_155 = arith.muli %arg1, %mul3A_154 : i32
    %mul3A_156 = arith.constant 640 : i32
    %mul3A_157 = arith.muli %arg1, %mul3A_156 : i32
    "tpu.region"() ({
      %run_scoped3A_158 = tpu.sem_alloc : memref<!tpu.dma_semaphore, #tpu.memory_space<semaphore_mem>>
      %dma_start3A_159 = arith.constant 0 : i32
      %dma_start3A_160 = tpu.memref_slice %arg4[%arg0, %mul3A_157, %dma_start3A_159] : memref<2x10240x16xf32, #tpu.memory_space<hbm>> -> memref<1x640x16xf32, #tpu.memory_space<hbm>>
      %dma_start3A_161 = tpu.memref_squeeze %dma_start3A_160 : memref<1x640x16xf32, #tpu.memory_space<hbm>> -> memref<640x16xf32, #tpu.memory_space<hbm>>
      %dma_start3A_162 = arith.constant 0 : i32
      %dma_start3A_163 = tpu.memref_slice %arg7[%mul3A_155, %dma_start3A_162] : memref<10240x16xf32, #tpu.memory_space<vmem_shared>> -> memref<640x16xf32, #tpu.memory_space<vmem_shared>>
      tpu.enqueue_dma source(%dma_start3A_163 : memref<640x16xf32, #tpu.memory_space<vmem_shared>>) target(%dma_start3A_161 : memref<640x16xf32, #tpu.memory_space<hbm>>) target_semaphore(%run_scoped3A_158 : memref<!tpu.dma_semaphore, #tpu.memory_space<semaphore_mem>>)
      %dma_wait3A_164 = arith.constant 0 : i32
      %dma_wait3A_165 = tpu.memref_slice %arg4[%arg0, %mul3A_157, %dma_wait3A_164] : memref<2x10240x16xf32, #tpu.memory_space<hbm>> -> memref<1x640x16xf32, #tpu.memory_space<hbm>>
      %dma_wait3A_166 = tpu.memref_squeeze %dma_wait3A_165 : memref<1x640x16xf32, #tpu.memory_space<hbm>> -> memref<640x16xf32, #tpu.memory_space<hbm>>
      %dma_wait3A_167 = arith.constant 0 : i32
      %dma_wait3A_168 = tpu.memref_slice %arg7[%mul3A_155, %dma_wait3A_167] : memref<10240x16xf32, #tpu.memory_space<vmem_shared>> -> memref<640x16xf32, #tpu.memory_space<vmem_shared>>
      tpu.wait_dma2 semaphore(%run_scoped3A_158 : memref<!tpu.dma_semaphore, #tpu.memory_space<semaphore_mem>>) src(%dma_wait3A_168 : memref<640x16xf32, #tpu.memory_space<vmem_shared>>) dst(%dma_wait3A_166 : memref<640x16xf32, #tpu.memory_space<hbm>>)
      tpu.yield
    }) : () -> ()
    return
  }
}

#map = affine_map<(d0, d1) -> (0, 0)>
#map1 = affine_map<(d0, d1) -> (0, 0, 0)>
module attributes {stable_mosaic.version = 14 : i64} {
  func.func @body(%arg0: i32, %arg1: i32, %arg2: memref<2560x128xi32, #tpu.memory_space<hbm>>, %arg3: memref<2560x128xi32, #tpu.memory_space<hbm>>, %arg4: memref<10240x16xf32, #tpu.memory_space<hbm>>, %arg5: memref<2x128x16xf32, #tpu.memory_space<hbm>>, %arg6: memref<2x10240x16xf32, #tpu.memory_space<hbm>>, %arg7: memref<80x128xi32, #tpu.memory_space<vmem>>, %arg8: memref<80x128xi32, #tpu.memory_space<vmem>>, %arg9: memref<4x128x16xf32, #tpu.memory_space<vmem>>, %arg10: memref<10240x16xf32, #tpu.memory_space<vmem_shared>>, %arg11: memref<10240x16xf32, #tpu.memory_space<vmem_shared>>, %arg12: memref<4x!tpu.dma_semaphore, #tpu.memory_space<semaphore_mem>>, %arg13: memref<4x!tpu.dma_semaphore, #tpu.memory_space<semaphore_mem>>, %arg14: memref<3x!tpu.dma_semaphore, #tpu.memory_space<semaphore_mem>>) attributes {dimension_semantics = [#tpu.dimension_semantics<core_parallel>, #tpu.dimension_semantics<subcore_parallel>], iteration_bounds = array<i64: 2, 16>, scalar_prefetch = 0 : i64, scratch_operands = 8 : i64, tpu.core_type = #tpu.core_type<sc_vector_subcore>, window_params = [{transform_indices = #map}, {transform_indices = #map}, {transform_indices = #map}, {transform_indices = #map1}, {transform_indices = #map1}]} {
    %mul3A = arith.constant 16 : i32
    %mul3A_0 = arith.muli %arg0, %mul3A : i32
    %add3A = arith.addi %mul3A_0, %arg1 : i32
    %mul3A_1 = arith.constant 80 : i32
    %mul3A_2 = arith.muli %add3A, %mul3A_1 : i32
    %dma_start3A = arith.constant 0 : i32
    %dma_start3A_3 = arith.constant 0 : i32
    %dma_start3A_4 = tpu.memref_slice %arg3[%mul3A_2, %dma_start3A_3] : memref<2560x128xi32, #tpu.memory_space<hbm>> -> memref<80x128xi32, #tpu.memory_space<hbm>>
    %dma_start3A_5 = tpu.memref_slice %arg14[%dma_start3A] : memref<3x!tpu.dma_semaphore, #tpu.memory_space<semaphore_mem>> -> memref<1x!tpu.dma_semaphore, #tpu.memory_space<semaphore_mem>>
    %dma_start3A_6 = tpu.memref_squeeze %dma_start3A_5 : memref<1x!tpu.dma_semaphore, #tpu.memory_space<semaphore_mem>> -> memref<!tpu.dma_semaphore, #tpu.memory_space<semaphore_mem>>
    %dma_start3A_7 = arith.constant 0 : i32
    %dma_start3A_8 = tpu.memref_slice %arg3[%mul3A_2, %dma_start3A_7] : memref<2560x128xi32, #tpu.memory_space<hbm>> -> memref<80x128xi32, #tpu.memory_space<hbm>>
    tpu.enqueue_dma source(%dma_start3A_8 : memref<80x128xi32, #tpu.memory_space<hbm>>) target(%arg8 : memref<80x128xi32, #tpu.memory_space<vmem>>) target_semaphore(%dma_start3A_6 : memref<!tpu.dma_semaphore, #tpu.memory_space<semaphore_mem>>)
    %mul3A_9 = arith.constant 80 : i32
    %mul3A_10 = arith.muli %add3A, %mul3A_9 : i32
    %dma_start3A_11 = arith.constant 1 : i32
    %dma_start3A_12 = arith.constant 0 : i32
    %dma_start3A_13 = tpu.memref_slice %arg2[%mul3A_10, %dma_start3A_12] : memref<2560x128xi32, #tpu.memory_space<hbm>> -> memref<80x128xi32, #tpu.memory_space<hbm>>
    %dma_start3A_14 = tpu.memref_slice %arg14[%dma_start3A_11] : memref<3x!tpu.dma_semaphore, #tpu.memory_space<semaphore_mem>> -> memref<1x!tpu.dma_semaphore, #tpu.memory_space<semaphore_mem>>
    %dma_start3A_15 = tpu.memref_squeeze %dma_start3A_14 : memref<1x!tpu.dma_semaphore, #tpu.memory_space<semaphore_mem>> -> memref<!tpu.dma_semaphore, #tpu.memory_space<semaphore_mem>>
    %dma_start3A_16 = arith.constant 0 : i32
    %dma_start3A_17 = tpu.memref_slice %arg2[%mul3A_10, %dma_start3A_16] : memref<2560x128xi32, #tpu.memory_space<hbm>> -> memref<80x128xi32, #tpu.memory_space<hbm>>
    tpu.enqueue_dma source(%dma_start3A_17 : memref<80x128xi32, #tpu.memory_space<hbm>>) target(%arg7 : memref<80x128xi32, #tpu.memory_space<vmem>>) target_semaphore(%dma_start3A_15 : memref<!tpu.dma_semaphore, #tpu.memory_space<semaphore_mem>>)
    %mul3A_18 = arith.constant 640 : i32
    %mul3A_19 = arith.muli %arg1, %mul3A_18 : i32
    %mul3A_20 = arith.constant 640 : i32
    %mul3A_21 = arith.muli %arg1, %mul3A_20 : i32
    %dma_start3A_22 = arith.constant 2 : i32
    %dma_start3A_23 = tpu.memref_slice %arg14[%dma_start3A_22] : memref<3x!tpu.dma_semaphore, #tpu.memory_space<semaphore_mem>> -> memref<1x!tpu.dma_semaphore, #tpu.memory_space<semaphore_mem>>
    %dma_start3A_24 = tpu.memref_squeeze %dma_start3A_23 : memref<1x!tpu.dma_semaphore, #tpu.memory_space<semaphore_mem>> -> memref<!tpu.dma_semaphore, #tpu.memory_space<semaphore_mem>>
    %dma_start3A_25 = arith.constant 0 : i32
    %dma_start3A_26 = tpu.memref_slice %arg10[%mul3A_21, %dma_start3A_25] : memref<10240x16xf32, #tpu.memory_space<vmem_shared>> -> memref<640x16xf32, #tpu.memory_space<vmem_shared>>
    %dma_start3A_27 = arith.constant 0 : i32
    %dma_start3A_28 = tpu.memref_slice %arg4[%mul3A_19, %dma_start3A_27] : memref<10240x16xf32, #tpu.memory_space<hbm>> -> memref<640x16xf32, #tpu.memory_space<hbm>>
    tpu.enqueue_dma source(%dma_start3A_28 : memref<640x16xf32, #tpu.memory_space<hbm>>) target(%dma_start3A_26 : memref<640x16xf32, #tpu.memory_space<vmem_shared>>) target_semaphore(%dma_start3A_24 : memref<!tpu.dma_semaphore, #tpu.memory_space<semaphore_mem>>)
    %run_scoped3A = arith.constant 0 : i32
    %run_scoped3A_29 = arith.constant 0 : i32
    "tpu.region"() ({
      %run_scoped3A_184 = tpu.sem_alloc : memref<!tpu.dma_semaphore, #tpu.memory_space<semaphore_mem>>
      %dma_start3A_185 = arith.constant 0 : i32
      %dma_start3A_186 = arith.constant 0 : i32
      %dma_start3A_187 = tpu.memref_slice %arg9[%run_scoped3A_29, %dma_start3A_185, %dma_start3A_186] : memref<4x128x16xf32, #tpu.memory_space<vmem>> -> memref<1x128x16xf32, #tpu.memory_space<vmem>>
      %dma_start3A_188 = tpu.memref_squeeze %dma_start3A_187 : memref<1x128x16xf32, #tpu.memory_space<vmem>> -> memref<128x16xf32, #tpu.memory_space<vmem>>
      %dma_start3A_189 = arith.constant 0 : i32
      %dma_start3A_190 = arith.constant 0 : i32
      %dma_start3A_191 = tpu.memref_slice %arg5[%run_scoped3A, %dma_start3A_189, %dma_start3A_190] : memref<2x128x16xf32, #tpu.memory_space<hbm>> -> memref<1x128x16xf32, #tpu.memory_space<hbm>>
      %dma_start3A_192 = tpu.memref_squeeze %dma_start3A_191 : memref<1x128x16xf32, #tpu.memory_space<hbm>> -> memref<128x16xf32, #tpu.memory_space<hbm>>
      %dma_start3A_193 = arith.constant 0 : i32
      %dma_start3A_194 = arith.constant 0 : i32
      %dma_start3A_195 = tpu.memref_slice %arg9[%run_scoped3A_29, %dma_start3A_193, %dma_start3A_194] : memref<4x128x16xf32, #tpu.memory_space<vmem>> -> memref<1x128x16xf32, #tpu.memory_space<vmem>>
      %dma_start3A_196 = tpu.memref_squeeze %dma_start3A_195 : memref<1x128x16xf32, #tpu.memory_space<vmem>> -> memref<128x16xf32, #tpu.memory_space<vmem>>
      %dma_start3A_197 = arith.constant 0 : i32
      %dma_start3A_198 = arith.constant 0 : i32
      %dma_start3A_199 = tpu.memref_slice %arg5[%run_scoped3A, %dma_start3A_197, %dma_start3A_198] : memref<2x128x16xf32, #tpu.memory_space<hbm>> -> memref<1x128x16xf32, #tpu.memory_space<hbm>>
      %dma_start3A_200 = tpu.memref_squeeze %dma_start3A_199 : memref<1x128x16xf32, #tpu.memory_space<hbm>> -> memref<128x16xf32, #tpu.memory_space<hbm>>
      tpu.enqueue_dma source(%dma_start3A_200 : memref<128x16xf32, #tpu.memory_space<hbm>>) target(%dma_start3A_196 : memref<128x16xf32, #tpu.memory_space<vmem>>) target_semaphore(%run_scoped3A_184 : memref<!tpu.dma_semaphore, #tpu.memory_space<semaphore_mem>>)
      %dma_wait3A_201 = arith.constant 0 : i32
      %dma_wait3A_202 = arith.constant 0 : i32
      %dma_wait3A_203 = tpu.memref_slice %arg9[%run_scoped3A_29, %dma_wait3A_201, %dma_wait3A_202] : memref<4x128x16xf32, #tpu.memory_space<vmem>> -> memref<1x128x16xf32, #tpu.memory_space<vmem>>
      %dma_wait3A_204 = tpu.memref_squeeze %dma_wait3A_203 : memref<1x128x16xf32, #tpu.memory_space<vmem>> -> memref<128x16xf32, #tpu.memory_space<vmem>>
      %dma_wait3A_205 = arith.constant 0 : i32
      %dma_wait3A_206 = arith.constant 0 : i32
      %dma_wait3A_207 = tpu.memref_slice %arg5[%run_scoped3A, %dma_wait3A_205, %dma_wait3A_206] : memref<2x128x16xf32, #tpu.memory_space<hbm>> -> memref<1x128x16xf32, #tpu.memory_space<hbm>>
      %dma_wait3A_208 = tpu.memref_squeeze %dma_wait3A_207 : memref<1x128x16xf32, #tpu.memory_space<hbm>> -> memref<128x16xf32, #tpu.memory_space<hbm>>
      %dma_wait3A_209 = arith.constant 0 : i32
      %dma_wait3A_210 = arith.constant 0 : i32
      %dma_wait3A_211 = tpu.memref_slice %arg9[%run_scoped3A_29, %dma_wait3A_209, %dma_wait3A_210] : memref<4x128x16xf32, #tpu.memory_space<vmem>> -> memref<1x128x16xf32, #tpu.memory_space<vmem>>
      %dma_wait3A_212 = tpu.memref_squeeze %dma_wait3A_211 : memref<1x128x16xf32, #tpu.memory_space<vmem>> -> memref<128x16xf32, #tpu.memory_space<vmem>>
      %dma_wait3A_213 = arith.constant 0 : i32
      %dma_wait3A_214 = arith.constant 0 : i32
      %dma_wait3A_215 = tpu.memref_slice %arg5[%run_scoped3A, %dma_wait3A_213, %dma_wait3A_214] : memref<2x128x16xf32, #tpu.memory_space<hbm>> -> memref<1x128x16xf32, #tpu.memory_space<hbm>>
      %dma_wait3A_216 = tpu.memref_squeeze %dma_wait3A_215 : memref<1x128x16xf32, #tpu.memory_space<hbm>> -> memref<128x16xf32, #tpu.memory_space<hbm>>
      tpu.wait_dma2 semaphore(%run_scoped3A_184 : memref<!tpu.dma_semaphore, #tpu.memory_space<semaphore_mem>>) src(%dma_wait3A_216 : memref<128x16xf32, #tpu.memory_space<hbm>>) dst(%dma_wait3A_212 : memref<128x16xf32, #tpu.memory_space<vmem>>)
      tpu.yield
    }) : () -> ()
    %scan3A = arith.constant 0 : i32
    %scan3A_30 = arith.constant 5 : i32
    %scan3A_31 = arith.addi %scan3A, %scan3A_30 : i32
    %scan3A_32 = arith.constant 1 : i32
    scf.for %scan3A_184 = %scan3A to %scan3A_31 step %scan3A_32  : i32 {
      %mul3A_185 = arith.constant 1 : i32
      %mul3A_186 = arith.muli %scan3A_184, %mul3A_185 : i32
      %add3A_187 = arith.constant 0 : i32
      %add3A_188 = arith.addi %add3A_187, %mul3A_186 : i32
      %mul3A_189 = arith.constant 640 : i32
      %mul3A_190 = arith.muli %arg1, %mul3A_189 : i32
      %mul3A_191 = arith.constant 128 : i32
      %mul3A_192 = arith.muli %add3A_188, %mul3A_191 : i32
      %add3A_193 = arith.addi %mul3A_190, %mul3A_192 : i32
      %run_scoped3A_194 = arith.constant 0 : i32
      "tpu.region"() ({
        %run_scoped3A_195 = tpu.sem_alloc : memref<!tpu.dma_semaphore, #tpu.memory_space<semaphore_mem>>
        %dma_start3A_196 = arith.constant 0 : i32
        %dma_start3A_197 = arith.constant 0 : i32
        %dma_start3A_198 = tpu.memref_slice %arg9[%run_scoped3A_194, %dma_start3A_196, %dma_start3A_197] : memref<4x128x16xf32, #tpu.memory_space<vmem>> -> memref<1x128x16xf32, #tpu.memory_space<vmem>>
        %dma_start3A_199 = tpu.memref_squeeze %dma_start3A_198 : memref<1x128x16xf32, #tpu.memory_space<vmem>> -> memref<128x16xf32, #tpu.memory_space<vmem>>
        %dma_start3A_200 = arith.constant 0 : i32
        %dma_start3A_201 = tpu.memref_slice %arg11[%add3A_193, %dma_start3A_200] : memref<10240x16xf32, #tpu.memory_space<vmem_shared>> -> memref<128x16xf32, #tpu.memory_space<vmem_shared>>
        %dma_start3A_202 = arith.constant 0 : i32
        %dma_start3A_203 = tpu.memref_slice %arg11[%add3A_193, %dma_start3A_202] : memref<10240x16xf32, #tpu.memory_space<vmem_shared>> -> memref<128x16xf32, #tpu.memory_space<vmem_shared>>
        %dma_start3A_204 = arith.constant 0 : i32
        %dma_start3A_205 = arith.constant 0 : i32
        %dma_start3A_206 = tpu.memref_slice %arg9[%run_scoped3A_194, %dma_start3A_204, %dma_start3A_205] : memref<4x128x16xf32, #tpu.memory_space<vmem>> -> memref<1x128x16xf32, #tpu.memory_space<vmem>>
        %dma_start3A_207 = tpu.memref_squeeze %dma_start3A_206 : memref<1x128x16xf32, #tpu.memory_space<vmem>> -> memref<128x16xf32, #tpu.memory_space<vmem>>
        tpu.enqueue_dma source(%dma_start3A_207 : memref<128x16xf32, #tpu.memory_space<vmem>>) target(%dma_start3A_203 : memref<128x16xf32, #tpu.memory_space<vmem_shared>>) target_semaphore(%run_scoped3A_195 : memref<!tpu.dma_semaphore, #tpu.memory_space<semaphore_mem>>)
        %dma_wait3A_208 = arith.constant 0 : i32
        %dma_wait3A_209 = arith.constant 0 : i32
        %dma_wait3A_210 = tpu.memref_slice %arg9[%run_scoped3A_194, %dma_wait3A_208, %dma_wait3A_209] : memref<4x128x16xf32, #tpu.memory_space<vmem>> -> memref<1x128x16xf32, #tpu.memory_space<vmem>>
        %dma_wait3A_211 = tpu.memref_squeeze %dma_wait3A_210 : memref<1x128x16xf32, #tpu.memory_space<vmem>> -> memref<128x16xf32, #tpu.memory_space<vmem>>
        %dma_wait3A_212 = arith.constant 0 : i32
        %dma_wait3A_213 = tpu.memref_slice %arg11[%add3A_193, %dma_wait3A_212] : memref<10240x16xf32, #tpu.memory_space<vmem_shared>> -> memref<128x16xf32, #tpu.memory_space<vmem_shared>>
        %dma_wait3A_214 = arith.constant 0 : i32
        %dma_wait3A_215 = tpu.memref_slice %arg11[%add3A_193, %dma_wait3A_214] : memref<10240x16xf32, #tpu.memory_space<vmem_shared>> -> memref<128x16xf32, #tpu.memory_space<vmem_shared>>
        %dma_wait3A_216 = arith.constant 0 : i32
        %dma_wait3A_217 = arith.constant 0 : i32
        %dma_wait3A_218 = tpu.memref_slice %arg9[%run_scoped3A_194, %dma_wait3A_216, %dma_wait3A_217] : memref<4x128x16xf32, #tpu.memory_space<vmem>> -> memref<1x128x16xf32, #tpu.memory_space<vmem>>
        %dma_wait3A_219 = tpu.memref_squeeze %dma_wait3A_218 : memref<1x128x16xf32, #tpu.memory_space<vmem>> -> memref<128x16xf32, #tpu.memory_space<vmem>>
        tpu.wait_dma2 semaphore(%run_scoped3A_195 : memref<!tpu.dma_semaphore, #tpu.memory_space<semaphore_mem>>) src(%dma_wait3A_219 : memref<128x16xf32, #tpu.memory_space<vmem>>) dst(%dma_wait3A_215 : memref<128x16xf32, #tpu.memory_space<vmem_shared>>)
        tpu.yield
      }) : () -> ()
    }
    %scan3A_33 = arith.constant 5 : i32
    %dma_wait3A = arith.constant 0 : i32
    %dma_wait3A_34 = arith.constant 0 : i32
    %dma_wait3A_35 = tpu.memref_slice %arg3[%mul3A_2, %dma_wait3A_34] : memref<2560x128xi32, #tpu.memory_space<hbm>> -> memref<80x128xi32, #tpu.memory_space<hbm>>
    %dma_wait3A_36 = tpu.memref_slice %arg14[%dma_wait3A] : memref<3x!tpu.dma_semaphore, #tpu.memory_space<semaphore_mem>> -> memref<1x!tpu.dma_semaphore, #tpu.memory_space<semaphore_mem>>
    %dma_wait3A_37 = tpu.memref_squeeze %dma_wait3A_36 : memref<1x!tpu.dma_semaphore, #tpu.memory_space<semaphore_mem>> -> memref<!tpu.dma_semaphore, #tpu.memory_space<semaphore_mem>>
    %dma_wait3A_38 = arith.constant 0 : i32
    %dma_wait3A_39 = tpu.memref_slice %arg3[%mul3A_2, %dma_wait3A_38] : memref<2560x128xi32, #tpu.memory_space<hbm>> -> memref<80x128xi32, #tpu.memory_space<hbm>>
    tpu.wait_dma2 semaphore(%dma_wait3A_37 : memref<!tpu.dma_semaphore, #tpu.memory_space<semaphore_mem>>) src(%dma_wait3A_39 : memref<80x128xi32, #tpu.memory_space<hbm>>) dst(%arg8 : memref<80x128xi32, #tpu.memory_space<vmem>>)
    %dma_wait3A_40 = arith.constant 1 : i32
    %dma_wait3A_41 = arith.constant 0 : i32
    %dma_wait3A_42 = tpu.memref_slice %arg2[%mul3A_10, %dma_wait3A_41] : memref<2560x128xi32, #tpu.memory_space<hbm>> -> memref<80x128xi32, #tpu.memory_space<hbm>>
    %dma_wait3A_43 = tpu.memref_slice %arg14[%dma_wait3A_40] : memref<3x!tpu.dma_semaphore, #tpu.memory_space<semaphore_mem>> -> memref<1x!tpu.dma_semaphore, #tpu.memory_space<semaphore_mem>>
    %dma_wait3A_44 = tpu.memref_squeeze %dma_wait3A_43 : memref<1x!tpu.dma_semaphore, #tpu.memory_space<semaphore_mem>> -> memref<!tpu.dma_semaphore, #tpu.memory_space<semaphore_mem>>
    %dma_wait3A_45 = arith.constant 0 : i32
    %dma_wait3A_46 = tpu.memref_slice %arg2[%mul3A_10, %dma_wait3A_45] : memref<2560x128xi32, #tpu.memory_space<hbm>> -> memref<80x128xi32, #tpu.memory_space<hbm>>
    tpu.wait_dma2 semaphore(%dma_wait3A_44 : memref<!tpu.dma_semaphore, #tpu.memory_space<semaphore_mem>>) src(%dma_wait3A_46 : memref<80x128xi32, #tpu.memory_space<hbm>>) dst(%arg7 : memref<80x128xi32, #tpu.memory_space<vmem>>)
    %dma_wait3A_47 = arith.constant 2 : i32
    %dma_wait3A_48 = tpu.memref_slice %arg14[%dma_wait3A_47] : memref<3x!tpu.dma_semaphore, #tpu.memory_space<semaphore_mem>> -> memref<1x!tpu.dma_semaphore, #tpu.memory_space<semaphore_mem>>
    %dma_wait3A_49 = tpu.memref_squeeze %dma_wait3A_48 : memref<1x!tpu.dma_semaphore, #tpu.memory_space<semaphore_mem>> -> memref<!tpu.dma_semaphore, #tpu.memory_space<semaphore_mem>>
    %dma_wait3A_50 = arith.constant 0 : i32
    %dma_wait3A_51 = tpu.memref_slice %arg10[%mul3A_21, %dma_wait3A_50] : memref<10240x16xf32, #tpu.memory_space<vmem_shared>> -> memref<640x16xf32, #tpu.memory_space<vmem_shared>>
    %dma_wait3A_52 = arith.constant 0 : i32
    %dma_wait3A_53 = tpu.memref_slice %arg4[%mul3A_19, %dma_wait3A_52] : memref<10240x16xf32, #tpu.memory_space<hbm>> -> memref<640x16xf32, #tpu.memory_space<hbm>>
    tpu.wait_dma2 semaphore(%dma_wait3A_49 : memref<!tpu.dma_semaphore, #tpu.memory_space<semaphore_mem>>) src(%dma_wait3A_53 : memref<640x16xf32, #tpu.memory_space<hbm>>) dst(%dma_wait3A_51 : memref<640x16xf32, #tpu.memory_space<vmem_shared>>)
    %barrier3A = arith.constant 0 : index
    tpu.barrier barrier_id(%barrier3A)
    %dma_start3A_54 = arith.constant 0 : i32
    %dma_start3A_55 = arith.constant 0 : i32
    %dma_start3A_56 = arith.constant 0 : i32
    %dma_start3A_57 = arith.constant 0 : i32
    %dma_start3A_58 = arith.constant 0 : i32
    %dma_start3A_59 = tpu.memref_slice %arg9[%dma_start3A_55, %dma_start3A_57, %dma_start3A_58] : memref<4x128x16xf32, #tpu.memory_space<vmem>> -> memref<1x128x16xf32, #tpu.memory_space<vmem>>
    %dma_start3A_60 = tpu.memref_squeeze %dma_start3A_59 : memref<1x128x16xf32, #tpu.memory_space<vmem>> -> memref<128x16xf32, #tpu.memory_space<vmem>>
    %dma_start3A_61 = arith.constant 0 : i32
    %dma_start3A_62 = tpu.memref_slice %arg7[%dma_start3A_54, %dma_start3A_61] : memref<80x128xi32, #tpu.memory_space<vmem>> -> memref<1x128xi32, #tpu.memory_space<vmem>>
    %dma_start3A_63 = tpu.memref_squeeze %dma_start3A_62 : memref<1x128xi32, #tpu.memory_space<vmem>> -> memref<128xi32, #tpu.memory_space<vmem>>
    %dma_start3A_64 = arith.constant 0 : i32
    %dma_start3A_65 = arith.constant 0 : i32
    %dma_start3A_66 = tpu.memref_slice %arg10[%dma_start3A_64, %dma_start3A_65] : memref<10240x16xf32, #tpu.memory_space<vmem_shared>> -> memref<10240x16xf32, #tpu.memory_space<vmem_shared>>
    %dma_start3A_67 = tpu.memref_slice %arg12[%dma_start3A_56] : memref<4x!tpu.dma_semaphore, #tpu.memory_space<semaphore_mem>> -> memref<1x!tpu.dma_semaphore, #tpu.memory_space<semaphore_mem>>
    %dma_start3A_68 = tpu.memref_squeeze %dma_start3A_67 : memref<1x!tpu.dma_semaphore, #tpu.memory_space<semaphore_mem>> -> memref<!tpu.dma_semaphore, #tpu.memory_space<semaphore_mem>>
    tpu.enqueue_indirect_dma source(%dma_start3A_66 : memref<10240x16xf32, #tpu.memory_space<vmem_shared>>) target(%dma_start3A_60 : memref<128x16xf32, #tpu.memory_space<vmem>>) offsets(%dma_start3A_63 : memref<128xi32, #tpu.memory_space<vmem>>) semaphore(%dma_start3A_68 : memref<!tpu.dma_semaphore, #tpu.memory_space<semaphore_mem>>)
    %dma_start3A_69 = arith.constant 1 : i32
    %dma_start3A_70 = arith.constant 1 : i32
    %dma_start3A_71 = arith.constant 1 : i32
    %dma_start3A_72 = arith.constant 0 : i32
    %dma_start3A_73 = arith.constant 0 : i32
    %dma_start3A_74 = tpu.memref_slice %arg9[%dma_start3A_70, %dma_start3A_72, %dma_start3A_73] : memref<4x128x16xf32, #tpu.memory_space<vmem>> -> memref<1x128x16xf32, #tpu.memory_space<vmem>>
    %dma_start3A_75 = tpu.memref_squeeze %dma_start3A_74 : memref<1x128x16xf32, #tpu.memory_space<vmem>> -> memref<128x16xf32, #tpu.memory_space<vmem>>
    %dma_start3A_76 = arith.constant 0 : i32
    %dma_start3A_77 = tpu.memref_slice %arg7[%dma_start3A_69, %dma_start3A_76] : memref<80x128xi32, #tpu.memory_space<vmem>> -> memref<1x128xi32, #tpu.memory_space<vmem>>
    %dma_start3A_78 = tpu.memref_squeeze %dma_start3A_77 : memref<1x128xi32, #tpu.memory_space<vmem>> -> memref<128xi32, #tpu.memory_space<vmem>>
    %dma_start3A_79 = arith.constant 0 : i32
    %dma_start3A_80 = arith.constant 0 : i32
    %dma_start3A_81 = tpu.memref_slice %arg10[%dma_start3A_79, %dma_start3A_80] : memref<10240x16xf32, #tpu.memory_space<vmem_shared>> -> memref<10240x16xf32, #tpu.memory_space<vmem_shared>>
    %dma_start3A_82 = tpu.memref_slice %arg12[%dma_start3A_71] : memref<4x!tpu.dma_semaphore, #tpu.memory_space<semaphore_mem>> -> memref<1x!tpu.dma_semaphore, #tpu.memory_space<semaphore_mem>>
    %dma_start3A_83 = tpu.memref_squeeze %dma_start3A_82 : memref<1x!tpu.dma_semaphore, #tpu.memory_space<semaphore_mem>> -> memref<!tpu.dma_semaphore, #tpu.memory_space<semaphore_mem>>
    tpu.enqueue_indirect_dma source(%dma_start3A_81 : memref<10240x16xf32, #tpu.memory_space<vmem_shared>>) target(%dma_start3A_75 : memref<128x16xf32, #tpu.memory_space<vmem>>) offsets(%dma_start3A_78 : memref<128xi32, #tpu.memory_space<vmem>>) semaphore(%dma_start3A_83 : memref<!tpu.dma_semaphore, #tpu.memory_space<semaphore_mem>>)
    %dma_start3A_84 = arith.constant 2 : i32
    %dma_start3A_85 = arith.constant 2 : i32
    %dma_start3A_86 = arith.constant 2 : i32
    %dma_start3A_87 = arith.constant 0 : i32
    %dma_start3A_88 = arith.constant 0 : i32
    %dma_start3A_89 = tpu.memref_slice %arg9[%dma_start3A_85, %dma_start3A_87, %dma_start3A_88] : memref<4x128x16xf32, #tpu.memory_space<vmem>> -> memref<1x128x16xf32, #tpu.memory_space<vmem>>
    %dma_start3A_90 = tpu.memref_squeeze %dma_start3A_89 : memref<1x128x16xf32, #tpu.memory_space<vmem>> -> memref<128x16xf32, #tpu.memory_space<vmem>>
    %dma_start3A_91 = arith.constant 0 : i32
    %dma_start3A_92 = tpu.memref_slice %arg7[%dma_start3A_84, %dma_start3A_91] : memref<80x128xi32, #tpu.memory_space<vmem>> -> memref<1x128xi32, #tpu.memory_space<vmem>>
    %dma_start3A_93 = tpu.memref_squeeze %dma_start3A_92 : memref<1x128xi32, #tpu.memory_space<vmem>> -> memref<128xi32, #tpu.memory_space<vmem>>
    %dma_start3A_94 = arith.constant 0 : i32
    %dma_start3A_95 = arith.constant 0 : i32
    %dma_start3A_96 = tpu.memref_slice %arg10[%dma_start3A_94, %dma_start3A_95] : memref<10240x16xf32, #tpu.memory_space<vmem_shared>> -> memref<10240x16xf32, #tpu.memory_space<vmem_shared>>
    %dma_start3A_97 = tpu.memref_slice %arg12[%dma_start3A_86] : memref<4x!tpu.dma_semaphore, #tpu.memory_space<semaphore_mem>> -> memref<1x!tpu.dma_semaphore, #tpu.memory_space<semaphore_mem>>
    %dma_start3A_98 = tpu.memref_squeeze %dma_start3A_97 : memref<1x!tpu.dma_semaphore, #tpu.memory_space<semaphore_mem>> -> memref<!tpu.dma_semaphore, #tpu.memory_space<semaphore_mem>>
    tpu.enqueue_indirect_dma source(%dma_start3A_96 : memref<10240x16xf32, #tpu.memory_space<vmem_shared>>) target(%dma_start3A_90 : memref<128x16xf32, #tpu.memory_space<vmem>>) offsets(%dma_start3A_93 : memref<128xi32, #tpu.memory_space<vmem>>) semaphore(%dma_start3A_98 : memref<!tpu.dma_semaphore, #tpu.memory_space<semaphore_mem>>)
    %dma_start3A_99 = arith.constant 3 : i32
    %dma_start3A_100 = arith.constant 3 : i32
    %dma_start3A_101 = arith.constant 3 : i32
    %dma_start3A_102 = arith.constant 0 : i32
    %dma_start3A_103 = arith.constant 0 : i32
    %dma_start3A_104 = tpu.memref_slice %arg9[%dma_start3A_100, %dma_start3A_102, %dma_start3A_103] : memref<4x128x16xf32, #tpu.memory_space<vmem>> -> memref<1x128x16xf32, #tpu.memory_space<vmem>>
    %dma_start3A_105 = tpu.memref_squeeze %dma_start3A_104 : memref<1x128x16xf32, #tpu.memory_space<vmem>> -> memref<128x16xf32, #tpu.memory_space<vmem>>
    %dma_start3A_106 = arith.constant 0 : i32
    %dma_start3A_107 = tpu.memref_slice %arg7[%dma_start3A_99, %dma_start3A_106] : memref<80x128xi32, #tpu.memory_space<vmem>> -> memref<1x128xi32, #tpu.memory_space<vmem>>
    %dma_start3A_108 = tpu.memref_squeeze %dma_start3A_107 : memref<1x128xi32, #tpu.memory_space<vmem>> -> memref<128xi32, #tpu.memory_space<vmem>>
    %dma_start3A_109 = arith.constant 0 : i32
    %dma_start3A_110 = arith.constant 0 : i32
    %dma_start3A_111 = tpu.memref_slice %arg10[%dma_start3A_109, %dma_start3A_110] : memref<10240x16xf32, #tpu.memory_space<vmem_shared>> -> memref<10240x16xf32, #tpu.memory_space<vmem_shared>>
    %dma_start3A_112 = tpu.memref_slice %arg12[%dma_start3A_101] : memref<4x!tpu.dma_semaphore, #tpu.memory_space<semaphore_mem>> -> memref<1x!tpu.dma_semaphore, #tpu.memory_space<semaphore_mem>>
    %dma_start3A_113 = tpu.memref_squeeze %dma_start3A_112 : memref<1x!tpu.dma_semaphore, #tpu.memory_space<semaphore_mem>> -> memref<!tpu.dma_semaphore, #tpu.memory_space<semaphore_mem>>
    tpu.enqueue_indirect_dma source(%dma_start3A_111 : memref<10240x16xf32, #tpu.memory_space<vmem_shared>>) target(%dma_start3A_105 : memref<128x16xf32, #tpu.memory_space<vmem>>) offsets(%dma_start3A_108 : memref<128xi32, #tpu.memory_space<vmem>>) semaphore(%dma_start3A_113 : memref<!tpu.dma_semaphore, #tpu.memory_space<semaphore_mem>>)
    %scan3A_114 = arith.constant 0 : i32
    %scan3A_115 = arith.constant 20 : i32
    %scan3A_116 = arith.addi %scan3A_114, %scan3A_115 : i32
    %scan3A_117 = arith.constant 1 : i32
    scf.for %scan3A_184 = %scan3A_114 to %scan3A_116 step %scan3A_117  : i32 {
      %mul3A_185 = arith.constant 1 : i32
      %mul3A_186 = arith.muli %scan3A_184, %mul3A_185 : i32
      %add3A_187 = arith.constant 0 : i32
      %add3A_188 = arith.addi %add3A_187, %mul3A_186 : i32
      %mul3A_189 = arith.constant 4 : i32
      %mul3A_190 = arith.muli %add3A_188, %mul3A_189 : i32
      %add3A_191 = arith.constant 0 : i32
      %add3A_192 = arith.addi %mul3A_190, %add3A_191 : i32
      %dma_wait3A_193 = arith.constant 0 : i32
      %dma_wait3A_194 = arith.constant 0 : i32
      %dma_wait3A_195 = arith.constant 0 : i32
      %dma_wait3A_196 = arith.constant 0 : i32
      %dma_wait3A_197 = tpu.memref_slice %arg9[%dma_wait3A_193, %dma_wait3A_195, %dma_wait3A_196] : memref<4x128x16xf32, #tpu.memory_space<vmem>> -> memref<1x128x16xf32, #tpu.memory_space<vmem>>
      %dma_wait3A_198 = tpu.memref_squeeze %dma_wait3A_197 : memref<1x128x16xf32, #tpu.memory_space<vmem>> -> memref<128x16xf32, #tpu.memory_space<vmem>>
      %dma_wait3A_199 = arith.constant 0 : i32
      %dma_wait3A_200 = tpu.memref_slice %arg7[%add3A_192, %dma_wait3A_199] : memref<80x128xi32, #tpu.memory_space<vmem>> -> memref<1x128xi32, #tpu.memory_space<vmem>>
      %dma_wait3A_201 = tpu.memref_squeeze %dma_wait3A_200 : memref<1x128xi32, #tpu.memory_space<vmem>> -> memref<128xi32, #tpu.memory_space<vmem>>
      %dma_wait3A_202 = arith.constant 0 : i32
      %dma_wait3A_203 = arith.constant 0 : i32
      %dma_wait3A_204 = tpu.memref_slice %arg10[%dma_wait3A_202, %dma_wait3A_203] : memref<10240x16xf32, #tpu.memory_space<vmem_shared>> -> memref<10240x16xf32, #tpu.memory_space<vmem_shared>>
      %dma_wait3A_205 = tpu.memref_slice %arg12[%dma_wait3A_194] : memref<4x!tpu.dma_semaphore, #tpu.memory_space<semaphore_mem>> -> memref<1x!tpu.dma_semaphore, #tpu.memory_space<semaphore_mem>>
      %dma_wait3A_206 = tpu.memref_squeeze %dma_wait3A_205 : memref<1x!tpu.dma_semaphore, #tpu.memory_space<semaphore_mem>> -> memref<!tpu.dma_semaphore, #tpu.memory_space<semaphore_mem>>
      tpu.wait_indirect_dma semaphore(%dma_wait3A_206 : memref<!tpu.dma_semaphore, #tpu.memory_space<semaphore_mem>>) src(%dma_wait3A_204 : memref<10240x16xf32, #tpu.memory_space<vmem_shared>>) dst(%dma_wait3A_198 : memref<128x16xf32, #tpu.memory_space<vmem>>)
      %add3A_207 = arith.constant 0 : i32
      %add3A_208 = arith.addi %mul3A_190, %add3A_207 : i32
      %dma_start3A_209 = arith.constant 0 : i32
      %dma_start3A_210 = arith.constant 0 : i32
      %dma_start3A_211 = arith.constant 0 : i32
      %dma_start3A_212 = arith.constant 0 : i32
      %dma_start3A_213 = tpu.memref_slice %arg9[%dma_start3A_209, %dma_start3A_211, %dma_start3A_212] : memref<4x128x16xf32, #tpu.memory_space<vmem>> -> memref<1x128x16xf32, #tpu.memory_space<vmem>>
      %dma_start3A_214 = tpu.memref_squeeze %dma_start3A_213 : memref<1x128x16xf32, #tpu.memory_space<vmem>> -> memref<128x16xf32, #tpu.memory_space<vmem>>
      %dma_start3A_215 = arith.constant 0 : i32
      %dma_start3A_216 = tpu.memref_slice %arg8[%add3A_208, %dma_start3A_215] : memref<80x128xi32, #tpu.memory_space<vmem>> -> memref<1x128xi32, #tpu.memory_space<vmem>>
      %dma_start3A_217 = tpu.memref_squeeze %dma_start3A_216 : memref<1x128xi32, #tpu.memory_space<vmem>> -> memref<128xi32, #tpu.memory_space<vmem>>
      %dma_start3A_218 = arith.constant 0 : i32
      %dma_start3A_219 = arith.constant 0 : i32
      %dma_start3A_220 = tpu.memref_slice %arg11[%dma_start3A_218, %dma_start3A_219] : memref<10240x16xf32, #tpu.memory_space<vmem_shared>> -> memref<10240x16xf32, #tpu.memory_space<vmem_shared>>
      %dma_start3A_221 = tpu.memref_slice %arg13[%dma_start3A_210] : memref<4x!tpu.dma_semaphore, #tpu.memory_space<semaphore_mem>> -> memref<1x!tpu.dma_semaphore, #tpu.memory_space<semaphore_mem>>
      %dma_start3A_222 = tpu.memref_squeeze %dma_start3A_221 : memref<1x!tpu.dma_semaphore, #tpu.memory_space<semaphore_mem>> -> memref<!tpu.dma_semaphore, #tpu.memory_space<semaphore_mem>>
      tpu.enqueue_indirect_dma source(%dma_start3A_214 : memref<128x16xf32, #tpu.memory_space<vmem>>) target(%dma_start3A_220 : memref<10240x16xf32, #tpu.memory_space<vmem_shared>>) offsets(%dma_start3A_217 : memref<128xi32, #tpu.memory_space<vmem>>) semaphore(%dma_start3A_222 : memref<!tpu.dma_semaphore, #tpu.memory_space<semaphore_mem>>) {add = true}
      %add3A_223 = arith.constant 1 : i32
      %add3A_224 = arith.addi %mul3A_190, %add3A_223 : i32
      %dma_wait3A_225 = arith.constant 1 : i32
      %dma_wait3A_226 = arith.constant 1 : i32
      %dma_wait3A_227 = arith.constant 0 : i32
      %dma_wait3A_228 = arith.constant 0 : i32
      %dma_wait3A_229 = tpu.memref_slice %arg9[%dma_wait3A_225, %dma_wait3A_227, %dma_wait3A_228] : memref<4x128x16xf32, #tpu.memory_space<vmem>> -> memref<1x128x16xf32, #tpu.memory_space<vmem>>
      %dma_wait3A_230 = tpu.memref_squeeze %dma_wait3A_229 : memref<1x128x16xf32, #tpu.memory_space<vmem>> -> memref<128x16xf32, #tpu.memory_space<vmem>>
      %dma_wait3A_231 = arith.constant 0 : i32
      %dma_wait3A_232 = tpu.memref_slice %arg7[%add3A_224, %dma_wait3A_231] : memref<80x128xi32, #tpu.memory_space<vmem>> -> memref<1x128xi32, #tpu.memory_space<vmem>>
      %dma_wait3A_233 = tpu.memref_squeeze %dma_wait3A_232 : memref<1x128xi32, #tpu.memory_space<vmem>> -> memref<128xi32, #tpu.memory_space<vmem>>
      %dma_wait3A_234 = arith.constant 0 : i32
      %dma_wait3A_235 = arith.constant 0 : i32
      %dma_wait3A_236 = tpu.memref_slice %arg10[%dma_wait3A_234, %dma_wait3A_235] : memref<10240x16xf32, #tpu.memory_space<vmem_shared>> -> memref<10240x16xf32, #tpu.memory_space<vmem_shared>>
      %dma_wait3A_237 = tpu.memref_slice %arg12[%dma_wait3A_226] : memref<4x!tpu.dma_semaphore, #tpu.memory_space<semaphore_mem>> -> memref<1x!tpu.dma_semaphore, #tpu.memory_space<semaphore_mem>>
      %dma_wait3A_238 = tpu.memref_squeeze %dma_wait3A_237 : memref<1x!tpu.dma_semaphore, #tpu.memory_space<semaphore_mem>> -> memref<!tpu.dma_semaphore, #tpu.memory_space<semaphore_mem>>
      tpu.wait_indirect_dma semaphore(%dma_wait3A_238 : memref<!tpu.dma_semaphore, #tpu.memory_space<semaphore_mem>>) src(%dma_wait3A_236 : memref<10240x16xf32, #tpu.memory_space<vmem_shared>>) dst(%dma_wait3A_230 : memref<128x16xf32, #tpu.memory_space<vmem>>)
      %add3A_239 = arith.constant 1 : i32
      %add3A_240 = arith.addi %mul3A_190, %add3A_239 : i32
      %dma_start3A_241 = arith.constant 1 : i32
      %dma_start3A_242 = arith.constant 1 : i32
      %dma_start3A_243 = arith.constant 0 : i32
      %dma_start3A_244 = arith.constant 0 : i32
      %dma_start3A_245 = tpu.memref_slice %arg9[%dma_start3A_241, %dma_start3A_243, %dma_start3A_244] : memref<4x128x16xf32, #tpu.memory_space<vmem>> -> memref<1x128x16xf32, #tpu.memory_space<vmem>>
      %dma_start3A_246 = tpu.memref_squeeze %dma_start3A_245 : memref<1x128x16xf32, #tpu.memory_space<vmem>> -> memref<128x16xf32, #tpu.memory_space<vmem>>
      %dma_start3A_247 = arith.constant 0 : i32
      %dma_start3A_248 = tpu.memref_slice %arg8[%add3A_240, %dma_start3A_247] : memref<80x128xi32, #tpu.memory_space<vmem>> -> memref<1x128xi32, #tpu.memory_space<vmem>>
      %dma_start3A_249 = tpu.memref_squeeze %dma_start3A_248 : memref<1x128xi32, #tpu.memory_space<vmem>> -> memref<128xi32, #tpu.memory_space<vmem>>
      %dma_start3A_250 = arith.constant 0 : i32
      %dma_start3A_251 = arith.constant 0 : i32
      %dma_start3A_252 = tpu.memref_slice %arg11[%dma_start3A_250, %dma_start3A_251] : memref<10240x16xf32, #tpu.memory_space<vmem_shared>> -> memref<10240x16xf32, #tpu.memory_space<vmem_shared>>
      %dma_start3A_253 = tpu.memref_slice %arg13[%dma_start3A_242] : memref<4x!tpu.dma_semaphore, #tpu.memory_space<semaphore_mem>> -> memref<1x!tpu.dma_semaphore, #tpu.memory_space<semaphore_mem>>
      %dma_start3A_254 = tpu.memref_squeeze %dma_start3A_253 : memref<1x!tpu.dma_semaphore, #tpu.memory_space<semaphore_mem>> -> memref<!tpu.dma_semaphore, #tpu.memory_space<semaphore_mem>>
      tpu.enqueue_indirect_dma source(%dma_start3A_246 : memref<128x16xf32, #tpu.memory_space<vmem>>) target(%dma_start3A_252 : memref<10240x16xf32, #tpu.memory_space<vmem_shared>>) offsets(%dma_start3A_249 : memref<128xi32, #tpu.memory_space<vmem>>) semaphore(%dma_start3A_254 : memref<!tpu.dma_semaphore, #tpu.memory_space<semaphore_mem>>) {add = true}
      %add3A_255 = arith.constant 2 : i32
      %add3A_256 = arith.addi %mul3A_190, %add3A_255 : i32
      %dma_wait3A_257 = arith.constant 2 : i32
      %dma_wait3A_258 = arith.constant 2 : i32
      %dma_wait3A_259 = arith.constant 0 : i32
      %dma_wait3A_260 = arith.constant 0 : i32
      %dma_wait3A_261 = tpu.memref_slice %arg9[%dma_wait3A_257, %dma_wait3A_259, %dma_wait3A_260] : memref<4x128x16xf32, #tpu.memory_space<vmem>> -> memref<1x128x16xf32, #tpu.memory_space<vmem>>
      %dma_wait3A_262 = tpu.memref_squeeze %dma_wait3A_261 : memref<1x128x16xf32, #tpu.memory_space<vmem>> -> memref<128x16xf32, #tpu.memory_space<vmem>>
      %dma_wait3A_263 = arith.constant 0 : i32
      %dma_wait3A_264 = tpu.memref_slice %arg7[%add3A_256, %dma_wait3A_263] : memref<80x128xi32, #tpu.memory_space<vmem>> -> memref<1x128xi32, #tpu.memory_space<vmem>>
      %dma_wait3A_265 = tpu.memref_squeeze %dma_wait3A_264 : memref<1x128xi32, #tpu.memory_space<vmem>> -> memref<128xi32, #tpu.memory_space<vmem>>
      %dma_wait3A_266 = arith.constant 0 : i32
      %dma_wait3A_267 = arith.constant 0 : i32
      %dma_wait3A_268 = tpu.memref_slice %arg10[%dma_wait3A_266, %dma_wait3A_267] : memref<10240x16xf32, #tpu.memory_space<vmem_shared>> -> memref<10240x16xf32, #tpu.memory_space<vmem_shared>>
      %dma_wait3A_269 = tpu.memref_slice %arg12[%dma_wait3A_258] : memref<4x!tpu.dma_semaphore, #tpu.memory_space<semaphore_mem>> -> memref<1x!tpu.dma_semaphore, #tpu.memory_space<semaphore_mem>>
      %dma_wait3A_270 = tpu.memref_squeeze %dma_wait3A_269 : memref<1x!tpu.dma_semaphore, #tpu.memory_space<semaphore_mem>> -> memref<!tpu.dma_semaphore, #tpu.memory_space<semaphore_mem>>
      tpu.wait_indirect_dma semaphore(%dma_wait3A_270 : memref<!tpu.dma_semaphore, #tpu.memory_space<semaphore_mem>>) src(%dma_wait3A_268 : memref<10240x16xf32, #tpu.memory_space<vmem_shared>>) dst(%dma_wait3A_262 : memref<128x16xf32, #tpu.memory_space<vmem>>)
      %add3A_271 = arith.constant 2 : i32
      %add3A_272 = arith.addi %mul3A_190, %add3A_271 : i32
      %dma_start3A_273 = arith.constant 2 : i32
      %dma_start3A_274 = arith.constant 2 : i32
      %dma_start3A_275 = arith.constant 0 : i32
      %dma_start3A_276 = arith.constant 0 : i32
      %dma_start3A_277 = tpu.memref_slice %arg9[%dma_start3A_273, %dma_start3A_275, %dma_start3A_276] : memref<4x128x16xf32, #tpu.memory_space<vmem>> -> memref<1x128x16xf32, #tpu.memory_space<vmem>>
      %dma_start3A_278 = tpu.memref_squeeze %dma_start3A_277 : memref<1x128x16xf32, #tpu.memory_space<vmem>> -> memref<128x16xf32, #tpu.memory_space<vmem>>
      %dma_start3A_279 = arith.constant 0 : i32
      %dma_start3A_280 = tpu.memref_slice %arg8[%add3A_272, %dma_start3A_279] : memref<80x128xi32, #tpu.memory_space<vmem>> -> memref<1x128xi32, #tpu.memory_space<vmem>>
      %dma_start3A_281 = tpu.memref_squeeze %dma_start3A_280 : memref<1x128xi32, #tpu.memory_space<vmem>> -> memref<128xi32, #tpu.memory_space<vmem>>
      %dma_start3A_282 = arith.constant 0 : i32
      %dma_start3A_283 = arith.constant 0 : i32
      %dma_start3A_284 = tpu.memref_slice %arg11[%dma_start3A_282, %dma_start3A_283] : memref<10240x16xf32, #tpu.memory_space<vmem_shared>> -> memref<10240x16xf32, #tpu.memory_space<vmem_shared>>
      %dma_start3A_285 = tpu.memref_slice %arg13[%dma_start3A_274] : memref<4x!tpu.dma_semaphore, #tpu.memory_space<semaphore_mem>> -> memref<1x!tpu.dma_semaphore, #tpu.memory_space<semaphore_mem>>
      %dma_start3A_286 = tpu.memref_squeeze %dma_start3A_285 : memref<1x!tpu.dma_semaphore, #tpu.memory_space<semaphore_mem>> -> memref<!tpu.dma_semaphore, #tpu.memory_space<semaphore_mem>>
      tpu.enqueue_indirect_dma source(%dma_start3A_278 : memref<128x16xf32, #tpu.memory_space<vmem>>) target(%dma_start3A_284 : memref<10240x16xf32, #tpu.memory_space<vmem_shared>>) offsets(%dma_start3A_281 : memref<128xi32, #tpu.memory_space<vmem>>) semaphore(%dma_start3A_286 : memref<!tpu.dma_semaphore, #tpu.memory_space<semaphore_mem>>) {add = true}
      %add3A_287 = arith.constant 3 : i32
      %add3A_288 = arith.addi %mul3A_190, %add3A_287 : i32
      %dma_wait3A_289 = arith.constant 3 : i32
      %dma_wait3A_290 = arith.constant 3 : i32
      %dma_wait3A_291 = arith.constant 0 : i32
      %dma_wait3A_292 = arith.constant 0 : i32
      %dma_wait3A_293 = tpu.memref_slice %arg9[%dma_wait3A_289, %dma_wait3A_291, %dma_wait3A_292] : memref<4x128x16xf32, #tpu.memory_space<vmem>> -> memref<1x128x16xf32, #tpu.memory_space<vmem>>
      %dma_wait3A_294 = tpu.memref_squeeze %dma_wait3A_293 : memref<1x128x16xf32, #tpu.memory_space<vmem>> -> memref<128x16xf32, #tpu.memory_space<vmem>>
      %dma_wait3A_295 = arith.constant 0 : i32
      %dma_wait3A_296 = tpu.memref_slice %arg7[%add3A_288, %dma_wait3A_295] : memref<80x128xi32, #tpu.memory_space<vmem>> -> memref<1x128xi32, #tpu.memory_space<vmem>>
      %dma_wait3A_297 = tpu.memref_squeeze %dma_wait3A_296 : memref<1x128xi32, #tpu.memory_space<vmem>> -> memref<128xi32, #tpu.memory_space<vmem>>
      %dma_wait3A_298 = arith.constant 0 : i32
      %dma_wait3A_299 = arith.constant 0 : i32
      %dma_wait3A_300 = tpu.memref_slice %arg10[%dma_wait3A_298, %dma_wait3A_299] : memref<10240x16xf32, #tpu.memory_space<vmem_shared>> -> memref<10240x16xf32, #tpu.memory_space<vmem_shared>>
      %dma_wait3A_301 = tpu.memref_slice %arg12[%dma_wait3A_290] : memref<4x!tpu.dma_semaphore, #tpu.memory_space<semaphore_mem>> -> memref<1x!tpu.dma_semaphore, #tpu.memory_space<semaphore_mem>>
      %dma_wait3A_302 = tpu.memref_squeeze %dma_wait3A_301 : memref<1x!tpu.dma_semaphore, #tpu.memory_space<semaphore_mem>> -> memref<!tpu.dma_semaphore, #tpu.memory_space<semaphore_mem>>
      tpu.wait_indirect_dma semaphore(%dma_wait3A_302 : memref<!tpu.dma_semaphore, #tpu.memory_space<semaphore_mem>>) src(%dma_wait3A_300 : memref<10240x16xf32, #tpu.memory_space<vmem_shared>>) dst(%dma_wait3A_294 : memref<128x16xf32, #tpu.memory_space<vmem>>)
      %add3A_303 = arith.constant 3 : i32
      %add3A_304 = arith.addi %mul3A_190, %add3A_303 : i32
      %dma_start3A_305 = arith.constant 3 : i32
      %dma_start3A_306 = arith.constant 3 : i32
      %dma_start3A_307 = arith.constant 0 : i32
      %dma_start3A_308 = arith.constant 0 : i32
      %dma_start3A_309 = tpu.memref_slice %arg9[%dma_start3A_305, %dma_start3A_307, %dma_start3A_308] : memref<4x128x16xf32, #tpu.memory_space<vmem>> -> memref<1x128x16xf32, #tpu.memory_space<vmem>>
      %dma_start3A_310 = tpu.memref_squeeze %dma_start3A_309 : memref<1x128x16xf32, #tpu.memory_space<vmem>> -> memref<128x16xf32, #tpu.memory_space<vmem>>
      %dma_start3A_311 = arith.constant 0 : i32
      %dma_start3A_312 = tpu.memref_slice %arg8[%add3A_304, %dma_start3A_311] : memref<80x128xi32, #tpu.memory_space<vmem>> -> memref<1x128xi32, #tpu.memory_space<vmem>>
      %dma_start3A_313 = tpu.memref_squeeze %dma_start3A_312 : memref<1x128xi32, #tpu.memory_space<vmem>> -> memref<128xi32, #tpu.memory_space<vmem>>
      %dma_start3A_314 = arith.constant 0 : i32
      %dma_start3A_315 = arith.constant 0 : i32
      %dma_start3A_316 = tpu.memref_slice %arg11[%dma_start3A_314, %dma_start3A_315] : memref<10240x16xf32, #tpu.memory_space<vmem_shared>> -> memref<10240x16xf32, #tpu.memory_space<vmem_shared>>
      %dma_start3A_317 = tpu.memref_slice %arg13[%dma_start3A_306] : memref<4x!tpu.dma_semaphore, #tpu.memory_space<semaphore_mem>> -> memref<1x!tpu.dma_semaphore, #tpu.memory_space<semaphore_mem>>
      %dma_start3A_318 = tpu.memref_squeeze %dma_start3A_317 : memref<1x!tpu.dma_semaphore, #tpu.memory_space<semaphore_mem>> -> memref<!tpu.dma_semaphore, #tpu.memory_space<semaphore_mem>>
      tpu.enqueue_indirect_dma source(%dma_start3A_310 : memref<128x16xf32, #tpu.memory_space<vmem>>) target(%dma_start3A_316 : memref<10240x16xf32, #tpu.memory_space<vmem_shared>>) offsets(%dma_start3A_313 : memref<128xi32, #tpu.memory_space<vmem>>) semaphore(%dma_start3A_318 : memref<!tpu.dma_semaphore, #tpu.memory_space<semaphore_mem>>) {add = true}
      %add3A_319 = arith.constant 0 : i32
      %add3A_320 = arith.addi %mul3A_190, %add3A_319 : i32
      %add3A_321 = arith.constant 4 : i32
      %add3A_322 = arith.addi %add3A_320, %add3A_321 : i32
      %min3A = arith.constant 79 : i32
      %min3A_323 = arith.minsi %add3A_322, %min3A : i32
      %add3A_324 = arith.constant 0 : i32
      %add3A_325 = arith.addi %mul3A_190, %add3A_324 : i32
      %dma_wait3A_326 = arith.constant 0 : i32
      %dma_wait3A_327 = arith.constant 0 : i32
      %dma_wait3A_328 = arith.constant 0 : i32
      %dma_wait3A_329 = arith.constant 0 : i32
      %dma_wait3A_330 = tpu.memref_slice %arg9[%dma_wait3A_326, %dma_wait3A_328, %dma_wait3A_329] : memref<4x128x16xf32, #tpu.memory_space<vmem>> -> memref<1x128x16xf32, #tpu.memory_space<vmem>>
      %dma_wait3A_331 = tpu.memref_squeeze %dma_wait3A_330 : memref<1x128x16xf32, #tpu.memory_space<vmem>> -> memref<128x16xf32, #tpu.memory_space<vmem>>
      %dma_wait3A_332 = arith.constant 0 : i32
      %dma_wait3A_333 = tpu.memref_slice %arg8[%add3A_325, %dma_wait3A_332] : memref<80x128xi32, #tpu.memory_space<vmem>> -> memref<1x128xi32, #tpu.memory_space<vmem>>
      %dma_wait3A_334 = tpu.memref_squeeze %dma_wait3A_333 : memref<1x128xi32, #tpu.memory_space<vmem>> -> memref<128xi32, #tpu.memory_space<vmem>>
      %dma_wait3A_335 = arith.constant 0 : i32
      %dma_wait3A_336 = arith.constant 0 : i32
      %dma_wait3A_337 = tpu.memref_slice %arg11[%dma_wait3A_335, %dma_wait3A_336] : memref<10240x16xf32, #tpu.memory_space<vmem_shared>> -> memref<10240x16xf32, #tpu.memory_space<vmem_shared>>
      %dma_wait3A_338 = tpu.memref_slice %arg13[%dma_wait3A_327] : memref<4x!tpu.dma_semaphore, #tpu.memory_space<semaphore_mem>> -> memref<1x!tpu.dma_semaphore, #tpu.memory_space<semaphore_mem>>
      %dma_wait3A_339 = tpu.memref_squeeze %dma_wait3A_338 : memref<1x!tpu.dma_semaphore, #tpu.memory_space<semaphore_mem>> -> memref<!tpu.dma_semaphore, #tpu.memory_space<semaphore_mem>>
      tpu.wait_indirect_dma semaphore(%dma_wait3A_339 : memref<!tpu.dma_semaphore, #tpu.memory_space<semaphore_mem>>) src(%dma_wait3A_331 : memref<128x16xf32, #tpu.memory_space<vmem>>) dst(%dma_wait3A_337 : memref<10240x16xf32, #tpu.memory_space<vmem_shared>>)
      %dma_start3A_340 = arith.constant 0 : i32
      %dma_start3A_341 = arith.constant 0 : i32
      %dma_start3A_342 = arith.constant 0 : i32
      %dma_start3A_343 = arith.constant 0 : i32
      %dma_start3A_344 = tpu.memref_slice %arg9[%dma_start3A_340, %dma_start3A_342, %dma_start3A_343] : memref<4x128x16xf32, #tpu.memory_space<vmem>> -> memref<1x128x16xf32, #tpu.memory_space<vmem>>
      %dma_start3A_345 = tpu.memref_squeeze %dma_start3A_344 : memref<1x128x16xf32, #tpu.memory_space<vmem>> -> memref<128x16xf32, #tpu.memory_space<vmem>>
      %dma_start3A_346 = arith.constant 0 : i32
      %dma_start3A_347 = tpu.memref_slice %arg7[%min3A_323, %dma_start3A_346] : memref<80x128xi32, #tpu.memory_space<vmem>> -> memref<1x128xi32, #tpu.memory_space<vmem>>
      %dma_start3A_348 = tpu.memref_squeeze %dma_start3A_347 : memref<1x128xi32, #tpu.memory_space<vmem>> -> memref<128xi32, #tpu.memory_space<vmem>>
      %dma_start3A_349 = arith.constant 0 : i32
      %dma_start3A_350 = arith.constant 0 : i32
      %dma_start3A_351 = tpu.memref_slice %arg10[%dma_start3A_349, %dma_start3A_350] : memref<10240x16xf32, #tpu.memory_space<vmem_shared>> -> memref<10240x16xf32, #tpu.memory_space<vmem_shared>>
      %dma_start3A_352 = tpu.memref_slice %arg12[%dma_start3A_341] : memref<4x!tpu.dma_semaphore, #tpu.memory_space<semaphore_mem>> -> memref<1x!tpu.dma_semaphore, #tpu.memory_space<semaphore_mem>>
      %dma_start3A_353 = tpu.memref_squeeze %dma_start3A_352 : memref<1x!tpu.dma_semaphore, #tpu.memory_space<semaphore_mem>> -> memref<!tpu.dma_semaphore, #tpu.memory_space<semaphore_mem>>
      tpu.enqueue_indirect_dma source(%dma_start3A_351 : memref<10240x16xf32, #tpu.memory_space<vmem_shared>>) target(%dma_start3A_345 : memref<128x16xf32, #tpu.memory_space<vmem>>) offsets(%dma_start3A_348 : memref<128xi32, #tpu.memory_space<vmem>>) semaphore(%dma_start3A_353 : memref<!tpu.dma_semaphore, #tpu.memory_space<semaphore_mem>>)
      %add3A_354 = arith.constant 1 : i32
      %add3A_355 = arith.addi %mul3A_190, %add3A_354 : i32
      %add3A_356 = arith.constant 4 : i32
      %add3A_357 = arith.addi %add3A_355, %add3A_356 : i32
      %min3A_358 = arith.constant 79 : i32
      %min3A_359 = arith.minsi %add3A_357, %min3A_358 : i32
      %add3A_360 = arith.constant 1 : i32
      %add3A_361 = arith.addi %mul3A_190, %add3A_360 : i32
      %dma_wait3A_362 = arith.constant 1 : i32
      %dma_wait3A_363 = arith.constant 1 : i32
      %dma_wait3A_364 = arith.constant 0 : i32
      %dma_wait3A_365 = arith.constant 0 : i32
      %dma_wait3A_366 = tpu.memref_slice %arg9[%dma_wait3A_362, %dma_wait3A_364, %dma_wait3A_365] : memref<4x128x16xf32, #tpu.memory_space<vmem>> -> memref<1x128x16xf32, #tpu.memory_space<vmem>>
      %dma_wait3A_367 = tpu.memref_squeeze %dma_wait3A_366 : memref<1x128x16xf32, #tpu.memory_space<vmem>> -> memref<128x16xf32, #tpu.memory_space<vmem>>
      %dma_wait3A_368 = arith.constant 0 : i32
      %dma_wait3A_369 = tpu.memref_slice %arg8[%add3A_361, %dma_wait3A_368] : memref<80x128xi32, #tpu.memory_space<vmem>> -> memref<1x128xi32, #tpu.memory_space<vmem>>
      %dma_wait3A_370 = tpu.memref_squeeze %dma_wait3A_369 : memref<1x128xi32, #tpu.memory_space<vmem>> -> memref<128xi32, #tpu.memory_space<vmem>>
      %dma_wait3A_371 = arith.constant 0 : i32
      %dma_wait3A_372 = arith.constant 0 : i32
      %dma_wait3A_373 = tpu.memref_slice %arg11[%dma_wait3A_371, %dma_wait3A_372] : memref<10240x16xf32, #tpu.memory_space<vmem_shared>> -> memref<10240x16xf32, #tpu.memory_space<vmem_shared>>
      %dma_wait3A_374 = tpu.memref_slice %arg13[%dma_wait3A_363] : memref<4x!tpu.dma_semaphore, #tpu.memory_space<semaphore_mem>> -> memref<1x!tpu.dma_semaphore, #tpu.memory_space<semaphore_mem>>
      %dma_wait3A_375 = tpu.memref_squeeze %dma_wait3A_374 : memref<1x!tpu.dma_semaphore, #tpu.memory_space<semaphore_mem>> -> memref<!tpu.dma_semaphore, #tpu.memory_space<semaphore_mem>>
      tpu.wait_indirect_dma semaphore(%dma_wait3A_375 : memref<!tpu.dma_semaphore, #tpu.memory_space<semaphore_mem>>) src(%dma_wait3A_367 : memref<128x16xf32, #tpu.memory_space<vmem>>) dst(%dma_wait3A_373 : memref<10240x16xf32, #tpu.memory_space<vmem_shared>>)
      %dma_start3A_376 = arith.constant 1 : i32
      %dma_start3A_377 = arith.constant 1 : i32
      %dma_start3A_378 = arith.constant 0 : i32
      %dma_start3A_379 = arith.constant 0 : i32
      %dma_start3A_380 = tpu.memref_slice %arg9[%dma_start3A_376, %dma_start3A_378, %dma_start3A_379] : memref<4x128x16xf32, #tpu.memory_space<vmem>> -> memref<1x128x16xf32, #tpu.memory_space<vmem>>
      %dma_start3A_381 = tpu.memref_squeeze %dma_start3A_380 : memref<1x128x16xf32, #tpu.memory_space<vmem>> -> memref<128x16xf32, #tpu.memory_space<vmem>>
      %dma_start3A_382 = arith.constant 0 : i32
      %dma_start3A_383 = tpu.memref_slice %arg7[%min3A_359, %dma_start3A_382] : memref<80x128xi32, #tpu.memory_space<vmem>> -> memref<1x128xi32, #tpu.memory_space<vmem>>
      %dma_start3A_384 = tpu.memref_squeeze %dma_start3A_383 : memref<1x128xi32, #tpu.memory_space<vmem>> -> memref<128xi32, #tpu.memory_space<vmem>>
      %dma_start3A_385 = arith.constant 0 : i32
      %dma_start3A_386 = arith.constant 0 : i32
      %dma_start3A_387 = tpu.memref_slice %arg10[%dma_start3A_385, %dma_start3A_386] : memref<10240x16xf32, #tpu.memory_space<vmem_shared>> -> memref<10240x16xf32, #tpu.memory_space<vmem_shared>>
      %dma_start3A_388 = tpu.memref_slice %arg12[%dma_start3A_377] : memref<4x!tpu.dma_semaphore, #tpu.memory_space<semaphore_mem>> -> memref<1x!tpu.dma_semaphore, #tpu.memory_space<semaphore_mem>>
      %dma_start3A_389 = tpu.memref_squeeze %dma_start3A_388 : memref<1x!tpu.dma_semaphore, #tpu.memory_space<semaphore_mem>> -> memref<!tpu.dma_semaphore, #tpu.memory_space<semaphore_mem>>
      tpu.enqueue_indirect_dma source(%dma_start3A_387 : memref<10240x16xf32, #tpu.memory_space<vmem_shared>>) target(%dma_start3A_381 : memref<128x16xf32, #tpu.memory_space<vmem>>) offsets(%dma_start3A_384 : memref<128xi32, #tpu.memory_space<vmem>>) semaphore(%dma_start3A_389 : memref<!tpu.dma_semaphore, #tpu.memory_space<semaphore_mem>>)
      %add3A_390 = arith.constant 2 : i32
      %add3A_391 = arith.addi %mul3A_190, %add3A_390 : i32
      %add3A_392 = arith.constant 4 : i32
      %add3A_393 = arith.addi %add3A_391, %add3A_392 : i32
      %min3A_394 = arith.constant 79 : i32
      %min3A_395 = arith.minsi %add3A_393, %min3A_394 : i32
      %add3A_396 = arith.constant 2 : i32
      %add3A_397 = arith.addi %mul3A_190, %add3A_396 : i32
      %dma_wait3A_398 = arith.constant 2 : i32
      %dma_wait3A_399 = arith.constant 2 : i32
      %dma_wait3A_400 = arith.constant 0 : i32
      %dma_wait3A_401 = arith.constant 0 : i32
      %dma_wait3A_402 = tpu.memref_slice %arg9[%dma_wait3A_398, %dma_wait3A_400, %dma_wait3A_401] : memref<4x128x16xf32, #tpu.memory_space<vmem>> -> memref<1x128x16xf32, #tpu.memory_space<vmem>>
      %dma_wait3A_403 = tpu.memref_squeeze %dma_wait3A_402 : memref<1x128x16xf32, #tpu.memory_space<vmem>> -> memref<128x16xf32, #tpu.memory_space<vmem>>
      %dma_wait3A_404 = arith.constant 0 : i32
      %dma_wait3A_405 = tpu.memref_slice %arg8[%add3A_397, %dma_wait3A_404] : memref<80x128xi32, #tpu.memory_space<vmem>> -> memref<1x128xi32, #tpu.memory_space<vmem>>
      %dma_wait3A_406 = tpu.memref_squeeze %dma_wait3A_405 : memref<1x128xi32, #tpu.memory_space<vmem>> -> memref<128xi32, #tpu.memory_space<vmem>>
      %dma_wait3A_407 = arith.constant 0 : i32
      %dma_wait3A_408 = arith.constant 0 : i32
      %dma_wait3A_409 = tpu.memref_slice %arg11[%dma_wait3A_407, %dma_wait3A_408] : memref<10240x16xf32, #tpu.memory_space<vmem_shared>> -> memref<10240x16xf32, #tpu.memory_space<vmem_shared>>
      %dma_wait3A_410 = tpu.memref_slice %arg13[%dma_wait3A_399] : memref<4x!tpu.dma_semaphore, #tpu.memory_space<semaphore_mem>> -> memref<1x!tpu.dma_semaphore, #tpu.memory_space<semaphore_mem>>
      %dma_wait3A_411 = tpu.memref_squeeze %dma_wait3A_410 : memref<1x!tpu.dma_semaphore, #tpu.memory_space<semaphore_mem>> -> memref<!tpu.dma_semaphore, #tpu.memory_space<semaphore_mem>>
      tpu.wait_indirect_dma semaphore(%dma_wait3A_411 : memref<!tpu.dma_semaphore, #tpu.memory_space<semaphore_mem>>) src(%dma_wait3A_403 : memref<128x16xf32, #tpu.memory_space<vmem>>) dst(%dma_wait3A_409 : memref<10240x16xf32, #tpu.memory_space<vmem_shared>>)
      %dma_start3A_412 = arith.constant 2 : i32
      %dma_start3A_413 = arith.constant 2 : i32
      %dma_start3A_414 = arith.constant 0 : i32
      %dma_start3A_415 = arith.constant 0 : i32
      %dma_start3A_416 = tpu.memref_slice %arg9[%dma_start3A_412, %dma_start3A_414, %dma_start3A_415] : memref<4x128x16xf32, #tpu.memory_space<vmem>> -> memref<1x128x16xf32, #tpu.memory_space<vmem>>
      %dma_start3A_417 = tpu.memref_squeeze %dma_start3A_416 : memref<1x128x16xf32, #tpu.memory_space<vmem>> -> memref<128x16xf32, #tpu.memory_space<vmem>>
      %dma_start3A_418 = arith.constant 0 : i32
      %dma_start3A_419 = tpu.memref_slice %arg7[%min3A_395, %dma_start3A_418] : memref<80x128xi32, #tpu.memory_space<vmem>> -> memref<1x128xi32, #tpu.memory_space<vmem>>
      %dma_start3A_420 = tpu.memref_squeeze %dma_start3A_419 : memref<1x128xi32, #tpu.memory_space<vmem>> -> memref<128xi32, #tpu.memory_space<vmem>>
      %dma_start3A_421 = arith.constant 0 : i32
      %dma_start3A_422 = arith.constant 0 : i32
      %dma_start3A_423 = tpu.memref_slice %arg10[%dma_start3A_421, %dma_start3A_422] : memref<10240x16xf32, #tpu.memory_space<vmem_shared>> -> memref<10240x16xf32, #tpu.memory_space<vmem_shared>>
      %dma_start3A_424 = tpu.memref_slice %arg12[%dma_start3A_413] : memref<4x!tpu.dma_semaphore, #tpu.memory_space<semaphore_mem>> -> memref<1x!tpu.dma_semaphore, #tpu.memory_space<semaphore_mem>>
      %dma_start3A_425 = tpu.memref_squeeze %dma_start3A_424 : memref<1x!tpu.dma_semaphore, #tpu.memory_space<semaphore_mem>> -> memref<!tpu.dma_semaphore, #tpu.memory_space<semaphore_mem>>
      tpu.enqueue_indirect_dma source(%dma_start3A_423 : memref<10240x16xf32, #tpu.memory_space<vmem_shared>>) target(%dma_start3A_417 : memref<128x16xf32, #tpu.memory_space<vmem>>) offsets(%dma_start3A_420 : memref<128xi32, #tpu.memory_space<vmem>>) semaphore(%dma_start3A_425 : memref<!tpu.dma_semaphore, #tpu.memory_space<semaphore_mem>>)
      %add3A_426 = arith.constant 3 : i32
      %add3A_427 = arith.addi %mul3A_190, %add3A_426 : i32
      %add3A_428 = arith.constant 4 : i32
      %add3A_429 = arith.addi %add3A_427, %add3A_428 : i32
      %min3A_430 = arith.constant 79 : i32
      %min3A_431 = arith.minsi %add3A_429, %min3A_430 : i32
      %add3A_432 = arith.constant 3 : i32
      %add3A_433 = arith.addi %mul3A_190, %add3A_432 : i32
      %dma_wait3A_434 = arith.constant 3 : i32
      %dma_wait3A_435 = arith.constant 3 : i32
      %dma_wait3A_436 = arith.constant 0 : i32
      %dma_wait3A_437 = arith.constant 0 : i32
      %dma_wait3A_438 = tpu.memref_slice %arg9[%dma_wait3A_434, %dma_wait3A_436, %dma_wait3A_437] : memref<4x128x16xf32, #tpu.memory_space<vmem>> -> memref<1x128x16xf32, #tpu.memory_space<vmem>>
      %dma_wait3A_439 = tpu.memref_squeeze %dma_wait3A_438 : memref<1x128x16xf32, #tpu.memory_space<vmem>> -> memref<128x16xf32, #tpu.memory_space<vmem>>
      %dma_wait3A_440 = arith.constant 0 : i32
      %dma_wait3A_441 = tpu.memref_slice %arg8[%add3A_433, %dma_wait3A_440] : memref<80x128xi32, #tpu.memory_space<vmem>> -> memref<1x128xi32, #tpu.memory_space<vmem>>
      %dma_wait3A_442 = tpu.memref_squeeze %dma_wait3A_441 : memref<1x128xi32, #tpu.memory_space<vmem>> -> memref<128xi32, #tpu.memory_space<vmem>>
      %dma_wait3A_443 = arith.constant 0 : i32
      %dma_wait3A_444 = arith.constant 0 : i32
      %dma_wait3A_445 = tpu.memref_slice %arg11[%dma_wait3A_443, %dma_wait3A_444] : memref<10240x16xf32, #tpu.memory_space<vmem_shared>> -> memref<10240x16xf32, #tpu.memory_space<vmem_shared>>
      %dma_wait3A_446 = tpu.memref_slice %arg13[%dma_wait3A_435] : memref<4x!tpu.dma_semaphore, #tpu.memory_space<semaphore_mem>> -> memref<1x!tpu.dma_semaphore, #tpu.memory_space<semaphore_mem>>
      %dma_wait3A_447 = tpu.memref_squeeze %dma_wait3A_446 : memref<1x!tpu.dma_semaphore, #tpu.memory_space<semaphore_mem>> -> memref<!tpu.dma_semaphore, #tpu.memory_space<semaphore_mem>>
      tpu.wait_indirect_dma semaphore(%dma_wait3A_447 : memref<!tpu.dma_semaphore, #tpu.memory_space<semaphore_mem>>) src(%dma_wait3A_439 : memref<128x16xf32, #tpu.memory_space<vmem>>) dst(%dma_wait3A_445 : memref<10240x16xf32, #tpu.memory_space<vmem_shared>>)
      %dma_start3A_448 = arith.constant 3 : i32
      %dma_start3A_449 = arith.constant 3 : i32
      %dma_start3A_450 = arith.constant 0 : i32
      %dma_start3A_451 = arith.constant 0 : i32
      %dma_start3A_452 = tpu.memref_slice %arg9[%dma_start3A_448, %dma_start3A_450, %dma_start3A_451] : memref<4x128x16xf32, #tpu.memory_space<vmem>> -> memref<1x128x16xf32, #tpu.memory_space<vmem>>
      %dma_start3A_453 = tpu.memref_squeeze %dma_start3A_452 : memref<1x128x16xf32, #tpu.memory_space<vmem>> -> memref<128x16xf32, #tpu.memory_space<vmem>>
      %dma_start3A_454 = arith.constant 0 : i32
      %dma_start3A_455 = tpu.memref_slice %arg7[%min3A_431, %dma_start3A_454] : memref<80x128xi32, #tpu.memory_space<vmem>> -> memref<1x128xi32, #tpu.memory_space<vmem>>
      %dma_start3A_456 = tpu.memref_squeeze %dma_start3A_455 : memref<1x128xi32, #tpu.memory_space<vmem>> -> memref<128xi32, #tpu.memory_space<vmem>>
      %dma_start3A_457 = arith.constant 0 : i32
      %dma_start3A_458 = arith.constant 0 : i32
      %dma_start3A_459 = tpu.memref_slice %arg10[%dma_start3A_457, %dma_start3A_458] : memref<10240x16xf32, #tpu.memory_space<vmem_shared>> -> memref<10240x16xf32, #tpu.memory_space<vmem_shared>>
      %dma_start3A_460 = tpu.memref_slice %arg12[%dma_start3A_449] : memref<4x!tpu.dma_semaphore, #tpu.memory_space<semaphore_mem>> -> memref<1x!tpu.dma_semaphore, #tpu.memory_space<semaphore_mem>>
      %dma_start3A_461 = tpu.memref_squeeze %dma_start3A_460 : memref<1x!tpu.dma_semaphore, #tpu.memory_space<semaphore_mem>> -> memref<!tpu.dma_semaphore, #tpu.memory_space<semaphore_mem>>
      tpu.enqueue_indirect_dma source(%dma_start3A_459 : memref<10240x16xf32, #tpu.memory_space<vmem_shared>>) target(%dma_start3A_453 : memref<128x16xf32, #tpu.memory_space<vmem>>) offsets(%dma_start3A_456 : memref<128xi32, #tpu.memory_space<vmem>>) semaphore(%dma_start3A_461 : memref<!tpu.dma_semaphore, #tpu.memory_space<semaphore_mem>>)
    }
    %scan3A_118 = arith.constant 20 : i32
    %dma_wait3A_119 = arith.constant 0 : i32
    %dma_wait3A_120 = arith.constant 0 : i32
    %dma_wait3A_121 = arith.constant 0 : i32
    %dma_wait3A_122 = arith.constant 0 : i32
    %dma_wait3A_123 = arith.constant 0 : i32
    %dma_wait3A_124 = tpu.memref_slice %arg9[%dma_wait3A_120, %dma_wait3A_122, %dma_wait3A_123] : memref<4x128x16xf32, #tpu.memory_space<vmem>> -> memref<1x128x16xf32, #tpu.memory_space<vmem>>
    %dma_wait3A_125 = tpu.memref_squeeze %dma_wait3A_124 : memref<1x128x16xf32, #tpu.memory_space<vmem>> -> memref<128x16xf32, #tpu.memory_space<vmem>>
    %dma_wait3A_126 = arith.constant 0 : i32
    %dma_wait3A_127 = tpu.memref_slice %arg7[%dma_wait3A_119, %dma_wait3A_126] : memref<80x128xi32, #tpu.memory_space<vmem>> -> memref<1x128xi32, #tpu.memory_space<vmem>>
    %dma_wait3A_128 = tpu.memref_squeeze %dma_wait3A_127 : memref<1x128xi32, #tpu.memory_space<vmem>> -> memref<128xi32, #tpu.memory_space<vmem>>
    %dma_wait3A_129 = arith.constant 0 : i32
    %dma_wait3A_130 = arith.constant 0 : i32
    %dma_wait3A_131 = tpu.memref_slice %arg10[%dma_wait3A_129, %dma_wait3A_130] : memref<10240x16xf32, #tpu.memory_space<vmem_shared>> -> memref<10240x16xf32, #tpu.memory_space<vmem_shared>>
    %dma_wait3A_132 = tpu.memref_slice %arg12[%dma_wait3A_121] : memref<4x!tpu.dma_semaphore, #tpu.memory_space<semaphore_mem>> -> memref<1x!tpu.dma_semaphore, #tpu.memory_space<semaphore_mem>>
    %dma_wait3A_133 = tpu.memref_squeeze %dma_wait3A_132 : memref<1x!tpu.dma_semaphore, #tpu.memory_space<semaphore_mem>> -> memref<!tpu.dma_semaphore, #tpu.memory_space<semaphore_mem>>
    tpu.wait_indirect_dma semaphore(%dma_wait3A_133 : memref<!tpu.dma_semaphore, #tpu.memory_space<semaphore_mem>>) src(%dma_wait3A_131 : memref<10240x16xf32, #tpu.memory_space<vmem_shared>>) dst(%dma_wait3A_125 : memref<128x16xf32, #tpu.memory_space<vmem>>)
    %dma_wait3A_134 = arith.constant 0 : i32
    %dma_wait3A_135 = arith.constant 1 : i32
    %dma_wait3A_136 = arith.constant 1 : i32
    %dma_wait3A_137 = arith.constant 0 : i32
    %dma_wait3A_138 = arith.constant 0 : i32
    %dma_wait3A_139 = tpu.memref_slice %arg9[%dma_wait3A_135, %dma_wait3A_137, %dma_wait3A_138] : memref<4x128x16xf32, #tpu.memory_space<vmem>> -> memref<1x128x16xf32, #tpu.memory_space<vmem>>
    %dma_wait3A_140 = tpu.memref_squeeze %dma_wait3A_139 : memref<1x128x16xf32, #tpu.memory_space<vmem>> -> memref<128x16xf32, #tpu.memory_space<vmem>>
    %dma_wait3A_141 = arith.constant 0 : i32
    %dma_wait3A_142 = tpu.memref_slice %arg7[%dma_wait3A_134, %dma_wait3A_141] : memref<80x128xi32, #tpu.memory_space<vmem>> -> memref<1x128xi32, #tpu.memory_space<vmem>>
    %dma_wait3A_143 = tpu.memref_squeeze %dma_wait3A_142 : memref<1x128xi32, #tpu.memory_space<vmem>> -> memref<128xi32, #tpu.memory_space<vmem>>
    %dma_wait3A_144 = arith.constant 0 : i32
    %dma_wait3A_145 = arith.constant 0 : i32
    %dma_wait3A_146 = tpu.memref_slice %arg10[%dma_wait3A_144, %dma_wait3A_145] : memref<10240x16xf32, #tpu.memory_space<vmem_shared>> -> memref<10240x16xf32, #tpu.memory_space<vmem_shared>>
    %dma_wait3A_147 = tpu.memref_slice %arg12[%dma_wait3A_136] : memref<4x!tpu.dma_semaphore, #tpu.memory_space<semaphore_mem>> -> memref<1x!tpu.dma_semaphore, #tpu.memory_space<semaphore_mem>>
    %dma_wait3A_148 = tpu.memref_squeeze %dma_wait3A_147 : memref<1x!tpu.dma_semaphore, #tpu.memory_space<semaphore_mem>> -> memref<!tpu.dma_semaphore, #tpu.memory_space<semaphore_mem>>
    tpu.wait_indirect_dma semaphore(%dma_wait3A_148 : memref<!tpu.dma_semaphore, #tpu.memory_space<semaphore_mem>>) src(%dma_wait3A_146 : memref<10240x16xf32, #tpu.memory_space<vmem_shared>>) dst(%dma_wait3A_140 : memref<128x16xf32, #tpu.memory_space<vmem>>)
    %dma_wait3A_149 = arith.constant 0 : i32
    %dma_wait3A_150 = arith.constant 2 : i32
    %dma_wait3A_151 = arith.constant 2 : i32
    %dma_wait3A_152 = arith.constant 0 : i32
    %dma_wait3A_153 = arith.constant 0 : i32
    %dma_wait3A_154 = tpu.memref_slice %arg9[%dma_wait3A_150, %dma_wait3A_152, %dma_wait3A_153] : memref<4x128x16xf32, #tpu.memory_space<vmem>> -> memref<1x128x16xf32, #tpu.memory_space<vmem>>
    %dma_wait3A_155 = tpu.memref_squeeze %dma_wait3A_154 : memref<1x128x16xf32, #tpu.memory_space<vmem>> -> memref<128x16xf32, #tpu.memory_space<vmem>>
    %dma_wait3A_156 = arith.constant 0 : i32
    %dma_wait3A_157 = tpu.memref_slice %arg7[%dma_wait3A_149, %dma_wait3A_156] : memref<80x128xi32, #tpu.memory_space<vmem>> -> memref<1x128xi32, #tpu.memory_space<vmem>>
    %dma_wait3A_158 = tpu.memref_squeeze %dma_wait3A_157 : memref<1x128xi32, #tpu.memory_space<vmem>> -> memref<128xi32, #tpu.memory_space<vmem>>
    %dma_wait3A_159 = arith.constant 0 : i32
    %dma_wait3A_160 = arith.constant 0 : i32
    %dma_wait3A_161 = tpu.memref_slice %arg10[%dma_wait3A_159, %dma_wait3A_160] : memref<10240x16xf32, #tpu.memory_space<vmem_shared>> -> memref<10240x16xf32, #tpu.memory_space<vmem_shared>>
    %dma_wait3A_162 = tpu.memref_slice %arg12[%dma_wait3A_151] : memref<4x!tpu.dma_semaphore, #tpu.memory_space<semaphore_mem>> -> memref<1x!tpu.dma_semaphore, #tpu.memory_space<semaphore_mem>>
    %dma_wait3A_163 = tpu.memref_squeeze %dma_wait3A_162 : memref<1x!tpu.dma_semaphore, #tpu.memory_space<semaphore_mem>> -> memref<!tpu.dma_semaphore, #tpu.memory_space<semaphore_mem>>
    tpu.wait_indirect_dma semaphore(%dma_wait3A_163 : memref<!tpu.dma_semaphore, #tpu.memory_space<semaphore_mem>>) src(%dma_wait3A_161 : memref<10240x16xf32, #tpu.memory_space<vmem_shared>>) dst(%dma_wait3A_155 : memref<128x16xf32, #tpu.memory_space<vmem>>)
    %dma_wait3A_164 = arith.constant 0 : i32
    %dma_wait3A_165 = arith.constant 3 : i32
    %dma_wait3A_166 = arith.constant 3 : i32
    %dma_wait3A_167 = arith.constant 0 : i32
    %dma_wait3A_168 = arith.constant 0 : i32
    %dma_wait3A_169 = tpu.memref_slice %arg9[%dma_wait3A_165, %dma_wait3A_167, %dma_wait3A_168] : memref<4x128x16xf32, #tpu.memory_space<vmem>> -> memref<1x128x16xf32, #tpu.memory_space<vmem>>
    %dma_wait3A_170 = tpu.memref_squeeze %dma_wait3A_169 : memref<1x128x16xf32, #tpu.memory_space<vmem>> -> memref<128x16xf32, #tpu.memory_space<vmem>>
    %dma_wait3A_171 = arith.constant 0 : i32
    %dma_wait3A_172 = tpu.memref_slice %arg7[%dma_wait3A_164, %dma_wait3A_171] : memref<80x128xi32, #tpu.memory_space<vmem>> -> memref<1x128xi32, #tpu.memory_space<vmem>>
    %dma_wait3A_173 = tpu.memref_squeeze %dma_wait3A_172 : memref<1x128xi32, #tpu.memory_space<vmem>> -> memref<128xi32, #tpu.memory_space<vmem>>
    %dma_wait3A_174 = arith.constant 0 : i32
    %dma_wait3A_175 = arith.constant 0 : i32
    %dma_wait3A_176 = tpu.memref_slice %arg10[%dma_wait3A_174, %dma_wait3A_175] : memref<10240x16xf32, #tpu.memory_space<vmem_shared>> -> memref<10240x16xf32, #tpu.memory_space<vmem_shared>>
    %dma_wait3A_177 = tpu.memref_slice %arg12[%dma_wait3A_166] : memref<4x!tpu.dma_semaphore, #tpu.memory_space<semaphore_mem>> -> memref<1x!tpu.dma_semaphore, #tpu.memory_space<semaphore_mem>>
    %dma_wait3A_178 = tpu.memref_squeeze %dma_wait3A_177 : memref<1x!tpu.dma_semaphore, #tpu.memory_space<semaphore_mem>> -> memref<!tpu.dma_semaphore, #tpu.memory_space<semaphore_mem>>
    tpu.wait_indirect_dma semaphore(%dma_wait3A_178 : memref<!tpu.dma_semaphore, #tpu.memory_space<semaphore_mem>>) src(%dma_wait3A_176 : memref<10240x16xf32, #tpu.memory_space<vmem_shared>>) dst(%dma_wait3A_170 : memref<128x16xf32, #tpu.memory_space<vmem>>)
    %barrier3A_179 = arith.constant 0 : index
    tpu.barrier barrier_id(%barrier3A_179)
    %mul3A_180 = arith.constant 640 : i32
    %mul3A_181 = arith.muli %arg1, %mul3A_180 : i32
    %mul3A_182 = arith.constant 640 : i32
    %mul3A_183 = arith.muli %arg1, %mul3A_182 : i32
    "tpu.region"() ({
      %run_scoped3A_184 = tpu.sem_alloc : memref<!tpu.dma_semaphore, #tpu.memory_space<semaphore_mem>>
      %dma_start3A_185 = arith.constant 0 : i32
      %dma_start3A_186 = tpu.memref_slice %arg6[%arg0, %mul3A_183, %dma_start3A_185] : memref<2x10240x16xf32, #tpu.memory_space<hbm>> -> memref<1x640x16xf32, #tpu.memory_space<hbm>>
      %dma_start3A_187 = tpu.memref_squeeze %dma_start3A_186 : memref<1x640x16xf32, #tpu.memory_space<hbm>> -> memref<640x16xf32, #tpu.memory_space<hbm>>
      %dma_start3A_188 = arith.constant 0 : i32
      %dma_start3A_189 = tpu.memref_slice %arg11[%mul3A_181, %dma_start3A_188] : memref<10240x16xf32, #tpu.memory_space<vmem_shared>> -> memref<640x16xf32, #tpu.memory_space<vmem_shared>>
      tpu.enqueue_dma source(%dma_start3A_189 : memref<640x16xf32, #tpu.memory_space<vmem_shared>>) target(%dma_start3A_187 : memref<640x16xf32, #tpu.memory_space<hbm>>) target_semaphore(%run_scoped3A_184 : memref<!tpu.dma_semaphore, #tpu.memory_space<semaphore_mem>>)
      %dma_wait3A_190 = arith.constant 0 : i32
      %dma_wait3A_191 = tpu.memref_slice %arg6[%arg0, %mul3A_183, %dma_wait3A_190] : memref<2x10240x16xf32, #tpu.memory_space<hbm>> -> memref<1x640x16xf32, #tpu.memory_space<hbm>>
      %dma_wait3A_192 = tpu.memref_squeeze %dma_wait3A_191 : memref<1x640x16xf32, #tpu.memory_space<hbm>> -> memref<640x16xf32, #tpu.memory_space<hbm>>
      %dma_wait3A_193 = arith.constant 0 : i32
      %dma_wait3A_194 = tpu.memref_slice %arg11[%mul3A_181, %dma_wait3A_193] : memref<10240x16xf32, #tpu.memory_space<vmem_shared>> -> memref<640x16xf32, #tpu.memory_space<vmem_shared>>
      tpu.wait_dma2 semaphore(%run_scoped3A_184 : memref<!tpu.dma_semaphore, #tpu.memory_space<semaphore_mem>>) src(%dma_wait3A_194 : memref<640x16xf32, #tpu.memory_space<vmem_shared>>) dst(%dma_wait3A_192 : memref<640x16xf32, #tpu.memory_space<hbm>>)
      tpu.yield
    }) : () -> ()
    return
  }
}

module attributes {stable_mosaic.version = 14 : i64} {
  func.func @_tc_a_body(%arg0: i32, %arg1: memref<1024x128xf32, #tpu.memory_space<vmem>>, %arg2: memref<128x16xf32, #tpu.memory_space<vmem>>, %arg3: memref<1024x16xf32, #tpu.memory_space<vmem>>, %arg4: memref<1024x16xf32, #tpu.memory_space<vmem>>, %arg5: memref<1024x16xf32, #tpu.memory_space<vmem>>, %arg6: memref<1024x16xf32, #tpu.memory_space<vmem>>) attributes {dimension_semantics = [#tpu.dimension_semantics<arbitrary>], iteration_bounds = array<i64: 10>, scalar_prefetch = 0 : i64, scratch_operands = 0 : i64, tpu.core_type = #tpu.core_type<tc>, window_params = [{transform_indices = @transform_0, window_bounds = array<i64: 1024, 128>}, {pipeline_mode = #tpu.pipeline_mode<synchronous>, transform_indices = @transform_1, window_bounds = array<i64: 128, 16>}, {transform_indices = @transform_2, window_bounds = array<i64: 1024, 16>}, {transform_indices = @transform_3, window_bounds = array<i64: 1024, 16>}, {transform_indices = @transform_4, window_bounds = array<i64: 1024, 16>}, {transform_indices = @transform_5, window_bounds = array<i64: 1024, 16>}]} {
    %get3A = arith.constant 0 : index
    %get3A_0 = arith.constant 0 : index
    %get3A_1 = vector.load %arg3[%get3A, %get3A_0] : memref<1024x16xf32, #tpu.memory_space<vmem>>, vector<1024x16xf32>
    %get3A_2 = arith.constant 0 : index
    %get3A_3 = arith.constant 0 : index
    %get3A_4 = vector.load %arg4[%get3A_2, %get3A_3] : memref<1024x16xf32, #tpu.memory_space<vmem>>, vector<1024x16xf32>
    %add3A = arith.addf %get3A_1, %get3A_4 : vector<1024x16xf32>
    %add3A_5 = arith.constant 1.000000e+00 : f32
    %add3A_6 = vector.broadcast %add3A_5 : f32 to vector<1024x16xf32>
    %add3A_7 = arith.addf %add3A, %add3A_6 : vector<1024x16xf32>
    %rsqrt3A = math.rsqrt %add3A_7 : vector<1024x16xf32>
    %get3A_8 = arith.constant 0 : index
    %get3A_9 = arith.constant 0 : index
    %get3A_10 = vector.load %arg1[%get3A_8, %get3A_9] : memref<1024x128xf32, #tpu.memory_space<vmem>>, vector<1024x128xf32>
    %get3A_11 = arith.constant 0 : index
    %get3A_12 = arith.constant 0 : index
    %get3A_13 = vector.load %arg2[%get3A_11, %get3A_12] : memref<128x16xf32, #tpu.memory_space<vmem>>, vector<128x16xf32>
    %dot_general3A = arith.constant dense<0.000000e+00> : vector<1024x16xf32>
    %dot_general3A_14 = tpu.matmul %get3A_10, %get3A_13, %dot_general3A {dimension_numbers = #tpu.dot_dimension_numbers<[1], [0], [0], [1], [0, 0, 1, 1], [], []>, transpose_lhs_hint = false} : vector<1024x128xf32>, vector<128x16xf32>, vector<1024x16xf32> -> vector<1024x16xf32>
    %mul3A = arith.mulf %rsqrt3A, %dot_general3A_14 : vector<1024x16xf32>
    %swap3A = arith.constant 0 : index
    %swap3A_15 = arith.constant 0 : index
    %swap3A_16 = vector.load %arg5[%swap3A, %swap3A_15] : memref<1024x16xf32, #tpu.memory_space<vmem>>, vector<1024x16xf32>
    tpu.vector_store %arg5[%swap3A, %swap3A_15], %mul3A {strides = array<i32>} : memref<1024x16xf32, #tpu.memory_space<vmem>>, vector<1024x16xf32>,
    %swap3A_17 = arith.constant 0 : index
    %swap3A_18 = arith.constant 0 : index
    %swap3A_19 = vector.load %arg6[%swap3A_17, %swap3A_18] : memref<1024x16xf32, #tpu.memory_space<vmem>>, vector<1024x16xf32>
    tpu.vector_store %arg6[%swap3A_17, %swap3A_18], %rsqrt3A {strides = array<i32>} : memref<1024x16xf32, #tpu.memory_space<vmem>>, vector<1024x16xf32>,
    return
  }
  func.func @transform_0(%arg0: i32) -> (i32, i32) {
    %c0_i32 = arith.constant 0 : i32
    %c0_i32_0 = arith.constant 0 : i32
    return %arg0, %c0_i32 : i32, i32
  }
  func.func @transform_1(%arg0: i32) -> (i32, i32) {
    %c0_i32 = arith.constant 0 : i32
    %c0_i32_0 = arith.constant 0 : i32
    %c0_i32_1 = arith.constant 0 : i32
    return %c0_i32, %c0_i32_0 : i32, i32
  }
  func.func @transform_2(%arg0: i32) -> (i32, i32) {
    %c0_i32 = arith.constant 0 : i32
    %c0_i32_0 = arith.constant 0 : i32
    return %arg0, %c0_i32 : i32, i32
  }
  func.func @transform_3(%arg0: i32) -> (i32, i32) {
    %c0_i32 = arith.constant 0 : i32
    %c0_i32_0 = arith.constant 0 : i32
    return %arg0, %c0_i32 : i32, i32
  }
  func.func @transform_4(%arg0: i32) -> (i32, i32) {
    %c0_i32 = arith.constant 0 : i32
    %c0_i32_0 = arith.constant 0 : i32
    return %arg0, %c0_i32 : i32, i32
  }
  func.func @transform_5(%arg0: i32) -> (i32, i32) {
    %c0_i32 = arith.constant 0 : i32
    %c0_i32_0 = arith.constant 0 : i32
    return %arg0, %c0_i32 : i32, i32
  }
}

module attributes {stable_mosaic.version = 14 : i64} {
  func.func @_tc_b_body(%arg0: i32, %arg1: memref<1024x16xf32, #tpu.memory_space<vmem>>, %arg2: memref<1024x16xf32, #tpu.memory_space<vmem>>, %arg3: memref<1024x16xf32, #tpu.memory_space<vmem>>, %arg4: memref<1024x16xf32, #tpu.memory_space<vmem>>, %arg5: memref<8x16xf32, #tpu.memory_space<vmem>>, %arg6: memref<1024x16xf32, #tpu.memory_space<vmem>>) attributes {dimension_semantics = [#tpu.dimension_semantics<arbitrary>], iteration_bounds = array<i64: 10>, scalar_prefetch = 0 : i64, scratch_operands = 0 : i64, tpu.core_type = #tpu.core_type<tc>, window_params = [{transform_indices = @transform_0, window_bounds = array<i64: 1024, 16>}, {transform_indices = @transform_1, window_bounds = array<i64: 1024, 16>}, {transform_indices = @transform_2, window_bounds = array<i64: 1024, 16>}, {transform_indices = @transform_3, window_bounds = array<i64: 1024, 16>}, {pipeline_mode = #tpu.pipeline_mode<synchronous>, transform_indices = @transform_4, window_bounds = array<i64: 8, 16>}, {transform_indices = @transform_5, window_bounds = array<i64: 1024, 16>}]} {
    %get3A = arith.constant 0 : index
    %get3A_0 = arith.constant 0 : index
    %get3A_1 = vector.load %arg4[%get3A, %get3A_0] : memref<1024x16xf32, #tpu.memory_space<vmem>>, vector<1024x16xf32>
    %get3A_2 = arith.constant 0 : index
    %get3A_3 = arith.constant 0 : index
    %get3A_4 = vector.load %arg1[%get3A_2, %get3A_3] : memref<1024x16xf32, #tpu.memory_space<vmem>>, vector<1024x16xf32>
    %get3A_5 = arith.constant 0 : index
    %get3A_6 = arith.constant 0 : index
    %get3A_7 = vector.load %arg2[%get3A_5, %get3A_6] : memref<1024x16xf32, #tpu.memory_space<vmem>>, vector<1024x16xf32>
    %add3A = arith.addf %get3A_4, %get3A_7 : vector<1024x16xf32>
    %get3A_8 = arith.constant 0 : index
    %get3A_9 = arith.constant 0 : index
    %get3A_10 = vector.load %arg3[%get3A_8, %get3A_9] : memref<1024x16xf32, #tpu.memory_space<vmem>>, vector<1024x16xf32>
    %add3A_11 = arith.addf %add3A, %get3A_10 : vector<1024x16xf32>
    %mul3A = arith.mulf %get3A_1, %add3A_11 : vector<1024x16xf32>
    %get3A_12 = arith.constant 0 : index
    %get3A_13 = arith.constant 0 : index
    %get3A_14 = vector.load %arg5[%get3A_12, %get3A_13] : memref<8x16xf32, #tpu.memory_space<vmem>>, vector<8x16xf32>
    %slice3A = vector.extract_strided_slice %get3A_14 {offsets = [0, 0], sizes = [1, 16], strides = [1, 1]} : vector<8x16xf32> to vector<1x16xf32>
    %squeeze3A = vector.shape_cast %slice3A : vector<1x16xf32> to vector<16xf32>
    %broadcast_in_dim3A = vector.shape_cast %squeeze3A : vector<16xf32> to vector<1x16xf32>
    %add3A_15 = vector.broadcast %broadcast_in_dim3A : vector<1x16xf32> to vector<1024x16xf32>
    %add3A_16 = arith.addf %mul3A, %add3A_15 : vector<1024x16xf32>
    %max3A = arith.constant 0.000000e+00 : f32
    %max3A_17 = vector.broadcast %max3A : f32 to vector<1024x16xf32>
    %max3A_18 = arith.maximumf %add3A_16, %max3A_17 : vector<1024x16xf32>
    %mul3A_19 = arith.mulf %get3A_1, %max3A_18 : vector<1024x16xf32>
    %swap3A = arith.constant 0 : index
    %swap3A_20 = arith.constant 0 : index
    %swap3A_21 = vector.load %arg6[%swap3A, %swap3A_20] : memref<1024x16xf32, #tpu.memory_space<vmem>>, vector<1024x16xf32>
    tpu.vector_store %arg6[%swap3A, %swap3A_20], %mul3A_19 {strides = array<i32>} : memref<1024x16xf32, #tpu.memory_space<vmem>>, vector<1024x16xf32>,
    return
  }
  func.func @transform_0(%arg0: i32) -> (i32, i32) {
    %c0_i32 = arith.constant 0 : i32
    %c0_i32_0 = arith.constant 0 : i32
    return %arg0, %c0_i32 : i32, i32
  }
  func.func @transform_1(%arg0: i32) -> (i32, i32) {
    %c0_i32 = arith.constant 0 : i32
    %c0_i32_0 = arith.constant 0 : i32
    return %arg0, %c0_i32 : i32, i32
  }
  func.func @transform_2(%arg0: i32) -> (i32, i32) {
    %c0_i32 = arith.constant 0 : i32
    %c0_i32_0 = arith.constant 0 : i32
    return %arg0, %c0_i32 : i32, i32
  }
  func.func @transform_3(%arg0: i32) -> (i32, i32) {
    %c0_i32 = arith.constant 0 : i32
    %c0_i32_0 = arith.constant 0 : i32
    return %arg0, %c0_i32 : i32, i32
  }
  func.func @transform_4(%arg0: i32) -> (i32, i32) {
    %c0_i32 = arith.constant 0 : i32
    %c0_i32_0 = arith.constant 0 : i32
    %c0_i32_1 = arith.constant 0 : i32
    return %c0_i32, %c0_i32_0 : i32, i32
  }
  func.func @transform_5(%arg0: i32) -> (i32, i32) {
    %c0_i32 = arith.constant 0 : i32
    %c0_i32_0 = arith.constant 0 : i32
    return %arg0, %c0_i32 : i32, i32
  }
}

module attributes {stable_mosaic.version = 14 : i64} {
  func.func @_tc_c_body(%arg0: i32, %arg1: memref<1024x16xf32, #tpu.memory_space<vmem>>, %arg2: memref<1024x16xf32, #tpu.memory_space<vmem>>, %arg3: memref<1024x16xf32, #tpu.memory_space<vmem>>, %arg4: memref<1024x16xf32, #tpu.memory_space<vmem>>, %arg5: memref<16x40xf32, #tpu.memory_space<vmem>>, %arg6: memref<8x40xf32, #tpu.memory_space<vmem>>, %arg7: memref<1024x40xf32, #tpu.memory_space<vmem>>) attributes {dimension_semantics = [#tpu.dimension_semantics<arbitrary>], iteration_bounds = array<i64: 10>, scalar_prefetch = 0 : i64, scratch_operands = 0 : i64, tpu.core_type = #tpu.core_type<tc>, window_params = [{transform_indices = @transform_0, window_bounds = array<i64: 1024, 16>}, {transform_indices = @transform_1, window_bounds = array<i64: 1024, 16>}, {transform_indices = @transform_2, window_bounds = array<i64: 1024, 16>}, {transform_indices = @transform_3, window_bounds = array<i64: 1024, 16>}, {pipeline_mode = #tpu.pipeline_mode<synchronous>, transform_indices = @transform_4, window_bounds = array<i64: 16, 40>}, {pipeline_mode = #tpu.pipeline_mode<synchronous>, transform_indices = @transform_5, window_bounds = array<i64: 8, 40>}, {transform_indices = @transform_6, window_bounds = array<i64: 1024, 40>}]} {
    %get3A = arith.constant 0 : index
    %get3A_0 = arith.constant 0 : index
    %get3A_1 = vector.load %arg4[%get3A, %get3A_0] : memref<1024x16xf32, #tpu.memory_space<vmem>>, vector<1024x16xf32>
    %get3A_2 = arith.constant 0 : index
    %get3A_3 = arith.constant 0 : index
    %get3A_4 = vector.load %arg1[%get3A_2, %get3A_3] : memref<1024x16xf32, #tpu.memory_space<vmem>>, vector<1024x16xf32>
    %get3A_5 = arith.constant 0 : index
    %get3A_6 = arith.constant 0 : index
    %get3A_7 = vector.load %arg2[%get3A_5, %get3A_6] : memref<1024x16xf32, #tpu.memory_space<vmem>>, vector<1024x16xf32>
    %add3A = arith.addf %get3A_4, %get3A_7 : vector<1024x16xf32>
    %get3A_8 = arith.constant 0 : index
    %get3A_9 = arith.constant 0 : index
    %get3A_10 = vector.load %arg3[%get3A_8, %get3A_9] : memref<1024x16xf32, #tpu.memory_space<vmem>>, vector<1024x16xf32>
    %add3A_11 = arith.addf %add3A, %get3A_10 : vector<1024x16xf32>
    %mul3A = arith.mulf %get3A_1, %add3A_11 : vector<1024x16xf32>
    %get3A_12 = arith.constant 0 : index
    %get3A_13 = arith.constant 0 : index
    %get3A_14 = vector.load %arg5[%get3A_12, %get3A_13] : memref<16x40xf32, #tpu.memory_space<vmem>>, vector<16x40xf32>
    %dot_general3A = arith.constant dense<0.000000e+00> : vector<1024x40xf32>
    %dot_general3A_15 = tpu.matmul %mul3A, %get3A_14, %dot_general3A {dimension_numbers = #tpu.dot_dimension_numbers<[1], [0], [0], [1], [0, 0, 1, 1], [], []>, transpose_lhs_hint = false} : vector<1024x16xf32>, vector<16x40xf32>, vector<1024x40xf32> -> vector<1024x40xf32>
    %get3A_16 = arith.constant 0 : index
    %get3A_17 = arith.constant 0 : index
    %get3A_18 = vector.load %arg6[%get3A_16, %get3A_17] : memref<8x40xf32, #tpu.memory_space<vmem>>, vector<8x40xf32>
    %slice3A = vector.extract_strided_slice %get3A_18 {offsets = [0, 0], sizes = [1, 40], strides = [1, 1]} : vector<8x40xf32> to vector<1x40xf32>
    %squeeze3A = vector.shape_cast %slice3A : vector<1x40xf32> to vector<40xf32>
    %broadcast_in_dim3A = vector.shape_cast %squeeze3A : vector<40xf32> to vector<1x40xf32>
    %add3A_19 = vector.broadcast %broadcast_in_dim3A : vector<1x40xf32> to vector<1024x40xf32>
    %add3A_20 = arith.addf %dot_general3A_15, %add3A_19 : vector<1024x40xf32>
    %reduce_max3A = arith.constant dense<0xFF800000> : vector<1024xf32>
    %reduce_max3A_21 = vector.multi_reduction <maximumf>, %add3A_20, %reduce_max3A [1] : vector<1024x40xf32> to vector<1024xf32>
    %broadcast_in_dim3A_22 = vector.shape_cast %reduce_max3A_21 : vector<1024xf32> to vector<1024x1xf32>
    %sub3A = vector.broadcast %broadcast_in_dim3A_22 : vector<1024x1xf32> to vector<1024x40xf32>
    %sub3A_23 = arith.subf %add3A_20, %sub3A : vector<1024x40xf32>
    %exp3A = math.exp %sub3A_23 : vector<1024x40xf32>
    %reduce_sum3A = arith.constant dense<0.000000e+00> : vector<1024xf32>
    %reduce_sum3A_24 = vector.multi_reduction <add>, %exp3A, %reduce_sum3A [1] : vector<1024x40xf32> to vector<1024xf32>
    %broadcast_in_dim3A_25 = vector.shape_cast %reduce_sum3A_24 : vector<1024xf32> to vector<1024x1xf32>
    %log3A = math.log %broadcast_in_dim3A_25 : vector<1024x1xf32>
    %add3A_26 = arith.addf %log3A, %broadcast_in_dim3A_22 : vector<1024x1xf32>
    %sub3A_27 = vector.broadcast %add3A_26 : vector<1024x1xf32> to vector<1024x40xf32>
    %sub3A_28 = arith.subf %add3A_20, %sub3A_27 : vector<1024x40xf32>
    %swap3A = arith.constant 0 : index
    %swap3A_29 = arith.constant 0 : index
    %swap3A_30 = vector.load %arg7[%swap3A, %swap3A_29] : memref<1024x40xf32, #tpu.memory_space<vmem>>, vector<1024x40xf32>
    tpu.vector_store %arg7[%swap3A, %swap3A_29], %sub3A_28 {strides = array<i32>} : memref<1024x40xf32, #tpu.memory_space<vmem>>, vector<1024x40xf32>,
    return
  }
  func.func @transform_0(%arg0: i32) -> (i32, i32) {
    %c0_i32 = arith.constant 0 : i32
    %c0_i32_0 = arith.constant 0 : i32
    return %arg0, %c0_i32 : i32, i32
  }
  func.func @transform_1(%arg0: i32) -> (i32, i32) {
    %c0_i32 = arith.constant 0 : i32
    %c0_i32_0 = arith.constant 0 : i32
    return %arg0, %c0_i32 : i32, i32
  }
  func.func @transform_2(%arg0: i32) -> (i32, i32) {
    %c0_i32 = arith.constant 0 : i32
    %c0_i32_0 = arith.constant 0 : i32
    return %arg0, %c0_i32 : i32, i32
  }
  func.func @transform_3(%arg0: i32) -> (i32, i32) {
    %c0_i32 = arith.constant 0 : i32
    %c0_i32_0 = arith.constant 0 : i32
    return %arg0, %c0_i32 : i32, i32
  }
  func.func @transform_4(%arg0: i32) -> (i32, i32) {
    %c0_i32 = arith.constant 0 : i32
    %c0_i32_0 = arith.constant 0 : i32
    %c0_i32_1 = arith.constant 0 : i32
    return %c0_i32, %c0_i32_0 : i32, i32
  }
  func.func @transform_5(%arg0: i32) -> (i32, i32) {
    %c0_i32 = arith.constant 0 : i32
    %c0_i32_0 = arith.constant 0 : i32
    %c0_i32_1 = arith.constant 0 : i32
    return %c0_i32, %c0_i32_0 : i32, i32
  }
  func.func @transform_6(%arg0: i32) -> (i32, i32) {
    %c0_i32 = arith.constant 0 : i32
    %c0_i32_0 = arith.constant 0 : i32
    return %arg0, %c0_i32 : i32, i32
  }
}

</mosaic_0001>

<sc_bundles>
// kernel: kernel.11.cloned.1.call-start
scs
__scs_entry_jumppad:
0x0: {  	(pc) =	sbr.rel $0x88, $3  }
0x1: {  	(tag) =	ssettag $0x0;
	lr =	simm.s32 $0x1  }
0x2: {  	[smem:$0x3F9B] =	sst lr;
	_ =	strace $0xD0000000  }
0x3: {  	_ = 	snop  }
0x4: {  	_ = 	snop  }
0x5: {  	_ = 	snop  }
0x6: {  	_ = 	snop  }
0x7: {  	_ = 	snop  }
__scs_overlays_trampoline_lowered:
0x8: {  	[smem:$0x3FAA] =	sst s0  }
0x9: {  	[smem:$0x3FAB] =	sst s1  }
0xa: {  	[smem:$0x3FAC] =	sst s2  }
0xb: {  	[smem:$0x3FAD] =	sst s3  }
0xc: {  	[smem:$0x3FAE] =	sst s4  }
0xd: {  	[smem:$0x3FAF] =	sst s5  }
0xe: {  	[smem:$0x3FB0] =	sst s6  }
0xf: {  	[smem:$0x3FB1] =	sst s7  }
0x10: {  	[smem:$0x3FB2] =	sst s8  }
0x11: {  	[smem:$0x3FB3] =	sst s9;
	s0 =	simm.s32 @!p0 $0x0  }
0x12: {  	s1 =	sld [smem:$0x3F99];
	s0 =	simm.s32 @p0 $0x1  }
0x13: {  	[smem:$0x3FB4] =	sst s0;
	s0 =	simm.s32 @!p1 $0x0  }
0x14: {  	s2 =	sld [smem:$0x3F98];
	s0 =	simm.s32 @p1 $0x1  }
0x15: {  	[smem:$0x3FB5] =	sst s0;
	s0 =	simm.s32 @!p2 $0x0  }
0x16: {  	s3 =	sld [smem:$0x3FDB];
	s0 =	simm.s32 @p2 $0x1  }
0x17: {  	s4 =	simm.s32 $0x1BF5;
	[smem:$0x3FB7] =	sst s0  }
0x18: {  	s0 =	sld [smem:$0x3F9A];
	_ =	swait.ge [sflag:s4], $0x0  }
0x19: {  	s7 =	sld [smem:$0x3F9B]  }
0x1a: {  	s8 =	sadd.s32 $0xFFFFE003, lr  }
0x1b: {  	s9 =	sadd.s32 $0xFFFFFEF7, lr;
	s5 =	simm.s32 $0xFFFFFFFF;
	p2 =	slt.u32 s8, $0xFFFFF086  }
0x1c: {  	p1 =	slt.u32 s9, $0xF7A;
	s5 =	simm.s32 @!p2 $0x0  }
0x1d: {  	s5 =	simm.s32 @p1 $0x1;
	p0 =	seq.s32 s7, s2  }
0x1e: {  	s7 =	smul.u32 @!p0 $0xF7A, s2;
	p2 =	seq.s32 @!p0 s5, $0x0  }
0x1f: {  	s9 =	smul.u32 $0xF7A, s1;
	s8 =	simm.s32 @!p0 $0x1BF5;
	p2 =	por !p2, p0  }
0x20: {  	[sflag:s8] =	ssyncset.s32 @!p0 $0xFFFFF086;
	s6 =	sadd.s32 @!p0 s3, s7;
	s7 =	simm.s32 @!p0 $0x108  }
0x21: {  	s3 =	sadd.s32 s3, s9;
	s6 =	sadd.s32 @!p0 $0x88, s6;
	s7 =	simm.s32 @p2 $0x1082  }
0x22: {  	[simem:s7], [sflag:s8] =	dma.local @!p0 [hbm:s6], $0xF7A  }
0x23: {  	s9 =	sor.u32 $0xD0000000, s2;
	s6 =	simm.s32 $0x108;
	_ =	swait.ge @!p0 [sflag:s8], $0x0  }
0x24: {  	s3 =	sadd.s32 $0x88, s3;
	s6 =	simm.s32 @!p1 $0x1082;
	[sflag:s4] =	ssyncset.s32 $0xFFFFF086  }
0x25: {  	[simem:s6], [sflag:s4] =	dma.local [hbm:s3], $0xF7A  }
0x26: {  	[smem:$0x3F9B] =	sst s1;
	(tag) =	ssettag s2;
	_ =	strace s9  }
0x27: {  	s1 =	sld [smem:$0x3FAB]  }
0x28: {  	s2 =	sld [smem:$0x3FAC]  }
0x29: {  	s4 =	sld [smem:$0x3FAE]  }
0x2a: {  	p0 =	seq.s32 s5, $0x0;
	s5 =	sld [smem:$0x3FAF]  }
0x2b: {  	s6 =	sld [smem:$0x3FB0]  }
0x2c: {  	s7 =	sld [smem:$0x3FB1]  }
0x2d: {  	s3 =	simm.s32 $0x108;
	s8 =	sld [smem:$0x3FB2]  }
0x2e: {  	s3 =	simm.s32 @!p0 $0x1082;
	s9 =	sld [smem:$0x3FB3]  }
0x2f: {  	lr =	sadd.s32 s0, s3;
	s0 =	sld [smem:$0x3FAA]  }
0x30: {  	s3 =	sld [smem:$0x3FAD]  }
0x31: {  	[smem:$0x3FB6] =	sst s10  }
0x32: {  	s10 =	sld [smem:$0x3FB4];
	_ =	sdelay $0x3  }
0x33: {  	p0 =	seq.s32 s10, $0x1;
	s10 =	sld [smem:$0x3FB6];
	_ =	sdelay $0x3  }
0x34: {  	[smem:$0x3FB6] =	sst s10  }
0x35: {  	s10 =	sld [smem:$0x3FB5];
	_ =	sdelay $0x3  }
0x36: {  	p1 =	seq.s32 s10, $0x1;
	s10 =	sld [smem:$0x3FB6];
	_ =	sdelay $0x3  }
0x37: {  	[smem:$0x3FB6] =	sst s10  }
0x38: {  	s10 =	sld [smem:$0x3FB7]  }
0x39: {  	_ = 	snop;
	(pc) =	sbr.ind lr, $3  }
0x3a: {  	_ = 	snop  }
0x3b: {  	_ = 	snop  }
0x3c: {  	p2 =	seq.s32 s10, $0x1;
	s10 =	sld [smem:$0x3FB6]  }
0x3d: {  	_ =	shalt  }
0x3e: {  	_ =	shalt  }
0x3f: {  	_ =	shalt  }
0x40: {  	_ =	shalt  }
0x41: {  	_ =	shalt  }
0x42: {  	_ =	shalt  }
0x43: {  	_ =	shalt  }
0x44: {  	_ =	shalt  }
0x45: {  	_ =	shalt  }
0x46: {  	_ =	shalt  }
0x47: {  	_ =	shalt  }
0x48: {  	_ =	shalt  }
0x49: {  	_ =	shalt  }
0x4a: {  	_ =	shalt  }
0x4b: {  	_ =	shalt  }
0x4c: {  	_ =	shalt  }
0x4d: {  	_ =	shalt  }
0x4e: {  	_ =	shalt  }
0x4f: {  	_ =	shalt  }
0x50: {  	_ =	shalt  }
0x51: {  	_ =	shalt  }
0x52: {  	_ =	shalt  }
0x53: {  	_ =	shalt  }
0x54: {  	_ =	shalt  }
0x55: {  	_ =	shalt  }
0x56: {  	_ =	shalt  }
0x57: {  	_ =	shalt  }
0x58: {  	_ =	shalt  }
0x59: {  	_ =	shalt  }
0x5a: {  	_ =	shalt  }
0x5b: {  	_ =	shalt  }
0x5c: {  	_ =	shalt  }
0x5d: {  	_ =	shalt  }
0x5e: {  	_ =	shalt  }
0x5f: {  	_ =	shalt  }
0x60: {  	_ =	shalt  }
0x61: {  	_ =	shalt  }
0x62: {  	_ =	shalt  }
0x63: {  	_ =	shalt  }
0x64: {  	_ =	shalt  }
0x65: {  	_ =	shalt  }
0x66: {  	_ =	shalt  }
0x67: {  	_ =	shalt  }
0x68: {  	_ =	shalt  }
0x69: {  	_ =	shalt  }
0x6a: {  	_ =	shalt  }
0x6b: {  	_ =	shalt  }
0x6c: {  	_ =	shalt  }
0x6d: {  	_ =	shalt  }
0x6e: {  	_ =	shalt  }
0x6f: {  	_ =	shalt  }
0x70: {  	_ =	shalt  }
0x71: {  	_ =	shalt  }
0x72: {  	_ =	shalt  }
0x73: {  	_ =	shalt  }
0x74: {  	_ =	shalt  }
0x75: {  	_ =	shalt  }
0x76: {  	_ =	shalt  }
0x77: {  	_ =	shalt  }
0x78: {  	_ =	shalt  }
0x79: {  	_ =	shalt  }
0x7a: {  	_ =	shalt  }
0x7b: {  	_ =	shalt  }
0x7c: {  	_ =	shalt  }
0x7d: {  	_ =	shalt  }
0x7e: {  	_ =	shalt  }
0x7f: {  	_ =	shalt  }
0x80: {  	_ =	shalt  }
0x81: {  	_ =	shalt  }
0x82: {  	_ =	shalt  }
0x83: {  	_ =	shalt  }
0x84: {  	_ =	shalt  }
0x85: {  	_ =	shalt  }
0x86: {  	_ =	shalt  }
0x87: {  	_ =	shalt  }
.Lfunc_end0:
.L_simem_size_0:
called_computation.1_lowered:
.L_overlay_start_0:
0x88: {  	s2 =	sld [smem:$0x3FD9]  }
0x89: {  	s3 =	sld [smem:$0x3FFE];
	_ =	sdelay $0x1  }
0x8a: {  	s1 =	srdreg.scid  }
0x8b: {  	s0 =	sand.u32 $0x1, s1  }
0x8c: {  	s17 =	sshll.u32 s0, $0xA;
	s2 =	sadd.s32 s3, s2  }
0x8d: {  	s2 =	sadd.s32 s2, s17  }
0x8e: {  	[smem:$0x3FC2] =	sst s2  }
0x8f: {  	_ = 	snop  }
0x90: {  	s2 =	sld [smem:$0x3FD0];
	(tm) =	ssettm $0x1  }
0x91: {  	s18 =	sld [smem:$0x3FFB];
	_ =	sdelay $0x3  }
0x92: {  	_ =	strace s18  }
0x93: {  	s3 =	sld [smem:$0x3FFC];
	_ =	sdelay $0x3  }
0x94: {  	_ =	strace s3  }
0x95: {  	s3 =	sld [smem:$0x3FFD];
	_ =	sdelay $0x3  }
0x96: {  	_ =	strace s3  }
0x97: {  	_ =	strace $0x8FFFFFFF  }
0x98: {  	s19 =	sld [smem:$0x3FDB];
	_ =	sdelay $0x1  }
0x99: {  	s4 =	simm.s32 $_scs_section_size  }
0x9a: {  	s5 =	simm.s32 $_size__tile_overlayer_lowered;
	s6 =	simm.s32 $_tile_overlayer_lowered  }
0x9b: {  	s22 =	simm.s32 $0x1BFF;
	s21 =	sshll.u32 s6, $0x1;
	s3 =	sadd.s32 s4, s19  }
0x9c: {  	s7 =	simm.s32 $0x0;
	s20 =	sshll.u32 s5, $0x1;
	s5 =	sadd.s32 s21, s3  }
0x9d: {  	[timem:s7], [sflag:s22] =	dma.local [hbm:s5], s20  }
0x9e: {  	_ =	swait.ge [sflag:s22], s20  }
0x9f: {  	s4 =	ssub.s32 $0x0, s20;
	[sflag:s22] =	ssyncset.done $0x0  }
0xa0: {  	[sflag:s22] =	ssyncadd.s32 s4;
	_ =	sdelay $0x1  }
0xa1: {  	s23 =	simm.s32 $0x1B8B  }
0xa2: {  	_ =	swait.ge [sflag:s23], $0x1  }
0xa3: {  	[sflag:s23] =	ssyncset.done $0x0  }
0xa4: {  	s25 =	simm.s32 $0x1B8E;
	s24 =	sld [smem:$0x3FFE];
	[sflag:s23] =	ssyncadd.s32 $0xFFFFFFFF  }
0xa5: {  	s26 =	simm.s32 $execute0_lowered;
	[smem:$0x3FD2] =	sst s25  }
0xa6: {  	s5 =	sshll.u32 s26, $0x1;
	_ =	strace $0x80000049;
	[dreg:$0x1] =	wrdreg $0xFFFFFFFF  }
0xa7: {  	s28 =	simm.s32 $_size_execute0_lowered;
	s3 =	sadd.s32 s3, s5;
	[dreg:$0x0] =	wrdreg $0x0  }
0xa8: {  	s5 =	sshll.u32 s28, $0x1;
	[dreg:$0x2] =	wrdreg s3  }
0xa9: {  	[dreg:$0x3] =	wrdreg s5  }
0xaa: {  	[dreg:$0x4] =	wrdreg $0xC0  }
0xab: {  	_ =	task [dreg:s7], $0x5FFFF  }
0xac: {  	[dreg:$0x1] =	wrdreg $0xFFFFFFFF  }
0xad: {  	[dreg:$0x0] =	wrdreg $0x60  }
0xae: {  	[dreg:$0x2] =	wrdreg s24  }
0xaf: {  	[dreg:$0x3] =	wrdreg s2  }
0xb0: {  	[dreg:$0x4] =	wrdreg $0x70000  }
0xb1: {  	[dreg:$0x5] =	wrdreg $0x98000  }
0xb2: {  	[dreg:$0x6] =	wrdreg $0x9  }
0xb3: {  	_ =	task.clear_ibuf [dreg:s7], $0x7FFFF;
	_ =	strace $0x90000049  }
0xb4: {  	s29 =	simm.s32 $0x9;
	_ =	strace $0x8000004B  }
0xb5: {  	_ =	swait.ge [sflag:s29], $0x1  }
0xb6: {  	[sflag:s29] =	ssyncadd.s32 $0xFFFFFFFF  }
0xb7: {  	_ =	strace $0x9000004B  }
0xb8: {  	_ =	sfence  }
0xb9: {  	s30 =	sld [smem:$0x0];
	_ =	sdelay $0x2  }
0xba: {  	s31 =	sshll.u32 s1, $0xD;
	s1 =	sshrl.u32 s1, $0x2  }
0xbb: {  	s3 =	sand.u32 $0x4000, s31;
	s1 =	sadd.s32 s1, s30  }
0xbc: {  	s0 =	sor.u32 s3, s0;
	s1 =	sshll.u32 s1, $0x11  }
0xbd: {  	s0 =	sor.u32 s1, s0  }
0xbe: {  	s0 =	sadd.s32 $0x8F2B, s0  }
0xbf: {  	[sflag:s0] =	ssyncadd.remote.s32 $0x1  }
0xc0: {  	_ =	sfence.sel $0xFFFF  }
0xc1: {  	[dreg:$0x0] =	wrdreg $0xFFFFFFFF;
	(pc) =	sbr.abs _section_cstart, $3  }
0xc2: {  	[dreg:$0x1] =	wrdreg $0xFFFFFFFF  }
0xc3: {  	_ =	task.clear_ibuf [dreg:s7], $0x2FFFF;
	_ =	strace $0x9FFFFFFF  }
0xc4: {  	(tm) =	ssettm $0x7FFFFFFF  }
0xc5: {  	_ =	shalt  }
tec
execute0_lowered:
.L_overlay_start_1:
0x0: {  	(tag) =	ssettag $0x1  }
0x1: {  	s1 =	rddreg [dreg:$0x0]  }
0x2: {  	s0 =	srdreg.scid;
	s5 =	rddreg [dreg:$0x1]  }
0x3: {  	s12 =	stileid.u32;
	s2 =	rddreg [dreg:$0x2]  }
0x4: {  	s20 =	simm.s32 $0x5000;
	s21 =	simm.s32 $0xC;
	s22 =	simm.s32 $0x9  }
0x5: {  	s23 =	simm.s32 $0xA;
	s24 =	simm.s32 $0xB;
	s28 =	simm.s32 $0x5800  }
0x6: {  	s30 =	simm.s32 $0x6000;
	s29 =	simm.s32 $0x3;
	s7 =	smul.u32 $0x2800, s12  }
0x7: {  	s31 =	simm.s32 $0x4;
	s0 =	sand.u32 $0x1, s0;
	s13 =	smul.u32 $0xA000, s12  }
0x8: {  	s11 =	sadd.s32 $0x2200, s1;
	s3 =	sshll.u32 s0, $0x4;
	s8 =	smul.u32 $0x28000, s0  }
0x9: {  	s0 =	ssub.s32 $0x2, s0;
	s4 =	sor.u32 s12, s3;
	s3 =	rddreg [dreg:$0x3]  }
0xa: {  	s9 =	sshrl.u32 s7, $0x3;
	s15 =	sadd.s32 s7, s2;
	s16 =	sshrl.u32 s13, $0x2  }
0xb: {  	s6 =	smul.u32 $0x500, s4;
	s4 =	simm.s32 $0x0;
	s9 =	sadd.s32 s9, s1  }
0xc: {  	s8 =	sadd.s32 s7, s8;
	s18 =	sadd.s32 s7, s3;
	s19 =	sshrl.u32 s15, $0x3  }
0xd: {  	s7 =	simm.s32 $0x7;
	[smem:$0x7FF] =	sst s4;
	s8 =	sshrl.u32 s8, $0x3  }
0xe: {  	s9 =	sadd.s32 $0x34400, s9;
	_ =	strace $0x8000004A;
	s10 =	sadd.s32 s6, s1  }
0xf: {  	[dreg:$0x5] =	wrdreg s11;
	s1 =	sadd.s32 s8, s1;
	s11 =	sshrl.u32 s0, $0x1  }
0x10: {  	s5 =	sadd.s32 s5, s6;
	s8 =	sshll.u32 s12, $0x6;
	[dreg:$0x8] =	wrdreg s9  }
0x11: {  	s6 =	simm.s32 $0x6;
	s9 =	simm.s32 $0x8;
	s12 =	simm.s32 $0x0  }
0x12: {  	s0 =	ssub.s32 s0, s11;
	[dreg:$0x6] =	wrdreg s5;
	s14 =	sadd.s32 $0x2400, s10  }
0x13: {  	s17 =	sor.u32 $0x1C0B, s8;
	s11 =	sadd.s32 s16, s3;
	[dreg:$0x7] =	wrdreg s14  }
0x14: {  	s1 =	sadd.s32 $0x39400, s1;
	s5 =	simm.s32 $0x5;
	[dreg:$0x9] =	wrdreg s17  }
0x15: {  	s10 =	simm.s32 $0x2780;
	[dreg:$0xa] =	wrdreg s1;
	s0 =	smax.u32 s0, $0x1  }
0x16: {  	s25 =	sadd.s32 $0x800, s11;
	s26 =	sadd.s32 $0x1000, s11;
	[dreg:$0xb] =	wrdreg s0  }
0x17: {  	s16 =	sadd.s32 $0x1800, s11;
	s17 =	sadd.s32 $0x2000, s11;
	[dreg:$0xc] =	wrdreg s25  }
0x18: {  	s1 =	simm.s32 $0x6800;
	[dreg:$0xd] =	wrdreg s26;
	s25 =	sshrl.u32 s18, $0x3  }
0x19: {  	s26 =	simm.s32 $0x80;
	s0 =	simm.s32 $0x1;
	s18 =	simm.s32 $0x2  }
.LBB2_1:
0x1a: {  	s13 =	rddreg [dreg:$0x6]  }
0x1b: {  	s14 =	simm.s32 $0x2800;
	s15 =	rddreg [dreg:$0x7]  }
0x1c: {  	[tilespmem:s14], [sflag:$0x9] =	stream.linear.gather [hbm4b:s13+s4], $0x2800, $0x38;
	[tilespmem:$0xC000] =	vst v63  }
0x1d: {  	s14 =	rddreg [dreg:$0x8]  }
0x1e: {  	[tilespmem:s4], [sflag:$0xA] =	stream.linear.gather [hbm4b:s15+s4], $0x2800, $0x38;
	[tilespmem:$0xC000] =	vst v63  }
0x1f: {  	s15 =	rddreg [dreg:$0x9]  }
0x20: {  	[spmem:s19], [sflag:s15] =	dma.local [hbm:s14], $0x500  }
0x21: {  	s13 =	rddreg [dreg:$0x5]  }
0x22: {  	[tilespmem:s20], [sflag:$0xC] =	stream.linear.gather [hbm4b:s13+s4], $0x800, $0x38;
	[tilespmem:$0xC000] =	vst v63  }
0x23: {  	_ =	swait.ge [sflag:s21], $0x800  }
0x24: {  	[sflag:s21] =	ssyncset.done $0x0  }
0x25: {  	[sflag:s21] =	ssyncadd.s32 $0xFFFFF800  }
0x26: {  	[spmem:s11] =	stream.linear.scatter [tilespmem:s20], [sflag:$0xC], $0x800, $0x38;
	[tilespmem:$0xC000] =	vst v63  }
0x27: {  	_ =	swait.ge [sflag:s21], $0x800  }
0x28: {  	[sflag:s21] =	ssyncset.done $0x0  }
0x29: {  	s15 =	rddreg [dreg:$0xc];
	[sflag:s21] =	ssyncadd.s32 $0xFFFFF800  }
0x2a: {  	[spmem:s15] =	stream.linear.scatter [tilespmem:s20], [sflag:$0xC], $0x800, $0x38;
	[tilespmem:$0xC000] =	vst v63  }
0x2b: {  	_ =	swait.ge [sflag:s21], $0x800  }
0x2c: {  	[sflag:s21] =	ssyncset.done $0x0  }
0x2d: {  	s14 =	rddreg [dreg:$0xd];
	[sflag:s21] =	ssyncadd.s32 $0xFFFFF800  }
0x2e: {  	[spmem:s14] =	stream.linear.scatter [tilespmem:s20], [sflag:$0xC], $0x800, $0x38;
	[tilespmem:$0xC000] =	vst v63  }
0x2f: {  	_ =	swait.ge [sflag:s21], $0x800  }
0x30: {  	[sflag:s21] =	ssyncset.done $0x0  }
0x31: {  	[sflag:s21] =	ssyncadd.s32 $0xFFFFF800  }
0x32: {  	[spmem:s16] =	stream.linear.scatter [tilespmem:s20], [sflag:$0xC], $0x800, $0x38;
	[tilespmem:$0xC000] =	vst v63  }
0x33: {  	_ =	swait.ge [sflag:s21], $0x800  }
0x34: {  	[sflag:s21] =	ssyncset.done $0x0  }
0x35: {  	[sflag:s21] =	ssyncadd.s32 $0xFFFFF800  }
0x36: {  	[spmem:s17] =	stream.linear.scatter [tilespmem:s20], [sflag:$0xC], $0x800, $0x38;
	[tilespmem:$0xC000] =	vst v63  }
0x37: {  	_ =	swait.ge [sflag:s21], $0x800  }
0x38: {  	[sflag:s21] =	ssyncset.done $0x0  }
0x39: {  	[sflag:s21] =	ssyncadd.s32 $0xFFFFF800  }
0x3a: {  	_ =	swait.ge [sflag:s22], $0x2800  }
0x3b: {  	[sflag:s22] =	ssyncset.done $0x0  }
0x3c: {  	[sflag:s22] =	ssyncadd.s32 $0xFFFFD800  }
0x3d: {  	_ =	swait.ge [sflag:s23], $0x2800  }
0x3e: {  	[sflag:s23] =	ssyncset.done $0x0  }
0x3f: {  	[sflag:s23] =	ssyncadd.s32 $0xFFFFD800  }
0x40: {  	_ =	swait.ge [sflag:s24], $0x500  }
0x41: {  	[sflag:s24] =	ssyncset.done $0x0  }
0x42: {  	[sflag:s24] =	ssyncadd.s32 $0xFFFFFB00  }
0x43: {  	[bflag:$0x0] =	sbarrier.arrive $0xFFFF  }
0x44: {  	[tilespmem:s20], [sflag:$0x1] =	stream.indirect.gather [spmem:s2], $0x10, s4, s26, $0xb8;
	[tilespmem:$0xC000] =	vst v63  }
0x45: {  	_ = 	snop  }
0x46: {  	[tilespmem:s28], [sflag:$0x2] =	stream.indirect.gather [spmem:s2], $0x10, s26, s26, $0xb8;
	[tilespmem:$0xC000] =	vst v63  }
0x47: {  	s15 =	simm.s32 $0x100  }
0x48: {  	[tilespmem:s30], [sflag:$0x3] =	stream.indirect.gather [spmem:s2], $0x10, s15, s26, $0xb8;
	[tilespmem:$0xC000] =	vst v63  }
0x49: {  	s14 =	simm.s32 $0x180  }
0x4a: {  	[tilespmem:s1], [sflag:$0x4] =	stream.indirect.gather [spmem:s2], $0x10, s14, s26, $0xb8;
	[tilespmem:$0xC000] =	vst v63  }
0x4b: {  	_ =	swait.ge [sflag:s0], $0x800  }
0x4c: {  	[sflag:s0] =	ssyncset.done $0x0  }
0x4d: {  	s15 =	simm.s32 $0x2800;
	[sflag:s0] =	ssyncadd.s32 $0xFFFFF800  }
0x4e: {  	[spmem:s3] =	stream.indirect.scatter.add.f32 [tilespmem:s20], [sflag:$0x5], $0x10, s15, s26, $0xb8;
	[tilespmem:$0xC000] =	vst v63  }
0x4f: {  	_ =	swait.ge [sflag:s18], $0x800  }
0x50: {  	[sflag:s18] =	ssyncset.done $0x0  }
0x51: {  	s14 =	simm.s32 $0x2880;
	[sflag:s18] =	ssyncadd.s32 $0xFFFFF800  }
0x52: {  	[spmem:s3] =	stream.indirect.scatter.add.f32 [tilespmem:s28], [sflag:$0x6], $0x10, s14, s26, $0xb8;
	[tilespmem:$0xC000] =	vst v63  }
0x53: {  	_ =	swait.ge [sflag:s29], $0x800  }
0x54: {  	[sflag:s29] =	ssyncset.done $0x0  }
0x55: {  	s15 =	simm.s32 $0x2900;
	[sflag:s29] =	ssyncadd.s32 $0xFFFFF800  }
0x56: {  	[spmem:s3] =	stream.indirect.scatter.add.f32 [tilespmem:s30], [sflag:$0x7], $0x10, s15, s26, $0xb8;
	[tilespmem:$0xC000] =	vst v63  }
0x57: {  	_ =	swait.ge [sflag:s31], $0x800  }
0x58: {  	[sflag:s31] =	ssyncset.done $0x0  }
0x59: {  	s14 =	simm.s32 $0x2980;
	[sflag:s31] =	ssyncadd.s32 $0xFFFFF800  }
0x5a: {  	[spmem:s3] =	stream.indirect.scatter.add.f32 [tilespmem:s1], [sflag:$0x8], $0x10, s14, s26, $0xb8;
	[tilespmem:$0xC000] =	vst v63  }
0x5b: {  	_ =	swait.ge [sflag:s5], $0x800  }
0x5c: {  	[sflag:s5] =	ssyncset.done $0x0  }
0x5d: {  	s15 =	simm.s32 $0x200;
	[sflag:s5] =	ssyncadd.s32 $0xFFFFF800  }
0x5e: {  	[tilespmem:s20], [sflag:$0x1] =	stream.indirect.gather [spmem:s2], $0x10, s15, s26, $0xb8;
	[tilespmem:$0xC000] =	vst v63  }
0x5f: {  	_ =	swait.ge [sflag:s6], $0x800  }
0x60: {  	[sflag:s6] =	ssyncset.done $0x0  }
0x61: {  	s14 =	simm.s32 $0x280;
	[sflag:s6] =	ssyncadd.s32 $0xFFFFF800  }
0x62: {  	[tilespmem:s28], [sflag:$0x2] =	stream.indirect.gather [spmem:s2], $0x10, s14, s26, $0xb8;
	[tilespmem:$0xC000] =	vst v63  }
0x63: {  	_ =	swait.ge [sflag:s7], $0x800  }
0x64: {  	[sflag:s7] =	ssyncset.done $0x0  }
0x65: {  	s15 =	simm.s32 $0x300;
	[sflag:s7] =	ssyncadd.s32 $0xFFFFF800  }
0x66: {  	[tilespmem:s30], [sflag:$0x3] =	stream.indirect.gather [spmem:s2], $0x10, s15, s26, $0xb8;
	[tilespmem:$0xC000] =	vst v63  }
0x67: {  	_ =	swait.ge [sflag:s9], $0x800  }
0x68: {  	[sflag:s9] =	ssyncset.done $0x0  }
0x69: {  	s13 =	simm.s32 $0x800;
	s14 =	simm.s32 $0x380;
	[sflag:s9] =	ssyncadd.s32 $0xFFFFF800  }
.LBB2_2:
0x6a: {  	[tilespmem:s1], [sflag:$0x4] =	stream.indirect.gather [spmem:s2], $0x10, s14, s26, $0xb8;
	[tilespmem:$0xC000] =	vst v63  }
0x6b: {  	s14 =	smov.u32 s13  }
0x6c: {  	p0 =	sne.s32 s13, $0x8800;
	s13 =	sadd.s32 $0x800, s13;
	_ =	swait.ge [sflag:s0], $0x800  }
0x6d: {  	s14 =	sshra.s32 s14, $0x2;
	[sflag:s0] =	ssyncset.done $0x0  }
0x6e: {  	s15 =	sadd.s32 $0x2800, s14;
	[sflag:s0] =	ssyncadd.s32 $0xFFFFF800  }
0x6f: {  	[spmem:s3] =	stream.indirect.scatter.add.f32 [tilespmem:s20], [sflag:$0x5], $0x10, s15, s26, $0xb8;
	[tilespmem:$0xC000] =	vst v63  }
0x70: {  	_ =	swait.ge [sflag:s18], $0x800  }
0x71: {  	[sflag:s18] =	ssyncset.done $0x0  }
0x72: {  	s15 =	sadd.s32 $0x2880, s14;
	[sflag:s18] =	ssyncadd.s32 $0xFFFFF800  }
0x73: {  	[spmem:s3] =	stream.indirect.scatter.add.f32 [tilespmem:s28], [sflag:$0x6], $0x10, s15, s26, $0xb8;
	[tilespmem:$0xC000] =	vst v63  }
0x74: {  	_ =	swait.ge [sflag:s29], $0x800  }
0x75: {  	[sflag:s29] =	ssyncset.done $0x0  }
0x76: {  	s15 =	sadd.s32 $0x2900, s14;
	[sflag:s29] =	ssyncadd.s32 $0xFFFFF800  }
0x77: {  	[spmem:s3] =	stream.indirect.scatter.add.f32 [tilespmem:s30], [sflag:$0x7], $0x10, s15, s26, $0xb8;
	[tilespmem:$0xC000] =	vst v63  }
0x78: {  	_ =	swait.ge [sflag:s31], $0x800  }
0x79: {  	[sflag:s31] =	ssyncset.done $0x0  }
0x7a: {  	s15 =	sadd.s32 $0x2980, s14;
	[sflag:s31] =	ssyncadd.s32 $0xFFFFF800  }
0x7b: {  	[spmem:s3] =	stream.indirect.scatter.add.f32 [tilespmem:s1], [sflag:$0x8], $0x10, s15, s26, $0xb8;
	[tilespmem:$0xC000] =	vst v63  }
0x7c: {  	_ =	swait.ge [sflag:s5], $0x800  }
0x7d: {  	[sflag:s5] =	ssyncset.done $0x0  }
0x7e: {  	s15 =	sadd.s32 $0x200, s14;
	[sflag:s5] =	ssyncadd.s32 $0xFFFFF800  }
0x7f: {  	[tilespmem:s20], [sflag:$0x1] =	stream.indirect.gather [spmem:s2], $0x10, s15, s26, $0xb8;
	[tilespmem:$0xC000] =	vst v63  }
0x80: {  	_ =	swait.ge [sflag:s6], $0x800  }
0x81: {  	[sflag:s6] =	ssyncset.done $0x0  }
0x82: {  	s15 =	sadd.s32 $0x280, s14;
	[sflag:s6] =	ssyncadd.s32 $0xFFFFF800  }
0x83: {  	[tilespmem:s28], [sflag:$0x2] =	stream.indirect.gather [spmem:s2], $0x10, s15, s26, $0xb8;
	[tilespmem:$0xC000] =	vst v63  }
0x84: {  	_ =	swait.ge [sflag:s7], $0x800  }
0x85: {  	[sflag:s7] =	ssyncset.done $0x0  }
.Ltmp0:
0x86: {  	s15 =	sadd.s32 $0x300, s14;
	[sflag:s7] =	ssyncadd.s32 $0xFFFFF800;
	(pc) =	sbr.rel @p0 .LBB2_2-.Ltmp0, $4  }
0x87: {  	[tilespmem:s30], [sflag:$0x3] =	stream.indirect.gather [spmem:s2], $0x10, s15, s26, $0xb8;
	[tilespmem:$0xC000] =	vst v63  }
0x88: {  	_ =	swait.ge [sflag:s9], $0x800  }
0x89: {  	[sflag:s9] =	ssyncset.done $0x0  }
0x8a: {  	s14 =	sadd.s32 $0x380, s14;
	[sflag:s9] =	ssyncadd.s32 $0xFFFFF800  }
0x8b: {  	[tilespmem:s1], [sflag:$0x4] =	stream.indirect.gather [spmem:s2], $0x10, s14, s26, $0xb8;
	[tilespmem:$0xC000] =	vst v63  }
0x8c: {  	_ =	swait.ge [sflag:s0], $0x800  }
0x8d: {  	[sflag:s0] =	ssyncset.done $0x0  }
0x8e: {  	s13 =	simm.s32 $0x4C00;
	[sflag:s0] =	ssyncadd.s32 $0xFFFFF800  }
0x8f: {  	[spmem:s3] =	stream.indirect.scatter.add.f32 [tilespmem:s20], [sflag:$0x5], $0x10, s13, s26, $0xb8;
	[tilespmem:$0xC000] =	vst v63  }
0x90: {  	_ =	swait.ge [sflag:s18], $0x800  }
0x91: {  	[sflag:s18] =	ssyncset.done $0x0  }
0x92: {  	s14 =	simm.s32 $0x4C80;
	[sflag:s18] =	ssyncadd.s32 $0xFFFFF800  }
0x93: {  	[spmem:s3] =	stream.indirect.scatter.add.f32 [tilespmem:s28], [sflag:$0x6], $0x10, s14, s26, $0xb8;
	[tilespmem:$0xC000] =	vst v63  }
0x94: {  	_ =	swait.ge [sflag:s29], $0x800  }
0x95: {  	[sflag:s29] =	ssyncset.done $0x0  }
0x96: {  	s15 =	simm.s32 $0x4D00;
	[sflag:s29] =	ssyncadd.s32 $0xFFFFF800  }
0x97: {  	[spmem:s3] =	stream.indirect.scatter.add.f32 [tilespmem:s30], [sflag:$0x7], $0x10, s15, s26, $0xb8;
	[tilespmem:$0xC000] =	vst v63  }
0x98: {  	_ =	swait.ge [sflag:s31], $0x800  }
0x99: {  	[sflag:s31] =	ssyncset.done $0x0  }
0x9a: {  	s14 =	simm.s32 $0x4D80;
	[sflag:s31] =	ssyncadd.s32 $0xFFFFF800  }
0x9b: {  	[spmem:s3] =	stream.indirect.scatter.add.f32 [tilespmem:s1], [sflag:$0x8], $0x10, s14, s26, $0xb8;
	[tilespmem:$0xC000] =	vst v63  }
0x9c: {  	_ =	swait.ge [sflag:s5], $0x800  }
0x9d: {  	[sflag:s5] =	ssyncset.done $0x0  }
0x9e: {  	s15 =	simm.s32 $0x2600;
	[sflag:s5] =	ssyncadd.s32 $0xFFFFF800  }
0x9f: {  	[tilespmem:s20], [sflag:$0x1] =	stream.indirect.gather [spmem:s2], $0x10, s15, s26, $0xb8;
	[tilespmem:$0xC000] =	vst v63  }
0xa0: {  	_ =	swait.ge [sflag:s6], $0x800  }
0xa1: {  	[sflag:s6] =	ssyncset.done $0x0  }
0xa2: {  	s14 =	simm.s32 $0x2680;
	[sflag:s6] =	ssyncadd.s32 $0xFFFFF800  }
0xa3: {  	[tilespmem:s28], [sflag:$0x2] =	stream.indirect.gather [spmem:s2], $0x10, s14, s26, $0xb8;
	[tilespmem:$0xC000] =	vst v63  }
0xa4: {  	_ =	swait.ge [sflag:s7], $0x800  }
0xa5: {  	[sflag:s7] =	ssyncset.done $0x0  }
0xa6: {  	s15 =	simm.s32 $0x2700;
	[sflag:s7] =	ssyncadd.s32 $0xFFFFF800  }
0xa7: {  	[tilespmem:s30], [sflag:$0x3] =	stream.indirect.gather [spmem:s2], $0x10, s15, s26, $0xb8;
	[tilespmem:$0xC000] =	vst v63  }
0xa8: {  	_ =	swait.ge [sflag:s9], $0x800  }
0xa9: {  	[sflag:s9] =	ssyncset.done $0x0  }
0xaa: {  	[sflag:s9] =	ssyncadd.s32 $0xFFFFF800  }
0xab: {  	[tilespmem:s1], [sflag:$0x4] =	stream.indirect.gather [spmem:s2], $0x10, s10, s26, $0xb8;
	[tilespmem:$0xC000] =	vst v63  }
0xac: {  	_ =	swait.ge [sflag:s0], $0x800  }
0xad: {  	[sflag:s0] =	ssyncset.done $0x0  }
0xae: {  	s14 =	simm.s32 $0x4E00;
	[sflag:s0] =	ssyncadd.s32 $0xFFFFF800  }
0xaf: {  	[spmem:s3] =	stream.indirect.scatter.add.f32 [tilespmem:s20], [sflag:$0x5], $0x10, s14, s26, $0xb8;
	[tilespmem:$0xC000] =	vst v63  }
0xb0: {  	_ =	swait.ge [sflag:s18], $0x800  }
0xb1: {  	[sflag:s18] =	ssyncset.done $0x0  }
0xb2: {  	s15 =	simm.s32 $0x4E80;
	[sflag:s18] =	ssyncadd.s32 $0xFFFFF800  }
0xb3: {  	[spmem:s3] =	stream.indirect.scatter.add.f32 [tilespmem:s28], [sflag:$0x6], $0x10, s15, s26, $0xb8;
	[tilespmem:$0xC000] =	vst v63  }
0xb4: {  	_ =	swait.ge [sflag:s29], $0x800  }
0xb5: {  	[sflag:s29] =	ssyncset.done $0x0  }
0xb6: {  	s14 =	simm.s32 $0x4F00;
	[sflag:s29] =	ssyncadd.s32 $0xFFFFF800  }
0xb7: {  	[spmem:s3] =	stream.indirect.scatter.add.f32 [tilespmem:s30], [sflag:$0x7], $0x10, s14, s26, $0xb8;
	[tilespmem:$0xC000] =	vst v63  }
0xb8: {  	_ =	swait.ge [sflag:s31], $0x800  }
0xb9: {  	[sflag:s31] =	ssyncset.done $0x0  }
0xba: {  	s15 =	simm.s32 $0x4F80;
	[sflag:s31] =	ssyncadd.s32 $0xFFFFF800  }
0xbb: {  	[spmem:s3] =	stream.indirect.scatter.add.f32 [tilespmem:s1], [sflag:$0x8], $0x10, s15, s26, $0xb8;
	[tilespmem:$0xC000] =	vst v63  }
0xbc: {  	_ =	swait.ge [sflag:s5], $0x800  }
0xbd: {  	[sflag:s5] =	ssyncset.done $0x0  }
0xbe: {  	[sflag:s5] =	ssyncadd.s32 $0xFFFFF800  }
0xbf: {  	[tilespmem:s20], [sflag:$0x1] =	stream.indirect.gather [spmem:s2], $0x10, s10, s26, $0xb8;
	[tilespmem:$0xC000] =	vst v63  }
0xc0: {  	_ =	swait.ge [sflag:s6], $0x800  }
0xc1: {  	[sflag:s6] =	ssyncset.done $0x0  }
0xc2: {  	[sflag:s6] =	ssyncadd.s32 $0xFFFFF800  }
0xc3: {  	[tilespmem:s28], [sflag:$0x2] =	stream.indirect.gather [spmem:s2], $0x10, s10, s26, $0xb8;
	[tilespmem:$0xC000] =	vst v63  }
0xc4: {  	_ =	swait.ge [sflag:s7], $0x800  }
0xc5: {  	[sflag:s7] =	ssyncset.done $0x0  }
0xc6: {  	[sflag:s7] =	ssyncadd.s32 $0xFFFFF800  }
0xc7: {  	[tilespmem:s30], [sflag:$0x3] =	stream.indirect.gather [spmem:s2], $0x10, s10, s26, $0xb8;
	[tilespmem:$0xC000] =	vst v63  }
0xc8: {  	_ =	swait.ge [sflag:s9], $0x800  }
0xc9: {  	[sflag:s9] =	ssyncset.done $0x0  }
0xca: {  	[sflag:s9] =	ssyncadd.s32 $0xFFFFF800  }
0xcb: {  	[tilespmem:s1], [sflag:$0x4] =	stream.indirect.gather [spmem:s2], $0x10, s10, s26, $0xb8;
	[tilespmem:$0xC000] =	vst v63  }
0xcc: {  	_ =	swait.ge [sflag:s0], $0x800  }
0xcd: {  	[sflag:s0] =	ssyncset.done $0x0  }
0xce: {  	[sflag:s0] =	ssyncadd.s32 $0xFFFFF800  }
0xcf: {  	_ =	swait.ge [sflag:s18], $0x800  }
0xd0: {  	[sflag:s18] =	ssyncset.done $0x0  }
0xd1: {  	[sflag:s18] =	ssyncadd.s32 $0xFFFFF800  }
0xd2: {  	_ =	swait.ge [sflag:s29], $0x800  }
0xd3: {  	[sflag:s29] =	ssyncset.done $0x0  }
0xd4: {  	[sflag:s29] =	ssyncadd.s32 $0xFFFFF800  }
0xd5: {  	_ =	swait.ge [sflag:s31], $0x800  }
0xd6: {  	[sflag:s31] =	ssyncset.done $0x0  }
0xd7: {  	[sflag:s31] =	ssyncadd.s32 $0xFFFFF800  }
0xd8: {  	[bflag:$0x0] =	sbarrier.arrive $0xFFFF  }
0xd9: {  	s14 =	sor.u32 $0x1C0C, s8;
	s15 =	rddreg [dreg:$0xa]  }
0xda: {  	[hbm:s15], [sflag:s14] =	dma.local [spmem:s25], $0x500  }
0xdb: {  	_ =	swait.ge [sflag:s21], $0x500  }
0xdc: {  	s12 =	sadd.s32 $0x1, s12;
	s15 =	rddreg [dreg:$0xb]  }
0xdd: {  	p0 =	sne.s32 s12, s15  }
.Ltmp1:
0xde: {  	_ = 	snop;
	(pc) =	sbr.rel @p0 .LBB2_1-.Ltmp1, $3  }
0xdf: {  	_ =	sdelay $0x1  }
0xe0: {  	[sflag:s21] =	ssyncset.done $0x0  }
0xe1: {  	[sflag:s21] =	ssyncadd.s32 $0xFFFFFB00  }
0xe2: {  	_ =	sfence.sel $0x180000  }
0xe3: {  	[bflag:$0x0] =	sbarrier.arrive $0xFFFF  }
0xe4: {  	_ =	strace $0x9000004A  }
0xe5: {  	s0 =	stileid.u32;
	[bflag:$0x2] =	sbarrier.arrive $0xFFFF  }
0xe6: {  	p0 =	sne.s32 s0, $0x0;
	s0 =	rddreg [dreg:$0x4]  }
0xe7: {  	s0 =	sadd.s32 @!p0 $0x100000, s0  }
0xe8: {  	[sflag:s0] =	ssyncadd.tile.s32 @!p0 $0x1;
	_ =	shalt  }
.Lfunc_end2:
_tile_overlayer_lowered:
.L_overlay_start_2:
0xe9: {  	(tag) =	ssettag $0x2  }
0xea: {  	s0 =	rddreg [dreg:$0x0];
	s2 =	stileid.u32  }
0xeb: {  	s1 =	rddreg [dreg:$0x1];
	p0 =	sne.s32 s2, $0x0  }
0xec: {  	s3 =	rddreg [dreg:$0x2];
	[bflag:$0x3] =	sbarrier.arrive $0xFFFF;
	s2 =	simm.s32 @!p0 $0x1C0C  }
0xed: {  	[timem:s3], [sflag:s2] =	dma.local @!p0 [hbm:s0], s1  }
0xee: {  	s0 =	simm.s32 @!p0 $0xC  }
0xef: {  	_ =	swait.ge @!p0 [sflag:s0], s1  }
0xf0: {  	s1 =	ssub.s32 @!p0 $0x0, s1;
	[sflag:s0] =	ssyncset.done @!p0 $0x0  }
0xf1: {  	[sflag:s0] =	ssyncadd.s32 @!p0 s1  }
0xf2: {  	[bflag:$0x3] =	sbarrier.arrive $0xFFFF  }
0xf3: {  	_ =	shalt  }

// kernel: kernel.14.cloned.1.call-start
scs
__scs_entry_jumppad:
0x0: {  	(pc) =	sbr.rel $0x88, $3  }
0x1: {  	(tag) =	ssettag $0x0;
	lr =	simm.s32 $0x1  }
0x2: {  	[smem:$0x3F9B] =	sst lr;
	_ =	strace $0xD0000000  }
0x3: {  	_ = 	snop  }
0x4: {  	_ = 	snop  }
0x5: {  	_ = 	snop  }
0x6: {  	_ = 	snop  }
0x7: {  	_ = 	snop  }
__scs_overlays_trampoline_lowered:
0x8: {  	[smem:$0x3FAA] =	sst s0  }
0x9: {  	[smem:$0x3FAB] =	sst s1  }
0xa: {  	[smem:$0x3FAC] =	sst s2  }
0xb: {  	[smem:$0x3FAD] =	sst s3  }
0xc: {  	[smem:$0x3FAE] =	sst s4  }
0xd: {  	[smem:$0x3FAF] =	sst s5  }
0xe: {  	[smem:$0x3FB0] =	sst s6  }
0xf: {  	[smem:$0x3FB1] =	sst s7  }
0x10: {  	[smem:$0x3FB2] =	sst s8  }
0x11: {  	[smem:$0x3FB3] =	sst s9;
	s0 =	simm.s32 @!p0 $0x0  }
0x12: {  	s1 =	sld [smem:$0x3F99];
	s0 =	simm.s32 @p0 $0x1  }
0x13: {  	[smem:$0x3FB4] =	sst s0;
	s0 =	simm.s32 @!p1 $0x0  }
0x14: {  	s2 =	sld [smem:$0x3F98];
	s0 =	simm.s32 @p1 $0x1  }
0x15: {  	[smem:$0x3FB5] =	sst s0;
	s0 =	simm.s32 @!p2 $0x0  }
0x16: {  	s3 =	sld [smem:$0x3FDB];
	s0 =	simm.s32 @p2 $0x1  }
0x17: {  	s4 =	simm.s32 $0x1BF5;
	[smem:$0x3FB7] =	sst s0  }
0x18: {  	s0 =	sld [smem:$0x3F9A];
	_ =	swait.ge [sflag:s4], $0x0  }
0x19: {  	s7 =	sld [smem:$0x3F9B]  }
0x1a: {  	s8 =	sadd.s32 $0xFFFFE003, lr  }
0x1b: {  	s9 =	sadd.s32 $0xFFFFFEF7, lr;
	s5 =	simm.s32 $0xFFFFFFFF;
	p2 =	slt.u32 s8, $0xFFFFF086  }
0x1c: {  	p1 =	slt.u32 s9, $0xF7A;
	s5 =	simm.s32 @!p2 $0x0  }
0x1d: {  	s5 =	simm.s32 @p1 $0x1;
	p0 =	seq.s32 s7, s2  }
0x1e: {  	s7 =	smul.u32 @!p0 $0xF7A, s2;
	p2 =	seq.s32 @!p0 s5, $0x0  }
0x1f: {  	s9 =	smul.u32 $0xF7A, s1;
	s8 =	simm.s32 @!p0 $0x1BF5;
	p2 =	por !p2, p0  }
0x20: {  	[sflag:s8] =	ssyncset.s32 @!p0 $0xFFFFF086;
	s6 =	sadd.s32 @!p0 s3, s7;
	s7 =	simm.s32 @!p0 $0x108  }
0x21: {  	s3 =	sadd.s32 s3, s9;
	s6 =	sadd.s32 @!p0 $0x88, s6;
	s7 =	simm.s32 @p2 $0x1082  }
0x22: {  	[simem:s7], [sflag:s8] =	dma.local @!p0 [hbm:s6], $0xF7A  }
0x23: {  	s9 =	sor.u32 $0xD0000000, s2;
	s6 =	simm.s32 $0x108;
	_ =	swait.ge @!p0 [sflag:s8], $0x0  }
0x24: {  	s3 =	sadd.s32 $0x88, s3;
	s6 =	simm.s32 @!p1 $0x1082;
	[sflag:s4] =	ssyncset.s32 $0xFFFFF086  }
0x25: {  	[simem:s6], [sflag:s4] =	dma.local [hbm:s3], $0xF7A  }
0x26: {  	[smem:$0x3F9B] =	sst s1;
	(tag) =	ssettag s2;
	_ =	strace s9  }
0x27: {  	s1 =	sld [smem:$0x3FAB]  }
0x28: {  	s2 =	sld [smem:$0x3FAC]  }
0x29: {  	s4 =	sld [smem:$0x3FAE]  }
0x2a: {  	p0 =	seq.s32 s5, $0x0;
	s5 =	sld [smem:$0x3FAF]  }
0x2b: {  	s6 =	sld [smem:$0x3FB0]  }
0x2c: {  	s7 =	sld [smem:$0x3FB1]  }
0x2d: {  	s3 =	simm.s32 $0x108;
	s8 =	sld [smem:$0x3FB2]  }
0x2e: {  	s3 =	simm.s32 @!p0 $0x1082;
	s9 =	sld [smem:$0x3FB3]  }
0x2f: {  	lr =	sadd.s32 s0, s3;
	s0 =	sld [smem:$0x3FAA]  }
0x30: {  	s3 =	sld [smem:$0x3FAD]  }
0x31: {  	[smem:$0x3FB6] =	sst s10  }
0x32: {  	s10 =	sld [smem:$0x3FB4];
	_ =	sdelay $0x3  }
0x33: {  	p0 =	seq.s32 s10, $0x1;
	s10 =	sld [smem:$0x3FB6];
	_ =	sdelay $0x3  }
0x34: {  	[smem:$0x3FB6] =	sst s10  }
0x35: {  	s10 =	sld [smem:$0x3FB5];
	_ =	sdelay $0x3  }
0x36: {  	p1 =	seq.s32 s10, $0x1;
	s10 =	sld [smem:$0x3FB6];
	_ =	sdelay $0x3  }
0x37: {  	[smem:$0x3FB6] =	sst s10  }
0x38: {  	s10 =	sld [smem:$0x3FB7]  }
0x39: {  	_ = 	snop;
	(pc) =	sbr.ind lr, $3  }
0x3a: {  	_ = 	snop  }
0x3b: {  	_ = 	snop  }
0x3c: {  	p2 =	seq.s32 s10, $0x1;
	s10 =	sld [smem:$0x3FB6]  }
0x3d: {  	_ =	shalt  }
0x3e: {  	_ =	shalt  }
0x3f: {  	_ =	shalt  }
0x40: {  	_ =	shalt  }
0x41: {  	_ =	shalt  }
0x42: {  	_ =	shalt  }
0x43: {  	_ =	shalt  }
0x44: {  	_ =	shalt  }
0x45: {  	_ =	shalt  }
0x46: {  	_ =	shalt  }
0x47: {  	_ =	shalt  }
0x48: {  	_ =	shalt  }
0x49: {  	_ =	shalt  }
0x4a: {  	_ =	shalt  }
0x4b: {  	_ =	shalt  }
0x4c: {  	_ =	shalt  }
0x4d: {  	_ =	shalt  }
0x4e: {  	_ =	shalt  }
0x4f: {  	_ =	shalt  }
0x50: {  	_ =	shalt  }
0x51: {  	_ =	shalt  }
0x52: {  	_ =	shalt  }
0x53: {  	_ =	shalt  }
0x54: {  	_ =	shalt  }
0x55: {  	_ =	shalt  }
0x56: {  	_ =	shalt  }
0x57: {  	_ =	shalt  }
0x58: {  	_ =	shalt  }
0x59: {  	_ =	shalt  }
0x5a: {  	_ =	shalt  }
0x5b: {  	_ =	shalt  }
0x5c: {  	_ =	shalt  }
0x5d: {  	_ =	shalt  }
0x5e: {  	_ =	shalt  }
0x5f: {  	_ =	shalt  }
0x60: {  	_ =	shalt  }
0x61: {  	_ =	shalt  }
0x62: {  	_ =	shalt  }
0x63: {  	_ =	shalt  }
0x64: {  	_ =	shalt  }
0x65: {  	_ =	shalt  }
0x66: {  	_ =	shalt  }
0x67: {  	_ =	shalt  }
0x68: {  	_ =	shalt  }
0x69: {  	_ =	shalt  }
0x6a: {  	_ =	shalt  }
0x6b: {  	_ =	shalt  }
0x6c: {  	_ =	shalt  }
0x6d: {  	_ =	shalt  }
0x6e: {  	_ =	shalt  }
0x6f: {  	_ =	shalt  }
0x70: {  	_ =	shalt  }
0x71: {  	_ =	shalt  }
0x72: {  	_ =	shalt  }
0x73: {  	_ =	shalt  }
0x74: {  	_ =	shalt  }
0x75: {  	_ =	shalt  }
0x76: {  	_ =	shalt  }
0x77: {  	_ =	shalt  }
0x78: {  	_ =	shalt  }
0x79: {  	_ =	shalt  }
0x7a: {  	_ =	shalt  }
0x7b: {  	_ =	shalt  }
0x7c: {  	_ =	shalt  }
0x7d: {  	_ =	shalt  }
0x7e: {  	_ =	shalt  }
0x7f: {  	_ =	shalt  }
0x80: {  	_ =	shalt  }
0x81: {  	_ =	shalt  }
0x82: {  	_ =	shalt  }
0x83: {  	_ =	shalt  }
0x84: {  	_ =	shalt  }
0x85: {  	_ =	shalt  }
0x86: {  	_ =	shalt  }
0x87: {  	_ =	shalt  }
.Lfunc_end0:
.L_simem_size_0:
called_computation.2_lowered:
.L_overlay_start_0:
0x88: {  	s2 =	sld [smem:$0x3FD9]  }
0x89: {  	s3 =	sld [smem:$0x3FFE];
	_ =	sdelay $0x1  }
0x8a: {  	s1 =	srdreg.scid  }
0x8b: {  	s0 =	sand.u32 $0x1, s1  }
0x8c: {  	s17 =	sshll.u32 s0, $0xA;
	s2 =	sadd.s32 s3, s2  }
0x8d: {  	s2 =	sadd.s32 s2, s17  }
0x8e: {  	[smem:$0x3FC2] =	sst s2  }
0x8f: {  	_ = 	snop  }
0x90: {  	s2 =	sld [smem:$0x3FD0];
	(tm) =	ssettm $0x1  }
0x91: {  	s18 =	sld [smem:$0x3FFB];
	_ =	sdelay $0x3  }
0x92: {  	_ =	strace s18  }
0x93: {  	s3 =	sld [smem:$0x3FFC];
	_ =	sdelay $0x3  }
0x94: {  	_ =	strace s3  }
0x95: {  	s3 =	sld [smem:$0x3FFD];
	_ =	sdelay $0x3  }
0x96: {  	_ =	strace s3  }
0x97: {  	_ =	strace $0x8FFFFFFF  }
0x98: {  	s19 =	sld [smem:$0x3FDB];
	_ =	sdelay $0x1  }
0x99: {  	s4 =	simm.s32 $_scs_section_size  }
0x9a: {  	s5 =	simm.s32 $_size__tile_overlayer_lowered;
	s6 =	simm.s32 $_tile_overlayer_lowered  }
0x9b: {  	s22 =	simm.s32 $0x1BFF;
	s21 =	sshll.u32 s6, $0x1;
	s3 =	sadd.s32 s4, s19  }
0x9c: {  	s7 =	simm.s32 $0x0;
	s20 =	sshll.u32 s5, $0x1;
	s5 =	sadd.s32 s21, s3  }
0x9d: {  	[timem:s7], [sflag:s22] =	dma.local [hbm:s5], s20  }
0x9e: {  	_ =	swait.ge [sflag:s22], s20  }
0x9f: {  	s4 =	ssub.s32 $0x0, s20;
	[sflag:s22] =	ssyncset.done $0x0  }
0xa0: {  	[sflag:s22] =	ssyncadd.s32 s4;
	_ =	sdelay $0x1  }
0xa1: {  	s23 =	simm.s32 $0x1B8B  }
0xa2: {  	_ =	swait.ge [sflag:s23], $0x1  }
0xa3: {  	[sflag:s23] =	ssyncset.done $0x0  }
0xa4: {  	s25 =	simm.s32 $0x1B8E;
	s24 =	sld [smem:$0x3FFE];
	[sflag:s23] =	ssyncadd.s32 $0xFFFFFFFF  }
0xa5: {  	s26 =	simm.s32 $execute0_lowered;
	[smem:$0x3FD2] =	sst s25  }
0xa6: {  	s5 =	sshll.u32 s26, $0x1;
	_ =	strace $0x8000004C;
	[dreg:$0x1] =	wrdreg $0xFFFFFFFF  }
0xa7: {  	s28 =	simm.s32 $_size_execute0_lowered;
	s3 =	sadd.s32 s3, s5;
	[dreg:$0x0] =	wrdreg $0x0  }
0xa8: {  	s5 =	sshll.u32 s28, $0x1;
	[dreg:$0x2] =	wrdreg s3  }
0xa9: {  	[dreg:$0x3] =	wrdreg s5  }
0xaa: {  	[dreg:$0x4] =	wrdreg $0xC0  }
0xab: {  	_ =	task [dreg:s7], $0x5FFFF  }
0xac: {  	[dreg:$0x1] =	wrdreg $0xFFFFFFFF  }
0xad: {  	[dreg:$0x0] =	wrdreg $0x60  }
0xae: {  	[dreg:$0x2] =	wrdreg s24  }
0xaf: {  	[dreg:$0x3] =	wrdreg s2  }
0xb0: {  	[dreg:$0x4] =	wrdreg $0x70000  }
0xb1: {  	[dreg:$0x5] =	wrdreg $0x98000  }
0xb2: {  	[dreg:$0x6] =	wrdreg $0x9  }
0xb3: {  	_ =	task.clear_ibuf [dreg:s7], $0x7FFFF;
	_ =	strace $0x9000004C  }
0xb4: {  	s29 =	simm.s32 $0x9;
	_ =	strace $0x8000004E  }
0xb5: {  	_ =	swait.ge [sflag:s29], $0x1  }
0xb6: {  	[sflag:s29] =	ssyncadd.s32 $0xFFFFFFFF  }
0xb7: {  	_ =	strace $0x9000004E  }
0xb8: {  	_ =	sfence  }
0xb9: {  	s30 =	sld [smem:$0x0];
	_ =	sdelay $0x2  }
0xba: {  	s31 =	sshll.u32 s1, $0xD;
	s1 =	sshrl.u32 s1, $0x2  }
0xbb: {  	s3 =	sand.u32 $0x4000, s31;
	s1 =	sadd.s32 s1, s30  }
0xbc: {  	s0 =	sor.u32 s3, s0;
	s1 =	sshll.u32 s1, $0x11  }
0xbd: {  	s0 =	sor.u32 s1, s0  }
0xbe: {  	s0 =	sadd.s32 $0x8F2B, s0  }
0xbf: {  	[sflag:s0] =	ssyncadd.remote.s32 $0x1  }
0xc0: {  	_ =	sfence.sel $0xFFFF  }
0xc1: {  	[dreg:$0x0] =	wrdreg $0xFFFFFFFF;
	(pc) =	sbr.abs _section_cstart, $3  }
0xc2: {  	[dreg:$0x1] =	wrdreg $0xFFFFFFFF  }
0xc3: {  	_ =	task.clear_ibuf [dreg:s7], $0x2FFFF;
	_ =	strace $0x9FFFFFFF  }
0xc4: {  	(tm) =	ssettm $0x7FFFFFFF  }
0xc5: {  	_ =	shalt  }
tec
execute0_lowered:
.L_overlay_start_1:
0x0: {  	(tag) =	ssettag $0x1  }
0x1: {  	s1 =	rddreg [dreg:$0x0]  }
0x2: {  	s0 =	srdreg.scid;
	s5 =	rddreg [dreg:$0x1]  }
0x3: {  	s12 =	stileid.u32;
	s2 =	rddreg [dreg:$0x2]  }
0x4: {  	s20 =	simm.s32 $0x5000;
	s21 =	simm.s32 $0xC;
	s22 =	simm.s32 $0x9  }
0x5: {  	s23 =	simm.s32 $0xA;
	s24 =	simm.s32 $0xB;
	s28 =	simm.s32 $0x5800  }
0x6: {  	s30 =	simm.s32 $0x6000;
	s29 =	simm.s32 $0x3;
	s7 =	smul.u32 $0x2800, s12  }
0x7: {  	s31 =	simm.s32 $0x4;
	s0 =	sand.u32 $0x1, s0;
	s13 =	smul.u32 $0xA000, s12  }
0x8: {  	s11 =	sadd.s32 $0x2200, s1;
	s3 =	sshll.u32 s0, $0x4;
	s8 =	smul.u32 $0x28000, s0  }
0x9: {  	s0 =	ssub.s32 $0x2, s0;
	s4 =	sor.u32 s12, s3;
	s3 =	rddreg [dreg:$0x3]  }
0xa: {  	s9 =	sshrl.u32 s7, $0x3;
	s15 =	sadd.s32 s7, s2;
	s16 =	sshrl.u32 s13, $0x2  }
0xb: {  	s6 =	smul.u32 $0x500, s4;
	s4 =	simm.s32 $0x0;
	s9 =	sadd.s32 s9, s1  }
0xc: {  	s8 =	sadd.s32 s7, s8;
	s18 =	sadd.s32 s7, s3;
	s19 =	sshrl.u32 s15, $0x3  }
0xd: {  	s7 =	simm.s32 $0x7;
	[smem:$0x7FF] =	sst s4;
	s8 =	sshrl.u32 s8, $0x3  }
0xe: {  	s9 =	sadd.s32 $0x34400, s9;
	_ =	strace $0x8000004D;
	s10 =	sadd.s32 s6, s1  }
0xf: {  	[dreg:$0x5] =	wrdreg s11;
	s1 =	sadd.s32 s8, s1;
	s11 =	sshrl.u32 s0, $0x1  }
0x10: {  	s5 =	sadd.s32 s5, s6;
	s8 =	sshll.u32 s12, $0x6;
	[dreg:$0x8] =	wrdreg s9  }
0x11: {  	s6 =	simm.s32 $0x6;
	s9 =	simm.s32 $0x8;
	s12 =	simm.s32 $0x0  }
0x12: {  	s0 =	ssub.s32 s0, s11;
	[dreg:$0x6] =	wrdreg s5;
	s14 =	sadd.s32 $0x2400, s10  }
0x13: {  	s17 =	sor.u32 $0x1C0B, s8;
	s11 =	sadd.s32 s16, s3;
	[dreg:$0x7] =	wrdreg s14  }
0x14: {  	s1 =	sadd.s32 $0x39400, s1;
	s5 =	simm.s32 $0x5;
	[dreg:$0x9] =	wrdreg s17  }
0x15: {  	s10 =	simm.s32 $0x2780;
	[dreg:$0xa] =	wrdreg s1;
	s0 =	smax.u32 s0, $0x1  }
0x16: {  	s25 =	sadd.s32 $0x800, s11;
	s26 =	sadd.s32 $0x1000, s11;
	[dreg:$0xb] =	wrdreg s0  }
0x17: {  	s16 =	sadd.s32 $0x1800, s11;
	s17 =	sadd.s32 $0x2000, s11;
	[dreg:$0xc] =	wrdreg s25  }
0x18: {  	s1 =	simm.s32 $0x6800;
	[dreg:$0xd] =	wrdreg s26;
	s25 =	sshrl.u32 s18, $0x3  }
0x19: {  	s26 =	simm.s32 $0x80;
	s0 =	simm.s32 $0x1;
	s18 =	simm.s32 $0x2  }
.LBB2_1:
0x1a: {  	s13 =	rddreg [dreg:$0x6]  }
0x1b: {  	s14 =	simm.s32 $0x2800;
	s15 =	rddreg [dreg:$0x7]  }
0x1c: {  	[tilespmem:s14], [sflag:$0x9] =	stream.linear.gather [hbm4b:s13+s4], $0x2800, $0x38;
	[tilespmem:$0xC000] =	vst v63  }
0x1d: {  	s14 =	rddreg [dreg:$0x8]  }
0x1e: {  	[tilespmem:s4], [sflag:$0xA] =	stream.linear.gather [hbm4b:s15+s4], $0x2800, $0x38;
	[tilespmem:$0xC000] =	vst v63  }
0x1f: {  	s15 =	rddreg [dreg:$0x9]  }
0x20: {  	[spmem:s19], [sflag:s15] =	dma.local [hbm:s14], $0x500  }
0x21: {  	s13 =	rddreg [dreg:$0x5]  }
0x22: {  	[tilespmem:s20], [sflag:$0xC] =	stream.linear.gather [hbm4b:s13+s4], $0x800, $0x38;
	[tilespmem:$0xC000] =	vst v63  }
0x23: {  	_ =	swait.ge [sflag:s21], $0x800  }
0x24: {  	[sflag:s21] =	ssyncset.done $0x0  }
0x25: {  	[sflag:s21] =	ssyncadd.s32 $0xFFFFF800  }
0x26: {  	[spmem:s11] =	stream.linear.scatter [tilespmem:s20], [sflag:$0xC], $0x800, $0x38;
	[tilespmem:$0xC000] =	vst v63  }
0x27: {  	_ =	swait.ge [sflag:s21], $0x800  }
0x28: {  	[sflag:s21] =	ssyncset.done $0x0  }
0x29: {  	s15 =	rddreg [dreg:$0xc];
	[sflag:s21] =	ssyncadd.s32 $0xFFFFF800  }
0x2a: {  	[spmem:s15] =	stream.linear.scatter [tilespmem:s20], [sflag:$0xC], $0x800, $0x38;
	[tilespmem:$0xC000] =	vst v63  }
0x2b: {  	_ =	swait.ge [sflag:s21], $0x800  }
0x2c: {  	[sflag:s21] =	ssyncset.done $0x0  }
0x2d: {  	s14 =	rddreg [dreg:$0xd];
	[sflag:s21] =	ssyncadd.s32 $0xFFFFF800  }
0x2e: {  	[spmem:s14] =	stream.linear.scatter [tilespmem:s20], [sflag:$0xC], $0x800, $0x38;
	[tilespmem:$0xC000] =	vst v63  }
0x2f: {  	_ =	swait.ge [sflag:s21], $0x800  }
0x30: {  	[sflag:s21] =	ssyncset.done $0x0  }
0x31: {  	[sflag:s21] =	ssyncadd.s32 $0xFFFFF800  }
0x32: {  	[spmem:s16] =	stream.linear.scatter [tilespmem:s20], [sflag:$0xC], $0x800, $0x38;
	[tilespmem:$0xC000] =	vst v63  }
0x33: {  	_ =	swait.ge [sflag:s21], $0x800  }
0x34: {  	[sflag:s21] =	ssyncset.done $0x0  }
0x35: {  	[sflag:s21] =	ssyncadd.s32 $0xFFFFF800  }
0x36: {  	[spmem:s17] =	stream.linear.scatter [tilespmem:s20], [sflag:$0xC], $0x800, $0x38;
	[tilespmem:$0xC000] =	vst v63  }
0x37: {  	_ =	swait.ge [sflag:s21], $0x800  }
0x38: {  	[sflag:s21] =	ssyncset.done $0x0  }
0x39: {  	[sflag:s21] =	ssyncadd.s32 $0xFFFFF800  }
0x3a: {  	_ =	swait.ge [sflag:s22], $0x2800  }
0x3b: {  	[sflag:s22] =	ssyncset.done $0x0  }
0x3c: {  	[sflag:s22] =	ssyncadd.s32 $0xFFFFD800  }
0x3d: {  	_ =	swait.ge [sflag:s23], $0x2800  }
0x3e: {  	[sflag:s23] =	ssyncset.done $0x0  }
0x3f: {  	[sflag:s23] =	ssyncadd.s32 $0xFFFFD800  }
0x40: {  	_ =	swait.ge [sflag:s24], $0x500  }
0x41: {  	[sflag:s24] =	ssyncset.done $0x0  }
0x42: {  	[sflag:s24] =	ssyncadd.s32 $0xFFFFFB00  }
0x43: {  	[bflag:$0x0] =	sbarrier.arrive $0xFFFF  }
0x44: {  	[tilespmem:s20], [sflag:$0x1] =	stream.indirect.gather [spmem:s2], $0x10, s4, s26, $0xb8;
	[tilespmem:$0xC000] =	vst v63  }
0x45: {  	_ = 	snop  }
0x46: {  	[tilespmem:s28], [sflag:$0x2] =	stream.indirect.gather [spmem:s2], $0x10, s26, s26, $0xb8;
	[tilespmem:$0xC000] =	vst v63  }
0x47: {  	s15 =	simm.s32 $0x100  }
0x48: {  	[tilespmem:s30], [sflag:$0x3] =	stream.indirect.gather [spmem:s2], $0x10, s15, s26, $0xb8;
	[tilespmem:$0xC000] =	vst v63  }
0x49: {  	s14 =	simm.s32 $0x180  }
0x4a: {  	[tilespmem:s1], [sflag:$0x4] =	stream.indirect.gather [spmem:s2], $0x10, s14, s26, $0xb8;
	[tilespmem:$0xC000] =	vst v63  }
0x4b: {  	_ =	swait.ge [sflag:s0], $0x800  }
0x4c: {  	[sflag:s0] =	ssyncset.done $0x0  }
0x4d: {  	s15 =	simm.s32 $0x2800;
	[sflag:s0] =	ssyncadd.s32 $0xFFFFF800  }
0x4e: {  	[spmem:s3] =	stream.indirect.scatter.add.f32 [tilespmem:s20], [sflag:$0x5], $0x10, s15, s26, $0xb8;
	[tilespmem:$0xC000] =	vst v63  }
0x4f: {  	_ =	swait.ge [sflag:s18], $0x800  }
0x50: {  	[sflag:s18] =	ssyncset.done $0x0  }
0x51: {  	s14 =	simm.s32 $0x2880;
	[sflag:s18] =	ssyncadd.s32 $0xFFFFF800  }
0x52: {  	[spmem:s3] =	stream.indirect.scatter.add.f32 [tilespmem:s28], [sflag:$0x6], $0x10, s14, s26, $0xb8;
	[tilespmem:$0xC000] =	vst v63  }
0x53: {  	_ =	swait.ge [sflag:s29], $0x800  }
0x54: {  	[sflag:s29] =	ssyncset.done $0x0  }
0x55: {  	s15 =	simm.s32 $0x2900;
	[sflag:s29] =	ssyncadd.s32 $0xFFFFF800  }
0x56: {  	[spmem:s3] =	stream.indirect.scatter.add.f32 [tilespmem:s30], [sflag:$0x7], $0x10, s15, s26, $0xb8;
	[tilespmem:$0xC000] =	vst v63  }
0x57: {  	_ =	swait.ge [sflag:s31], $0x800  }
0x58: {  	[sflag:s31] =	ssyncset.done $0x0  }
0x59: {  	s14 =	simm.s32 $0x2980;
	[sflag:s31] =	ssyncadd.s32 $0xFFFFF800  }
0x5a: {  	[spmem:s3] =	stream.indirect.scatter.add.f32 [tilespmem:s1], [sflag:$0x8], $0x10, s14, s26, $0xb8;
	[tilespmem:$0xC000] =	vst v63  }
0x5b: {  	_ =	swait.ge [sflag:s5], $0x800  }
0x5c: {  	[sflag:s5] =	ssyncset.done $0x0  }
0x5d: {  	s15 =	simm.s32 $0x200;
	[sflag:s5] =	ssyncadd.s32 $0xFFFFF800  }
0x5e: {  	[tilespmem:s20], [sflag:$0x1] =	stream.indirect.gather [spmem:s2], $0x10, s15, s26, $0xb8;
	[tilespmem:$0xC000] =	vst v63  }
0x5f: {  	_ =	swait.ge [sflag:s6], $0x800  }
0x60: {  	[sflag:s6] =	ssyncset.done $0x0  }
0x61: {  	s14 =	simm.s32 $0x280;
	[sflag:s6] =	ssyncadd.s32 $0xFFFFF800  }
0x62: {  	[tilespmem:s28], [sflag:$0x2] =	stream.indirect.gather [spmem:s2], $0x10, s14, s26, $0xb8;
	[tilespmem:$0xC000] =	vst v63  }
0x63: {  	_ =	swait.ge [sflag:s7], $0x800  }
0x64: {  	[sflag:s7] =	ssyncset.done $0x0  }
0x65: {  	s15 =	simm.s32 $0x300;
	[sflag:s7] =	ssyncadd.s32 $0xFFFFF800  }
0x66: {  	[tilespmem:s30], [sflag:$0x3] =	stream.indirect.gather [spmem:s2], $0x10, s15, s26, $0xb8;
	[tilespmem:$0xC000] =	vst v63  }
0x67: {  	_ =	swait.ge [sflag:s9], $0x800  }
0x68: {  	[sflag:s9] =	ssyncset.done $0x0  }
0x69: {  	s13 =	simm.s32 $0x800;
	s14 =	simm.s32 $0x380;
	[sflag:s9] =	ssyncadd.s32 $0xFFFFF800  }
.LBB2_2:
0x6a: {  	[tilespmem:s1], [sflag:$0x4] =	stream.indirect.gather [spmem:s2], $0x10, s14, s26, $0xb8;
	[tilespmem:$0xC000] =	vst v63  }
0x6b: {  	s14 =	smov.u32 s13  }
0x6c: {  	p0 =	sne.s32 s13, $0x8800;
	s13 =	sadd.s32 $0x800, s13;
	_ =	swait.ge [sflag:s0], $0x800  }
0x6d: {  	s14 =	sshra.s32 s14, $0x2;
	[sflag:s0] =	ssyncset.done $0x0  }
0x6e: {  	s15 =	sadd.s32 $0x2800, s14;
	[sflag:s0] =	ssyncadd.s32 $0xFFFFF800  }
0x6f: {  	[spmem:s3] =	stream.indirect.scatter.add.f32 [tilespmem:s20], [sflag:$0x5], $0x10, s15, s26, $0xb8;
	[tilespmem:$0xC000] =	vst v63  }
0x70: {  	_ =	swait.ge [sflag:s18], $0x800  }
0x71: {  	[sflag:s18] =	ssyncset.done $0x0  }
0x72: {  	s15 =	sadd.s32 $0x2880, s14;
	[sflag:s18] =	ssyncadd.s32 $0xFFFFF800  }
0x73: {  	[spmem:s3] =	stream.indirect.scatter.add.f32 [tilespmem:s28], [sflag:$0x6], $0x10, s15, s26, $0xb8;
	[tilespmem:$0xC000] =	vst v63  }
0x74: {  	_ =	swait.ge [sflag:s29], $0x800  }
0x75: {  	[sflag:s29] =	ssyncset.done $0x0  }
0x76: {  	s15 =	sadd.s32 $0x2900, s14;
	[sflag:s29] =	ssyncadd.s32 $0xFFFFF800  }
0x77: {  	[spmem:s3] =	stream.indirect.scatter.add.f32 [tilespmem:s30], [sflag:$0x7], $0x10, s15, s26, $0xb8;
	[tilespmem:$0xC000] =	vst v63  }
0x78: {  	_ =	swait.ge [sflag:s31], $0x800  }
0x79: {  	[sflag:s31] =	ssyncset.done $0x0  }
0x7a: {  	s15 =	sadd.s32 $0x2980, s14;
	[sflag:s31] =	ssyncadd.s32 $0xFFFFF800  }
0x7b: {  	[spmem:s3] =	stream.indirect.scatter.add.f32 [tilespmem:s1], [sflag:$0x8], $0x10, s15, s26, $0xb8;
	[tilespmem:$0xC000] =	vst v63  }
0x7c: {  	_ =	swait.ge [sflag:s5], $0x800  }
0x7d: {  	[sflag:s5] =	ssyncset.done $0x0  }
0x7e: {  	s15 =	sadd.s32 $0x200, s14;
	[sflag:s5] =	ssyncadd.s32 $0xFFFFF800  }
0x7f: {  	[tilespmem:s20], [sflag:$0x1] =	stream.indirect.gather [spmem:s2], $0x10, s15, s26, $0xb8;
	[tilespmem:$0xC000] =	vst v63  }
0x80: {  	_ =	swait.ge [sflag:s6], $0x800  }
0x81: {  	[sflag:s6] =	ssyncset.done $0x0  }
0x82: {  	s15 =	sadd.s32 $0x280, s14;
	[sflag:s6] =	ssyncadd.s32 $0xFFFFF800  }
0x83: {  	[tilespmem:s28], [sflag:$0x2] =	stream.indirect.gather [spmem:s2], $0x10, s15, s26, $0xb8;
	[tilespmem:$0xC000] =	vst v63  }
0x84: {  	_ =	swait.ge [sflag:s7], $0x800  }
0x85: {  	[sflag:s7] =	ssyncset.done $0x0  }
.Ltmp0:
0x86: {  	s15 =	sadd.s32 $0x300, s14;
	[sflag:s7] =	ssyncadd.s32 $0xFFFFF800;
	(pc) =	sbr.rel @p0 .LBB2_2-.Ltmp0, $4  }
0x87: {  	[tilespmem:s30], [sflag:$0x3] =	stream.indirect.gather [spmem:s2], $0x10, s15, s26, $0xb8;
	[tilespmem:$0xC000] =	vst v63  }
0x88: {  	_ =	swait.ge [sflag:s9], $0x800  }
0x89: {  	[sflag:s9] =	ssyncset.done $0x0  }
0x8a: {  	s14 =	sadd.s32 $0x380, s14;
	[sflag:s9] =	ssyncadd.s32 $0xFFFFF800  }
0x8b: {  	[tilespmem:s1], [sflag:$0x4] =	stream.indirect.gather [spmem:s2], $0x10, s14, s26, $0xb8;
	[tilespmem:$0xC000] =	vst v63  }
0x8c: {  	_ =	swait.ge [sflag:s0], $0x800  }
0x8d: {  	[sflag:s0] =	ssyncset.done $0x0  }
0x8e: {  	s13 =	simm.s32 $0x4C00;
	[sflag:s0] =	ssyncadd.s32 $0xFFFFF800  }
0x8f: {  	[spmem:s3] =	stream.indirect.scatter.add.f32 [tilespmem:s20], [sflag:$0x5], $0x10, s13, s26, $0xb8;
	[tilespmem:$0xC000] =	vst v63  }
0x90: {  	_ =	swait.ge [sflag:s18], $0x800  }
0x91: {  	[sflag:s18] =	ssyncset.done $0x0  }
0x92: {  	s14 =	simm.s32 $0x4C80;
	[sflag:s18] =	ssyncadd.s32 $0xFFFFF800  }
0x93: {  	[spmem:s3] =	stream.indirect.scatter.add.f32 [tilespmem:s28], [sflag:$0x6], $0x10, s14, s26, $0xb8;
	[tilespmem:$0xC000] =	vst v63  }
0x94: {  	_ =	swait.ge [sflag:s29], $0x800  }
0x95: {  	[sflag:s29] =	ssyncset.done $0x0  }
0x96: {  	s15 =	simm.s32 $0x4D00;
	[sflag:s29] =	ssyncadd.s32 $0xFFFFF800  }
0x97: {  	[spmem:s3] =	stream.indirect.scatter.add.f32 [tilespmem:s30], [sflag:$0x7], $0x10, s15, s26, $0xb8;
	[tilespmem:$0xC000] =	vst v63  }
0x98: {  	_ =	swait.ge [sflag:s31], $0x800  }
0x99: {  	[sflag:s31] =	ssyncset.done $0x0  }
0x9a: {  	s14 =	simm.s32 $0x4D80;
	[sflag:s31] =	ssyncadd.s32 $0xFFFFF800  }
0x9b: {  	[spmem:s3] =	stream.indirect.scatter.add.f32 [tilespmem:s1], [sflag:$0x8], $0x10, s14, s26, $0xb8;
	[tilespmem:$0xC000] =	vst v63  }
0x9c: {  	_ =	swait.ge [sflag:s5], $0x800  }
0x9d: {  	[sflag:s5] =	ssyncset.done $0x0  }
0x9e: {  	s15 =	simm.s32 $0x2600;
	[sflag:s5] =	ssyncadd.s32 $0xFFFFF800  }
0x9f: {  	[tilespmem:s20], [sflag:$0x1] =	stream.indirect.gather [spmem:s2], $0x10, s15, s26, $0xb8;
	[tilespmem:$0xC000] =	vst v63  }
0xa0: {  	_ =	swait.ge [sflag:s6], $0x800  }
0xa1: {  	[sflag:s6] =	ssyncset.done $0x0  }
0xa2: {  	s14 =	simm.s32 $0x2680;
	[sflag:s6] =	ssyncadd.s32 $0xFFFFF800  }
0xa3: {  	[tilespmem:s28], [sflag:$0x2] =	stream.indirect.gather [spmem:s2], $0x10, s14, s26, $0xb8;
	[tilespmem:$0xC000] =	vst v63  }
0xa4: {  	_ =	swait.ge [sflag:s7], $0x800  }
0xa5: {  	[sflag:s7] =	ssyncset.done $0x0  }
0xa6: {  	s15 =	simm.s32 $0x2700;
	[sflag:s7] =	ssyncadd.s32 $0xFFFFF800  }
0xa7: {  	[tilespmem:s30], [sflag:$0x3] =	stream.indirect.gather [spmem:s2], $0x10, s15, s26, $0xb8;
	[tilespmem:$0xC000] =	vst v63  }
0xa8: {  	_ =	swait.ge [sflag:s9], $0x800  }
0xa9: {  	[sflag:s9] =	ssyncset.done $0x0  }
0xaa: {  	[sflag:s9] =	ssyncadd.s32 $0xFFFFF800  }
0xab: {  	[tilespmem:s1], [sflag:$0x4] =	stream.indirect.gather [spmem:s2], $0x10, s10, s26, $0xb8;
	[tilespmem:$0xC000] =	vst v63  }
0xac: {  	_ =	swait.ge [sflag:s0], $0x800  }
0xad: {  	[sflag:s0] =	ssyncset.done $0x0  }
0xae: {  	s14 =	simm.s32 $0x4E00;
	[sflag:s0] =	ssyncadd.s32 $0xFFFFF800  }
0xaf: {  	[spmem:s3] =	stream.indirect.scatter.add.f32 [tilespmem:s20], [sflag:$0x5], $0x10, s14, s26, $0xb8;
	[tilespmem:$0xC000] =	vst v63  }
0xb0: {  	_ =	swait.ge [sflag:s18], $0x800  }
0xb1: {  	[sflag:s18] =	ssyncset.done $0x0  }
0xb2: {  	s15 =	simm.s32 $0x4E80;
	[sflag:s18] =	ssyncadd.s32 $0xFFFFF800  }
0xb3: {  	[spmem:s3] =	stream.indirect.scatter.add.f32 [tilespmem:s28], [sflag:$0x6], $0x10, s15, s26, $0xb8;
	[tilespmem:$0xC000] =	vst v63  }
0xb4: {  	_ =	swait.ge [sflag:s29], $0x800  }
0xb5: {  	[sflag:s29] =	ssyncset.done $0x0  }
0xb6: {  	s14 =	simm.s32 $0x4F00;
	[sflag:s29] =	ssyncadd.s32 $0xFFFFF800  }
0xb7: {  	[spmem:s3] =	stream.indirect.scatter.add.f32 [tilespmem:s30], [sflag:$0x7], $0x10, s14, s26, $0xb8;
	[tilespmem:$0xC000] =	vst v63  }
0xb8: {  	_ =	swait.ge [sflag:s31], $0x800  }
0xb9: {  	[sflag:s31] =	ssyncset.done $0x0  }
0xba: {  	s15 =	simm.s32 $0x4F80;
	[sflag:s31] =	ssyncadd.s32 $0xFFFFF800  }
0xbb: {  	[spmem:s3] =	stream.indirect.scatter.add.f32 [tilespmem:s1], [sflag:$0x8], $0x10, s15, s26, $0xb8;
	[tilespmem:$0xC000] =	vst v63  }
0xbc: {  	_ =	swait.ge [sflag:s5], $0x800  }
0xbd: {  	[sflag:s5] =	ssyncset.done $0x0  }
0xbe: {  	[sflag:s5] =	ssyncadd.s32 $0xFFFFF800  }
0xbf: {  	[tilespmem:s20], [sflag:$0x1] =	stream.indirect.gather [spmem:s2], $0x10, s10, s26, $0xb8;
	[tilespmem:$0xC000] =	vst v63  }
0xc0: {  	_ =	swait.ge [sflag:s6], $0x800  }
0xc1: {  	[sflag:s6] =	ssyncset.done $0x0  }
0xc2: {  	[sflag:s6] =	ssyncadd.s32 $0xFFFFF800  }
0xc3: {  	[tilespmem:s28], [sflag:$0x2] =	stream.indirect.gather [spmem:s2], $0x10, s10, s26, $0xb8;
	[tilespmem:$0xC000] =	vst v63  }
0xc4: {  	_ =	swait.ge [sflag:s7], $0x800  }
0xc5: {  	[sflag:s7] =	ssyncset.done $0x0  }
0xc6: {  	[sflag:s7] =	ssyncadd.s32 $0xFFFFF800  }
0xc7: {  	[tilespmem:s30], [sflag:$0x3] =	stream.indirect.gather [spmem:s2], $0x10, s10, s26, $0xb8;
	[tilespmem:$0xC000] =	vst v63  }
0xc8: {  	_ =	swait.ge [sflag:s9], $0x800  }
0xc9: {  	[sflag:s9] =	ssyncset.done $0x0  }
0xca: {  	[sflag:s9] =	ssyncadd.s32 $0xFFFFF800  }
0xcb: {  	[tilespmem:s1], [sflag:$0x4] =	stream.indirect.gather [spmem:s2], $0x10, s10, s26, $0xb8;
	[tilespmem:$0xC000] =	vst v63  }
0xcc: {  	_ =	swait.ge [sflag:s0], $0x800  }
0xcd: {  	[sflag:s0] =	ssyncset.done $0x0  }
0xce: {  	[sflag:s0] =	ssyncadd.s32 $0xFFFFF800  }
0xcf: {  	_ =	swait.ge [sflag:s18], $0x800  }
0xd0: {  	[sflag:s18] =	ssyncset.done $0x0  }
0xd1: {  	[sflag:s18] =	ssyncadd.s32 $0xFFFFF800  }
0xd2: {  	_ =	swait.ge [sflag:s29], $0x800  }
0xd3: {  	[sflag:s29] =	ssyncset.done $0x0  }
0xd4: {  	[sflag:s29] =	ssyncadd.s32 $0xFFFFF800  }
0xd5: {  	_ =	swait.ge [sflag:s31], $0x800  }
0xd6: {  	[sflag:s31] =	ssyncset.done $0x0  }
0xd7: {  	[sflag:s31] =	ssyncadd.s32 $0xFFFFF800  }
0xd8: {  	[bflag:$0x0] =	sbarrier.arrive $0xFFFF  }
0xd9: {  	s14 =	sor.u32 $0x1C0C, s8;
	s15 =	rddreg [dreg:$0xa]  }
0xda: {  	[hbm:s15], [sflag:s14] =	dma.local [spmem:s25], $0x500  }
0xdb: {  	_ =	swait.ge [sflag:s21], $0x500  }
0xdc: {  	s12 =	sadd.s32 $0x1, s12;
	s15 =	rddreg [dreg:$0xb]  }
0xdd: {  	p0 =	sne.s32 s12, s15  }
.Ltmp1:
0xde: {  	_ = 	snop;
	(pc) =	sbr.rel @p0 .LBB2_1-.Ltmp1, $3  }
0xdf: {  	_ =	sdelay $0x1  }
0xe0: {  	[sflag:s21] =	ssyncset.done $0x0  }
0xe1: {  	[sflag:s21] =	ssyncadd.s32 $0xFFFFFB00  }
0xe2: {  	_ =	sfence.sel $0x180000  }
0xe3: {  	[bflag:$0x0] =	sbarrier.arrive $0xFFFF  }
0xe4: {  	_ =	strace $0x9000004D  }
0xe5: {  	s0 =	stileid.u32;
	[bflag:$0x2] =	sbarrier.arrive $0xFFFF  }
0xe6: {  	p0 =	sne.s32 s0, $0x0;
	s0 =	rddreg [dreg:$0x4]  }
0xe7: {  	s0 =	sadd.s32 @!p0 $0x100000, s0  }
0xe8: {  	[sflag:s0] =	ssyncadd.tile.s32 @!p0 $0x1;
	_ =	shalt  }
.Lfunc_end2:
_tile_overlayer_lowered:
.L_overlay_start_2:
0xe9: {  	(tag) =	ssettag $0x2  }
0xea: {  	s0 =	rddreg [dreg:$0x0];
	s2 =	stileid.u32  }
0xeb: {  	s1 =	rddreg [dreg:$0x1];
	p0 =	sne.s32 s2, $0x0  }
0xec: {  	s3 =	rddreg [dreg:$0x2];
	[bflag:$0x3] =	sbarrier.arrive $0xFFFF;
	s2 =	simm.s32 @!p0 $0x1C0C  }
0xed: {  	[timem:s3], [sflag:s2] =	dma.local @!p0 [hbm:s0], s1  }
0xee: {  	s0 =	simm.s32 @!p0 $0xC  }
0xef: {  	_ =	swait.ge @!p0 [sflag:s0], s1  }
0xf0: {  	s1 =	ssub.s32 @!p0 $0x0, s1;
	[sflag:s0] =	ssyncset.done @!p0 $0x0  }
0xf1: {  	[sflag:s0] =	ssyncadd.s32 @!p0 s1  }
0xf2: {  	[bflag:$0x3] =	sbarrier.arrive $0xFFFF  }
0xf3: {  	_ =	shalt  }

// kernel: kernel.8.cloned.1.call-start
scs
__scs_entry_jumppad:
0x0: {  	(pc) =	sbr.rel $0x88, $3  }
0x1: {  	(tag) =	ssettag $0x0;
	lr =	simm.s32 $0x1  }
0x2: {  	[smem:$0x3F9B] =	sst lr;
	_ =	strace $0xD0000000  }
0x3: {  	_ = 	snop  }
0x4: {  	_ = 	snop  }
0x5: {  	_ = 	snop  }
0x6: {  	_ = 	snop  }
0x7: {  	_ = 	snop  }
__scs_overlays_trampoline_lowered:
0x8: {  	[smem:$0x3FAA] =	sst s0  }
0x9: {  	[smem:$0x3FAB] =	sst s1  }
0xa: {  	[smem:$0x3FAC] =	sst s2  }
0xb: {  	[smem:$0x3FAD] =	sst s3  }
0xc: {  	[smem:$0x3FAE] =	sst s4  }
0xd: {  	[smem:$0x3FAF] =	sst s5  }
0xe: {  	[smem:$0x3FB0] =	sst s6  }
0xf: {  	[smem:$0x3FB1] =	sst s7  }
0x10: {  	[smem:$0x3FB2] =	sst s8  }
0x11: {  	[smem:$0x3FB3] =	sst s9;
	s0 =	simm.s32 @!p0 $0x0  }
0x12: {  	s1 =	sld [smem:$0x3F99];
	s0 =	simm.s32 @p0 $0x1  }
0x13: {  	[smem:$0x3FB4] =	sst s0;
	s0 =	simm.s32 @!p1 $0x0  }
0x14: {  	s2 =	sld [smem:$0x3F98];
	s0 =	simm.s32 @p1 $0x1  }
0x15: {  	[smem:$0x3FB5] =	sst s0;
	s0 =	simm.s32 @!p2 $0x0  }
0x16: {  	s3 =	sld [smem:$0x3FDB];
	s0 =	simm.s32 @p2 $0x1  }
0x17: {  	s4 =	simm.s32 $0x1BF5;
	[smem:$0x3FB7] =	sst s0  }
0x18: {  	s0 =	sld [smem:$0x3F9A];
	_ =	swait.ge [sflag:s4], $0x0  }
0x19: {  	s7 =	sld [smem:$0x3F9B]  }
0x1a: {  	s8 =	sadd.s32 $0xFFFFE003, lr  }
0x1b: {  	s9 =	sadd.s32 $0xFFFFFEF7, lr;
	s5 =	simm.s32 $0xFFFFFFFF;
	p2 =	slt.u32 s8, $0xFFFFF086  }
0x1c: {  	p1 =	slt.u32 s9, $0xF7A;
	s5 =	simm.s32 @!p2 $0x0  }
0x1d: {  	s5 =	simm.s32 @p1 $0x1;
	p0 =	seq.s32 s7, s2  }
0x1e: {  	s7 =	smul.u32 @!p0 $0xF7A, s2;
	p2 =	seq.s32 @!p0 s5, $0x0  }
0x1f: {  	s9 =	smul.u32 $0xF7A, s1;
	s8 =	simm.s32 @!p0 $0x1BF5;
	p2 =	por !p2, p0  }
0x20: {  	[sflag:s8] =	ssyncset.s32 @!p0 $0xFFFFF086;
	s6 =	sadd.s32 @!p0 s3, s7;
	s7 =	simm.s32 @!p0 $0x108  }
0x21: {  	s3 =	sadd.s32 s3, s9;
	s6 =	sadd.s32 @!p0 $0x88, s6;
	s7 =	simm.s32 @p2 $0x1082  }
0x22: {  	[simem:s7], [sflag:s8] =	dma.local @!p0 [hbm:s6], $0xF7A  }
0x23: {  	s9 =	sor.u32 $0xD0000000, s2;
	s6 =	simm.s32 $0x108;
	_ =	swait.ge @!p0 [sflag:s8], $0x0  }
0x24: {  	s3 =	sadd.s32 $0x88, s3;
	s6 =	simm.s32 @!p1 $0x1082;
	[sflag:s4] =	ssyncset.s32 $0xFFFFF086  }
0x25: {  	[simem:s6], [sflag:s4] =	dma.local [hbm:s3], $0xF7A  }
0x26: {  	[smem:$0x3F9B] =	sst s1;
	(tag) =	ssettag s2;
	_ =	strace s9  }
0x27: {  	s1 =	sld [smem:$0x3FAB]  }
0x28: {  	s2 =	sld [smem:$0x3FAC]  }
0x29: {  	s4 =	sld [smem:$0x3FAE]  }
0x2a: {  	p0 =	seq.s32 s5, $0x0;
	s5 =	sld [smem:$0x3FAF]  }
0x2b: {  	s6 =	sld [smem:$0x3FB0]  }
0x2c: {  	s7 =	sld [smem:$0x3FB1]  }
0x2d: {  	s3 =	simm.s32 $0x108;
	s8 =	sld [smem:$0x3FB2]  }
0x2e: {  	s3 =	simm.s32 @!p0 $0x1082;
	s9 =	sld [smem:$0x3FB3]  }
0x2f: {  	lr =	sadd.s32 s0, s3;
	s0 =	sld [smem:$0x3FAA]  }
0x30: {  	s3 =	sld [smem:$0x3FAD]  }
0x31: {  	[smem:$0x3FB6] =	sst s10  }
0x32: {  	s10 =	sld [smem:$0x3FB4];
	_ =	sdelay $0x3  }
0x33: {  	p0 =	seq.s32 s10, $0x1;
	s10 =	sld [smem:$0x3FB6];
	_ =	sdelay $0x3  }
0x34: {  	[smem:$0x3FB6] =	sst s10  }
0x35: {  	s10 =	sld [smem:$0x3FB5];
	_ =	sdelay $0x3  }
0x36: {  	p1 =	seq.s32 s10, $0x1;
	s10 =	sld [smem:$0x3FB6];
	_ =	sdelay $0x3  }
0x37: {  	[smem:$0x3FB6] =	sst s10  }
0x38: {  	s10 =	sld [smem:$0x3FB7]  }
0x39: {  	_ = 	snop;
	(pc) =	sbr.ind lr, $3  }
0x3a: {  	_ = 	snop  }
0x3b: {  	_ = 	snop  }
0x3c: {  	p2 =	seq.s32 s10, $0x1;
	s10 =	sld [smem:$0x3FB6]  }
0x3d: {  	_ =	shalt  }
0x3e: {  	_ =	shalt  }
0x3f: {  	_ =	shalt  }
0x40: {  	_ =	shalt  }
0x41: {  	_ =	shalt  }
0x42: {  	_ =	shalt  }
0x43: {  	_ =	shalt  }
0x44: {  	_ =	shalt  }
0x45: {  	_ =	shalt  }
0x46: {  	_ =	shalt  }
0x47: {  	_ =	shalt  }
0x48: {  	_ =	shalt  }
0x49: {  	_ =	shalt  }
0x4a: {  	_ =	shalt  }
0x4b: {  	_ =	shalt  }
0x4c: {  	_ =	shalt  }
0x4d: {  	_ =	shalt  }
0x4e: {  	_ =	shalt  }
0x4f: {  	_ =	shalt  }
0x50: {  	_ =	shalt  }
0x51: {  	_ =	shalt  }
0x52: {  	_ =	shalt  }
0x53: {  	_ =	shalt  }
0x54: {  	_ =	shalt  }
0x55: {  	_ =	shalt  }
0x56: {  	_ =	shalt  }
0x57: {  	_ =	shalt  }
0x58: {  	_ =	shalt  }
0x59: {  	_ =	shalt  }
0x5a: {  	_ =	shalt  }
0x5b: {  	_ =	shalt  }
0x5c: {  	_ =	shalt  }
0x5d: {  	_ =	shalt  }
0x5e: {  	_ =	shalt  }
0x5f: {  	_ =	shalt  }
0x60: {  	_ =	shalt  }
0x61: {  	_ =	shalt  }
0x62: {  	_ =	shalt  }
0x63: {  	_ =	shalt  }
0x64: {  	_ =	shalt  }
0x65: {  	_ =	shalt  }
0x66: {  	_ =	shalt  }
0x67: {  	_ =	shalt  }
0x68: {  	_ =	shalt  }
0x69: {  	_ =	shalt  }
0x6a: {  	_ =	shalt  }
0x6b: {  	_ =	shalt  }
0x6c: {  	_ =	shalt  }
0x6d: {  	_ =	shalt  }
0x6e: {  	_ =	shalt  }
0x6f: {  	_ =	shalt  }
0x70: {  	_ =	shalt  }
0x71: {  	_ =	shalt  }
0x72: {  	_ =	shalt  }
0x73: {  	_ =	shalt  }
0x74: {  	_ =	shalt  }
0x75: {  	_ =	shalt  }
0x76: {  	_ =	shalt  }
0x77: {  	_ =	shalt  }
0x78: {  	_ =	shalt  }
0x79: {  	_ =	shalt  }
0x7a: {  	_ =	shalt  }
0x7b: {  	_ =	shalt  }
0x7c: {  	_ =	shalt  }
0x7d: {  	_ =	shalt  }
0x7e: {  	_ =	shalt  }
0x7f: {  	_ =	shalt  }
0x80: {  	_ =	shalt  }
0x81: {  	_ =	shalt  }
0x82: {  	_ =	shalt  }
0x83: {  	_ =	shalt  }
0x84: {  	_ =	shalt  }
0x85: {  	_ =	shalt  }
0x86: {  	_ =	shalt  }
0x87: {  	_ =	shalt  }
.Lfunc_end0:
.L_simem_size_0:
called_computation_lowered:
.L_overlay_start_0:
0x88: {  	s2 =	sld [smem:$0x3FD9]  }
0x89: {  	s3 =	sld [smem:$0x3FFE];
	_ =	sdelay $0x1  }
0x8a: {  	s1 =	srdreg.scid  }
0x8b: {  	s0 =	sand.u32 $0x1, s1  }
0x8c: {  	s17 =	sshll.u32 s0, $0xA;
	s2 =	sadd.s32 s3, s2  }
0x8d: {  	s2 =	sadd.s32 s2, s17  }
0x8e: {  	[smem:$0x3FC2] =	sst s2  }
0x8f: {  	_ = 	snop  }
0x90: {  	s2 =	sld [smem:$0x3FD0];
	(tm) =	ssettm $0x1  }
0x91: {  	s18 =	sld [smem:$0x3FFB];
	_ =	sdelay $0x3  }
0x92: {  	_ =	strace s18  }
0x93: {  	s3 =	sld [smem:$0x3FFC];
	_ =	sdelay $0x3  }
0x94: {  	_ =	strace s3  }
0x95: {  	s3 =	sld [smem:$0x3FFD];
	_ =	sdelay $0x3  }
0x96: {  	_ =	strace s3  }
0x97: {  	_ =	strace $0x8FFFFFFF  }
0x98: {  	s19 =	sld [smem:$0x3FDB];
	_ =	sdelay $0x1  }
0x99: {  	s4 =	simm.s32 $_scs_section_size  }
0x9a: {  	s5 =	simm.s32 $_size__tile_overlayer_lowered;
	s6 =	simm.s32 $_tile_overlayer_lowered  }
0x9b: {  	s22 =	simm.s32 $0x1BFF;
	s21 =	sshll.u32 s6, $0x1;
	s3 =	sadd.s32 s4, s19  }
0x9c: {  	s7 =	simm.s32 $0x0;
	s20 =	sshll.u32 s5, $0x1;
	s5 =	sadd.s32 s21, s3  }
0x9d: {  	[timem:s7], [sflag:s22] =	dma.local [hbm:s5], s20  }
0x9e: {  	_ =	swait.ge [sflag:s22], s20  }
0x9f: {  	s4 =	ssub.s32 $0x0, s20;
	[sflag:s22] =	ssyncset.done $0x0  }
0xa0: {  	[sflag:s22] =	ssyncadd.s32 s4;
	_ =	sdelay $0x1  }
0xa1: {  	s23 =	simm.s32 $0x1B8B  }
0xa2: {  	_ =	swait.ge [sflag:s23], $0x1  }
0xa3: {  	[sflag:s23] =	ssyncset.done $0x0  }
0xa4: {  	s25 =	simm.s32 $0x1B8E;
	s24 =	sld [smem:$0x3FFE];
	[sflag:s23] =	ssyncadd.s32 $0xFFFFFFFF  }
0xa5: {  	s26 =	simm.s32 $execute0_lowered;
	[smem:$0x3FD2] =	sst s25  }
0xa6: {  	s5 =	sshll.u32 s26, $0x1;
	_ =	strace $0x80000046;
	[dreg:$0x1] =	wrdreg $0xFFFFFFFF  }
0xa7: {  	s28 =	simm.s32 $_size_execute0_lowered;
	s3 =	sadd.s32 s3, s5;
	[dreg:$0x0] =	wrdreg $0x0  }
0xa8: {  	s5 =	sshll.u32 s28, $0x1;
	[dreg:$0x2] =	wrdreg s3  }
0xa9: {  	[dreg:$0x3] =	wrdreg s5  }
0xaa: {  	[dreg:$0x4] =	wrdreg $0xC0  }
0xab: {  	_ =	task [dreg:s7], $0x5FFFF  }
0xac: {  	[dreg:$0x1] =	wrdreg $0xFFFFFFFF  }
0xad: {  	[dreg:$0x0] =	wrdreg $0x60  }
0xae: {  	[dreg:$0x2] =	wrdreg s2  }
0xaf: {  	[dreg:$0x3] =	wrdreg s24  }
0xb0: {  	[dreg:$0x4] =	wrdreg $0x48000  }
0xb1: {  	[dreg:$0x5] =	wrdreg $0x9  }
0xb2: {  	_ =	task.clear_ibuf [dreg:s7], $0x6FFFF;
	_ =	strace $0x90000046  }
0xb3: {  	s29 =	simm.s32 $0x9;
	_ =	strace $0x80000048  }
0xb4: {  	_ =	swait.ge [sflag:s29], $0x1  }
0xb5: {  	[sflag:s29] =	ssyncadd.s32 $0xFFFFFFFF  }
0xb6: {  	_ =	strace $0x90000048  }
0xb7: {  	_ =	sfence  }
0xb8: {  	s30 =	sld [smem:$0x0];
	_ =	sdelay $0x2  }
0xb9: {  	s31 =	sshll.u32 s1, $0xD;
	s1 =	sshrl.u32 s1, $0x2  }
0xba: {  	s3 =	sand.u32 $0x4000, s31;
	s1 =	sadd.s32 s1, s30  }
0xbb: {  	s0 =	sor.u32 s3, s0;
	s1 =	sshll.u32 s1, $0x11  }
0xbc: {  	s0 =	sor.u32 s1, s0  }
0xbd: {  	s0 =	sadd.s32 $0x8F2B, s0  }
0xbe: {  	[sflag:s0] =	ssyncadd.remote.s32 $0x1  }
0xbf: {  	_ =	sfence.sel $0xFFFF  }
0xc0: {  	[dreg:$0x0] =	wrdreg $0xFFFFFFFF;
	(pc) =	sbr.abs _section_cstart, $3  }
0xc1: {  	[dreg:$0x1] =	wrdreg $0xFFFFFFFF  }
0xc2: {  	_ =	task.clear_ibuf [dreg:s7], $0x2FFFF;
	_ =	strace $0x9FFFFFFF  }
0xc3: {  	(tm) =	ssettm $0x7FFFFFFF  }
tec
execute0_lowered:
.L_overlay_start_1:
0x0: {  	(tag) =	ssettag $0x1  }
0x1: {  	s5 =	rddreg [dreg:$0x0]  }
0x2: {  	s7 =	rddreg [dreg:$0x1]  }
0x3: {  	s2 =	rddreg [dreg:$0x2]  }
0x4: {  	s1 =	srdreg.scid;
	s3 =	simm.s32 $0x0;
	s14 =	simm.s32 $0x2800  }
0x5: {  	s15 =	simm.s32 $0x8;
	s16 =	simm.s32 $0x3000;
	s17 =	simm.s32 $0x3800  }
0x6: {  	s18 =	simm.s32 $0x4000;
	s19 =	simm.s32 $0x5;
	s20 =	simm.s32 $0x80  }
0x7: {  	s21 =	simm.s32 $0x100;
	s22 =	simm.s32 $0x180;
	s23 =	simm.s32 $0x1  }
0x8: {  	s24 =	simm.s32 $0x2;
	s26 =	simm.s32 $0x3;
	s4 =	sand.u32 $0x1, s1  }
0x9: {  	s28 =	simm.s32 $0x4;
	s1 =	stileid.u32;
	s6 =	smul.u32 $0x28000, s4  }
0xa: {  	s29 =	simm.s32 $0x0;
	[smem:$0x7FF] =	sst s3;
	s9 =	smul.u32 $0x2800, s1  }
0xb: {  	s8 =	sshll.u32 s4, $0x4;
	_ =	strace $0x80000047;
	s10 =	ssub.s32 $0x2, s4  }
0xc: {  	s11 =	smul.u32 $0xA000, s1;
	s4 =	sadd.s32 $0x2200, s7;
	s8 =	sor.u32 s1, s8  }
0xd: {  	s30 =	sshrl.u32 s10, $0x1;
	s6 =	sadd.s32 s9, s6;
	s8 =	smul.u32 $0x500, s8  }
0xe: {  	s10 =	ssub.s32 s10, s30;
	s31 =	sshrl.u32 s11, $0x2;
	s25 =	sadd.s32 s9, s2  }
0xf: {  	s6 =	sshrl.u32 s6, $0x3;
	s9 =	smax.u32 s10, $0x1;
	s25 =	sshrl.u32 s25, $0x3  }
0x10: {  	s12 =	sadd.s32 s6, s7;
	s5 =	sadd.s32 s5, s8;
	s6 =	sadd.s32 s31, s2  }
0x11: {  	s7 =	sadd.s32 $0x2300, s7;
	s8 =	sadd.s32 $0xC400, s12;
	s10 =	sadd.s32 $0x800, s6  }
0x12: {  	s11 =	sadd.s32 $0x1000, s6;
	s12 =	sadd.s32 $0x1800, s6;
	s13 =	sadd.s32 $0x2000, s6  }
.LBB2_1:
0x13: {  	[tilespmem:s3], [sflag:$0x5] =	stream.linear.gather [hbm4b:s5+s3], $0x2800, $0x38;
	[tilespmem:$0x7000] =	vst v63  }
0x14: {  	_ = 	snop  }
0x15: {  	[tilespmem:s14], [sflag:$0x8] =	stream.linear.gather [hbm4b:s4+s3], $0x800, $0x38;
	[tilespmem:$0x7000] =	vst v63  }
0x16: {  	_ =	swait.ge [sflag:s15], $0x800  }
0x17: {  	[sflag:s15] =	ssyncset.done $0x0  }
0x18: {  	[sflag:s15] =	ssyncadd.s32 $0xFFFFF800  }
0x19: {  	[spmem:s6] =	stream.linear.scatter [tilespmem:s14], [sflag:$0x8], $0x800, $0x38;
	[tilespmem:$0x7000] =	vst v63  }
0x1a: {  	_ =	swait.ge [sflag:s15], $0x800  }
0x1b: {  	[sflag:s15] =	ssyncset.done $0x0  }
0x1c: {  	[sflag:s15] =	ssyncadd.s32 $0xFFFFF800  }
0x1d: {  	[spmem:s10] =	stream.linear.scatter [tilespmem:s14], [sflag:$0x8], $0x800, $0x38;
	[tilespmem:$0x7000] =	vst v63  }
0x1e: {  	_ =	swait.ge [sflag:s15], $0x800  }
0x1f: {  	[sflag:s15] =	ssyncset.done $0x0  }
0x20: {  	[sflag:s15] =	ssyncadd.s32 $0xFFFFF800  }
0x21: {  	[spmem:s11] =	stream.linear.scatter [tilespmem:s14], [sflag:$0x8], $0x800, $0x38;
	[tilespmem:$0x7000] =	vst v63  }
0x22: {  	_ =	swait.ge [sflag:s15], $0x800  }
0x23: {  	[sflag:s15] =	ssyncset.done $0x0  }
0x24: {  	[sflag:s15] =	ssyncadd.s32 $0xFFFFF800  }
0x25: {  	[spmem:s12] =	stream.linear.scatter [tilespmem:s14], [sflag:$0x8], $0x800, $0x38;
	[tilespmem:$0x7000] =	vst v63  }
0x26: {  	_ =	swait.ge [sflag:s15], $0x800  }
0x27: {  	[sflag:s15] =	ssyncset.done $0x0  }
0x28: {  	[sflag:s15] =	ssyncadd.s32 $0xFFFFF800  }
0x29: {  	[spmem:s13] =	stream.linear.scatter [tilespmem:s14], [sflag:$0x8], $0x800, $0x38;
	[tilespmem:$0x7000] =	vst v63  }
0x2a: {  	_ =	swait.ge [sflag:s15], $0x800  }
0x2b: {  	[sflag:s15] =	ssyncset.done $0x0  }
0x2c: {  	[sflag:s15] =	ssyncadd.s32 $0xFFFFF800  }
0x2d: {  	[tilespmem:s14], [sflag:$0x8] =	stream.linear.gather [hbm4b:s7+s3], $0x800, $0x38;
	[tilespmem:$0x7000] =	vst v63  }
0x2e: {  	_ =	swait.ge [sflag:s15], $0x800  }
0x2f: {  	[sflag:s15] =	ssyncset.done $0x0  }
0x30: {  	[sflag:s15] =	ssyncadd.s32 $0xFFFFF800  }
0x31: {  	[tilespmem:s16], [sflag:$0x8] =	stream.linear.gather [hbm4b:s7+s3], $0x800, $0x38;
	[tilespmem:$0x7000] =	vst v63  }
0x32: {  	_ =	swait.ge [sflag:s15], $0x800  }
0x33: {  	[sflag:s15] =	ssyncset.done $0x0  }
0x34: {  	[sflag:s15] =	ssyncadd.s32 $0xFFFFF800  }
0x35: {  	[tilespmem:s17], [sflag:$0x8] =	stream.linear.gather [hbm4b:s7+s3], $0x800, $0x38;
	[tilespmem:$0x7000] =	vst v63  }
0x36: {  	_ =	swait.ge [sflag:s15], $0x800  }
0x37: {  	[sflag:s15] =	ssyncset.done $0x0  }
0x38: {  	[sflag:s15] =	ssyncadd.s32 $0xFFFFF800  }
0x39: {  	[tilespmem:s18], [sflag:$0x8] =	stream.linear.gather [hbm4b:s7+s3], $0x800, $0x38;
	[tilespmem:$0x7000] =	vst v63  }
0x3a: {  	_ =	swait.ge [sflag:s15], $0x800  }
0x3b: {  	[sflag:s15] =	ssyncset.done $0x0  }
0x3c: {  	[sflag:s15] =	ssyncadd.s32 $0xFFFFF800  }
0x3d: {  	_ =	swait.ge [sflag:s19], $0x2800  }
0x3e: {  	[sflag:s19] =	ssyncset.done $0x0  }
0x3f: {  	[sflag:s19] =	ssyncadd.s32 $0xFFFFD800  }
0x40: {  	[bflag:$0x0] =	sbarrier.arrive $0xFFFF  }
0x41: {  	[spmem:s2] =	stream.indirect.scatter.add.f32 [tilespmem:s14], [sflag:$0x1], $0x10, s3, s20, $0xb8;
	[tilespmem:$0x7000] =	vst v63  }
0x42: {  	_ = 	snop  }
0x43: {  	[spmem:s2] =	stream.indirect.scatter.add.f32 [tilespmem:s16], [sflag:$0x2], $0x10, s20, s20, $0xb8;
	[tilespmem:$0x7000] =	vst v63  }
0x44: {  	_ = 	snop  }
0x45: {  	[spmem:s2] =	stream.indirect.scatter.add.f32 [tilespmem:s17], [sflag:$0x3], $0x10, s21, s20, $0xb8;
	[tilespmem:$0x7000] =	vst v63  }
0x46: {  	_ = 	snop  }
0x47: {  	[spmem:s2] =	stream.indirect.scatter.add.f32 [tilespmem:s18], [sflag:$0x4], $0x10, s22, s20, $0xb8;
	[tilespmem:$0x7000] =	vst v63  }
0x48: {  	_ =	swait.ge [sflag:s23], $0x800  }
0x49: {  	[sflag:s23] =	ssyncset.done $0x0  }
0x4a: {  	s30 =	simm.s32 $0x200;
	[sflag:s23] =	ssyncadd.s32 $0xFFFFF800  }
0x4b: {  	[spmem:s2] =	stream.indirect.scatter.add.f32 [tilespmem:s14], [sflag:$0x1], $0x10, s30, s20, $0xb8;
	[tilespmem:$0x7000] =	vst v63  }
0x4c: {  	_ =	swait.ge [sflag:s24], $0x800  }
0x4d: {  	[sflag:s24] =	ssyncset.done $0x0  }
0x4e: {  	s30 =	simm.s32 $0x280;
	[sflag:s24] =	ssyncadd.s32 $0xFFFFF800  }
0x4f: {  	[spmem:s2] =	stream.indirect.scatter.add.f32 [tilespmem:s16], [sflag:$0x2], $0x10, s30, s20, $0xb8;
	[tilespmem:$0x7000] =	vst v63  }
0x50: {  	_ =	swait.ge [sflag:s26], $0x800  }
0x51: {  	[sflag:s26] =	ssyncset.done $0x0  }
0x52: {  	s30 =	simm.s32 $0x300;
	[sflag:s26] =	ssyncadd.s32 $0xFFFFF800  }
0x53: {  	[spmem:s2] =	stream.indirect.scatter.add.f32 [tilespmem:s17], [sflag:$0x3], $0x10, s30, s20, $0xb8;
	[tilespmem:$0x7000] =	vst v63  }
0x54: {  	_ =	swait.ge [sflag:s28], $0x800  }
0x55: {  	[sflag:s28] =	ssyncset.done $0x0  }
0x56: {  	s31 =	simm.s32 $0x380;
	s30 =	simm.s32 $0xFFFF7000;
	[sflag:s28] =	ssyncadd.s32 $0xFFFFF800  }
.LBB2_2:
0x57: {  	[spmem:s2] =	stream.indirect.scatter.add.f32 [tilespmem:s18], [sflag:$0x4], $0x10, s31, s20, $0xb8;
	[tilespmem:$0x7000] =	vst v63  }
0x58: {  	s31 =	smov.u32 s30  }
0x59: {  	p0 =	sne.s32 s30, $0xFFFFF800;
	s30 =	sadd.s32 $0x800, s30;
	_ =	swait.ge [sflag:s23], $0x800  }
0x5a: {  	s31 =	sshra.s32 s31, $0x2;
	[sflag:s23] =	ssyncset.done $0x0  }
0x5b: {  	s0 =	sadd.s32 $0x2800, s31;
	[sflag:s23] =	ssyncadd.s32 $0xFFFFF800  }
0x5c: {  	[spmem:s2] =	stream.indirect.scatter.add.f32 [tilespmem:s14], [sflag:$0x1], $0x10, s0, s20, $0xb8;
	[tilespmem:$0x7000] =	vst v63  }
0x5d: {  	_ =	swait.ge [sflag:s24], $0x800  }
0x5e: {  	[sflag:s24] =	ssyncset.done $0x0  }
0x5f: {  	s0 =	sadd.s32 $0x2880, s31;
	[sflag:s24] =	ssyncadd.s32 $0xFFFFF800  }
0x60: {  	[spmem:s2] =	stream.indirect.scatter.add.f32 [tilespmem:s16], [sflag:$0x2], $0x10, s0, s20, $0xb8;
	[tilespmem:$0x7000] =	vst v63  }
0x61: {  	_ =	swait.ge [sflag:s26], $0x800  }
0x62: {  	[sflag:s26] =	ssyncset.done $0x0  }
.Ltmp0:
0x63: {  	s0 =	sadd.s32 $0x2900, s31;
	[sflag:s26] =	ssyncadd.s32 $0xFFFFF800;
	(pc) =	sbr.rel @p0 .LBB2_2-.Ltmp0, $4  }
0x64: {  	[spmem:s2] =	stream.indirect.scatter.add.f32 [tilespmem:s17], [sflag:$0x3], $0x10, s0, s20, $0xb8;
	[tilespmem:$0x7000] =	vst v63  }
0x65: {  	_ =	swait.ge [sflag:s28], $0x800  }
0x66: {  	[sflag:s28] =	ssyncset.done $0x0  }
0x67: {  	s31 =	sadd.s32 $0x2980, s31;
	[sflag:s28] =	ssyncadd.s32 $0xFFFFF800  }
0x68: {  	[spmem:s2] =	stream.indirect.scatter.add.f32 [tilespmem:s18], [sflag:$0x4], $0x10, s31, s20, $0xb8;
	[tilespmem:$0x7000] =	vst v63  }
0x69: {  	_ =	swait.ge [sflag:s23], $0x800  }
0x6a: {  	[sflag:s23] =	ssyncset.done $0x0  }
0x6b: {  	[sflag:s23] =	ssyncadd.s32 $0xFFFFF800  }
0x6c: {  	_ =	swait.ge [sflag:s24], $0x800  }
0x6d: {  	[sflag:s24] =	ssyncset.done $0x0  }
0x6e: {  	[sflag:s24] =	ssyncadd.s32 $0xFFFFF800  }
0x6f: {  	_ =	swait.ge [sflag:s26], $0x800  }
0x70: {  	[sflag:s26] =	ssyncset.done $0x0  }
0x71: {  	[sflag:s26] =	ssyncadd.s32 $0xFFFFF800  }
0x72: {  	_ =	swait.ge [sflag:s28], $0x800  }
0x73: {  	s29 =	sadd.s32 $0x1, s29;
	[sflag:s28] =	ssyncset.done $0x0  }
0x74: {  	s0 =	sshll.u32 s1, $0x6;
	p0 =	sne.s32 s29, s9;
	[sflag:s28] =	ssyncadd.s32 $0xFFFFF800  }
.Ltmp1:
0x75: {  	s0 =	sor.u32 $0x1C08, s0;
	[bflag:$0x0] =	sbarrier.arrive $0xFFFF;
	(pc) =	sbr.rel @p0 .LBB2_1-.Ltmp1, $4  }
0x76: {  	[hbm:s8], [sflag:s0] =	dma.local [spmem:s25], $0x500  }
0x77: {  	_ =	swait.ge [sflag:s15], $0x500  }
0x78: {  	[sflag:s15] =	ssyncset.done $0x0  }
0x79: {  	[sflag:s15] =	ssyncadd.s32 $0xFFFFFB00  }
0x7a: {  	_ =	sfence.sel $0x180000  }
0x7b: {  	[bflag:$0x0] =	sbarrier.arrive $0xFFFF  }
0x7c: {  	_ =	strace $0x90000047  }
0x7d: {  	[bflag:$0x2] =	sbarrier.arrive $0xFFFF  }
0x7e: {  	p0 =	sne.s32 s1, $0x0;
	s0 =	rddreg [dreg:$0x3]  }
0x7f: {  	s0 =	sadd.s32 @!p0 $0x100000, s0  }
0x80: {  	[sflag:s0] =	ssyncadd.tile.s32 @!p0 $0x1;
	_ =	shalt  }
.Lfunc_end2:
_tile_overlayer_lowered:
.L_overlay_start_2:
0x81: {  	(tag) =	ssettag $0x2  }
0x82: {  	s0 =	rddreg [dreg:$0x0];
	s2 =	stileid.u32  }
0x83: {  	s1 =	rddreg [dreg:$0x1];
	p0 =	sne.s32 s2, $0x0  }
0x84: {  	s3 =	rddreg [dreg:$0x2];
	[bflag:$0x3] =	sbarrier.arrive $0xFFFF;
	s2 =	simm.s32 @!p0 $0x1C08  }
0x85: {  	[timem:s3], [sflag:s2] =	dma.local @!p0 [hbm:s0], s1  }
0x86: {  	s0 =	simm.s32 @!p0 $0x8  }
0x87: {  	_ =	swait.ge @!p0 [sflag:s0], s1  }
0x88: {  	s1 =	ssub.s32 @!p0 $0x0, s1;
	[sflag:s0] =	ssyncset.done @!p0 $0x0  }
0x89: {  	[sflag:s0] =	ssyncadd.s32 @!p0 s1  }
0x8a: {  	[bflag:$0x3] =	sbarrier.arrive $0xFFFF  }
0x8b: {  	_ =	shalt  }

</sc_bundles>
